<compile_context>
chip_gen: v7x
topology: tpu7x:2x2x1
jax: 0.10.2.dev20260603
libtpu: 0.0.44.dev20260713+nightly
codegen_flags: <defaults>
</compile_context>

<pallas_src>
import functools

import jax
import jax.numpy as jnp
from jax import lax
from jax.experimental import pallas as pl
from jax.experimental.pallas import tpu as pltpu
from jax.experimental.pallas import tpu_sc as plsc

_NC = 2
_NS = 16
_NW = _NC * _NS
_LANES = 16


def _sc_trig_pool(trig_idx_t, trigram_table, B, S, T, E):
    assert B % (2 * _NW) == 0
    spw = B // _NW
    tph = T // 2
    rph = tph * S
    ch = 128
    assert rph % ch == 0 and ch % 8 == 0
    nch = rph // ch
    ej = E // _LANES

    mesh = plsc.VectorSubcoreMesh(core_axis_name="c", subcore_axis_name="s")

    @functools.partial(
        pl.kernel,
        out_type=jax.ShapeDtypeStruct((B * T, E), jnp.float32),
        mesh=mesh,
        compiler_params=pltpu.CompilerParams(use_tc_tiling_on_sc=False),
        scratch_types=[
            pltpu.VMEM((2, rph), jnp.int32),
            pltpu.VMEM((2, rph, E), jnp.float32),
            pltpu.VMEM((T, E), jnp.float32),
            pltpu.SemaphoreType.DMA,
            pltpu.SemaphoreType.DMA,
            pltpu.SemaphoreType.DMA,
            pltpu.SemaphoreType.DMA,
        ],
    )
    def pool(ti_hbm, tt_hbm, tout_hbm, idx_v, buf, featv, gsem0, gsem1,
             isem0, isem1):
        wid = lax.axis_index("s") * _NC + lax.axis_index("c")
        base_b = wid * spw
        gsems = (gsem0, gsem1)
        isems = (isem0, isem1)
        rps = T * S

        def start_idx(i, half, hb):
            start = (base_b + i) * rps + half * rph
            pltpu.async_copy(ti_hbm.at[pl.ds(start, rph)], idx_v.at[hb],
                             isems[hb])

        def fire_half(hb):
            pltpu.make_async_copy(
                ti_hbm.at[pl.ds(0, rph)], idx_v.at[hb], isems[hb]).wait()
            for k in range(nch):
                pltpu.async_copy(
                    tt_hbm.at[idx_v.at[hb, pl.ds(k * ch, ch)]],
                    buf.at[hb, pl.ds(k * ch, ch)], gsems[hb])

        def wait_half(hb):
            pltpu.make_async_copy(
                tt_hbm.at[pl.ds(0, rph)], buf.at[hb], gsems[hb]).wait()

        def accum_half(half, hb):
            def tbody(tt, c):
                accs = [jnp.zeros((_LANES,), jnp.float32) for _ in range(ej)]
                for s in range(S):
                    for j in range(ej):
                        accs[j] = accs[j] + buf[hb, tt * S + s,
                                                pl.ds(j * _LANES, _LANES)]
                for j in range(ej):
                    featv[half * tph + tt, pl.ds(j * _LANES, _LANES)] = (
                        accs[j] * (1.0 / S))
                return c

            lax.fori_loop(0, tph, tbody, 0)

        start_idx(0, 0, 0)
        fire_half(0)
        start_idx(0, 1, 1)

        def sample_body(i, carry):
            b = base_b + i
            nxt = jnp.minimum(i + 1, spw - 1)
            fire_half(1)
            wait_half(0)
            accum_half(0, 0)
            start_idx(nxt, 0, 0)
            fire_half(0)
            wait_half(1)
            accum_half(1, 1)
            start_idx(nxt, 1, 1)
            pltpu.sync_copy(featv, tout_hbm.at[pl.ds(b * T, T)])
            return carry

        lax.fori_loop(0, spw, sample_body, 0)
        wait_half(0)
        pltpu.make_async_copy(
            ti_hbm.at[pl.ds(0, rph)], idx_v.at[1], isem1).wait()

    return pool(trig_idx_t, trigram_table)


def _sc_rate_pool(rate_idx, rate_table, B, E, L):
    assert B % (2 * _NW) == 0
    spw = B // _NW
    ej = E // _LANES
    rchunks = []
    off = 0
    while off < L:
        n = min(128, L - off)
        if L - off > 128:
            n -= n % 8
        rchunks.append((off, n))
        off += n

    mesh = plsc.VectorSubcoreMesh(core_axis_name="c", subcore_axis_name="s")

    @functools.partial(
        pl.kernel,
        out_type=jax.ShapeDtypeStruct((B, E), jnp.float32),
        mesh=mesh,
        compiler_params=pltpu.CompilerParams(use_tc_tiling_on_sc=False),
        scratch_types=[
            pltpu.VMEM((2, L), jnp.int32),
            pltpu.VMEM((2, L, E), jnp.float32),
            pltpu.VMEM((1, E), jnp.float32),
            pltpu.SemaphoreType.DMA,
            pltpu.SemaphoreType.DMA,
        ],
    )
    def pool(ri_hbm, rt_hbm, rout_hbm, ridx_v, rbuf, ratev, rsem0, rsem1):
        wid = lax.axis_index("s") * _NC + lax.axis_index("c")
        base_b = wid * spw
        rsems = (rsem0, rsem1)

        def fire_rate(i, rb):
            start = (base_b + i) * L
            pltpu.sync_copy(ri_hbm.at[pl.ds(start, L)], ridx_v.at[rb])
            for (o, n) in rchunks:
                pltpu.async_copy(
                    rt_hbm.at[ridx_v.at[rb, pl.ds(o, n)]],
                    rbuf.at[rb, pl.ds(o, n)], rsems[rb])

        def wait_rate(rb):
            pltpu.make_async_copy(
                rt_hbm.at[pl.ds(0, L)], rbuf.at[rb], rsems[rb]).wait()

        def accum_rate(rb):
            def rbody(s, accs):
                return tuple(
                    accs[j] + rbuf[rb, s, pl.ds(j * _LANES, _LANES)]
                    for j in range(ej))

            raccs = lax.fori_loop(
                0, L, rbody,
                tuple(jnp.zeros((_LANES,), jnp.float32) for _ in range(ej)))
            for j in range(ej):
                ratev[0, pl.ds(j * _LANES, _LANES)] = raccs[j] * (1.0 / L)

        fire_rate(0, 0)

        def pair_body(g, carry):
            for p in range(2):
                i = g * 2 + p
                b = base_b + i
                nxt = jnp.minimum(i + 1, spw - 1)
                fire_rate(nxt, 1 - p)
                wait_rate(p)
                accum_rate(p)
                pltpu.sync_copy(ratev, rout_hbm.at[pl.ds(b, 1)])
            return carry

        lax.fori_loop(0, spw // 2, pair_body, 0)
        wait_rate(0)

    return pool(rate_idx, rate_table)


def _mlp(trig_feat, rate_feat, W1, b1, W2, b2, W3, b3, B, T, E, H, C):
    blk = 256
    assert B % blk == 0

    def body(tf_ref, rf_ref, w1_ref, b1_ref, w2a_ref, w2b_ref, b2_ref,
             w3_ref, b3_ref, o_ref):
        x = tf_ref[...]
        h1 = jnp.dot(x, w1_ref[...], preferred_element_type=jnp.float32)
        h1 = jnp.maximum(h1 + b1_ref[...], 0.0)
        h2 = (jnp.dot(rf_ref[...], w2a_ref[...],
                      preferred_element_type=jnp.float32)
              + jnp.dot(h1, w2b_ref[...], preferred_element_type=jnp.float32))
        h2 = jnp.maximum(h2 + b2_ref[...], 0.0)
        o_ref[...] = (jnp.dot(h2, w3_ref[...],
                              preferred_element_type=jnp.float32)
                      + b3_ref[...])

    grid = (B // blk,)
    full = lambda shape: pl.BlockSpec(shape, lambda i: (0,) * len(shape))
    return pl.pallas_call(
        body,
        grid=grid,
        in_specs=[
            pl.BlockSpec((blk, T * E), lambda i: (i, 0)),
            pl.BlockSpec((blk, E), lambda i: (i, 0)),
            full((T * E, T)),
            full((1, T)),
            full((E, H)),
            full((T, H)),
            full((1, H)),
            full((H, C)),
            full((1, C)),
        ],
        out_specs=pl.BlockSpec((blk, C), lambda i: (i, 0)),
        out_shape=jax.ShapeDtypeStruct((B, C), jnp.float32),
    )(trig_feat, rate_feat, W1, b1.reshape(1, T), W2[:E], W2[E:],
      b2.reshape(1, H), W3, b3.reshape(1, C))


def kernel(usr_trigram, usr_interacted_rates, trigram_table, rate_table,
           W1, b1, W2, b2, W3, b3):
    B, S, T = usr_trigram.shape
    L = usr_interacted_rates.shape[1]
    E = trigram_table.shape[1]
    H = b2.shape[0]
    C = b3.shape[0]

    trig_idx_t = usr_trigram.transpose(0, 2, 1).reshape(B * T * S)
    rate_idx = usr_interacted_rates.reshape(B * L)
    rate_feat = _sc_rate_pool(rate_idx, rate_table, B, E, L)
    trig_feat = _sc_trig_pool(trig_idx_t, trigram_table, B, S, T, E)
    trig_feat = trig_feat.reshape(B, T * E)
    return _mlp(trig_feat, rate_feat, W1, b1, W2, b2, W3, b3, B, T, E, H, C)

# --- scband reference (transcript-rebuilt; emitter-appended) ---
"""Pipeline reference for scband-trigram-text-score-model-48911087567254 (READ-ONLY COPY).

The authoritative reference and input builder live on the scoring server;
editing this copy changes nothing except your own understanding.
"""

import jax, jax.numpy as jnp
import numpy as np

V = 1000000
E = 64      # EMBEDDING_DIM == HIDDEN_DIM (required by fc2 shape constraint)
T = 64      # TRIGRAM_DIM
H = 64      # HIDDEN_DIM
C = 2       # NUM_CLASSES
B = 1024
S = 20      # trigram sequence length
L = 200     # interacted-rates history length


def setup_inputs(seed: int = 0) -> dict:
    key = jax.random.key(seed)
    ks = jax.random.split(key, 10)
    usr_trigram = jax.random.randint(ks[0], (B, S, T), 0, V, dtype=jnp.int32)
    usr_interacted_rates = jax.random.randint(ks[1], (B, L), 0, V, dtype=jnp.int32)
    trigram_table = jax.random.normal(ks[2], (V, E), dtype=jnp.float32)
    rate_table = jax.random.normal(ks[3], (V, E), dtype=jnp.float32)
    W1 = jax.random.normal(ks[4], (T * E, T), dtype=jnp.float32) * 0.02
    b1 = jnp.zeros((T,), dtype=jnp.float32)
    W2 = jax.random.normal(ks[5], (T + H, H), dtype=jnp.float32) * 0.02
    b2 = jnp.zeros((H,), dtype=jnp.float32)
    W3 = jax.random.normal(ks[6], (H, C), dtype=jnp.float32) * 0.02
    b3 = jnp.zeros((C,), dtype=jnp.float32)
    return {
        "usr_trigram": usr_trigram,
        "usr_interacted_rates": usr_interacted_rates,
        "trigram_table": trigram_table,
        "rate_table": rate_table,
        "W1": W1, "b1": b1,
        "W2": W2, "b2": b2,
        "W3": W3, "b3": b3,
    }


def reference(usr_trigram, usr_interacted_rates, trigram_table, rate_table, W1, b1, W2, b2, W3, b3):
    # trigram embedding lookup: [B, S, T] -> [B, S, T, E]
    trigram_embeds = jnp.take(trigram_table, usr_trigram, axis=0)
    # interacted-rate embedding lookup: [B, L] -> [B, L, E]
    interacted_rate_embeds = jnp.take(rate_table, usr_interacted_rates, axis=0)
    interacted_rate_features = interacted_rate_embeds.mean(axis=1)  # [B, E]
    # trigram_embeds.dim() == 4, no unsqueeze needed
    batch_size, seq_len = trigram_embeds.shape[0], trigram_embeds.shape[1]
    trigrams_features = trigram_embeds.reshape(batch_size, seq_len, -1).mean(axis=1)  # [B, T*E]
    trigrams_features = jax.nn.relu(trigrams_features @ W1 + b1)  # [B, T]
    combined_features = jnp.concatenate([interacted_rate_features, trigrams_features], axis=-1)  # [B, E+T]
    hidden = jax.nn.relu(combined_features @ W2 + b2)  # [B, H]
    output = hidden @ W3 + b3  # [B, C]
    return output

if __name__ == "__main__":
    import jax
    _d = setup_inputs()
    print(jax.jit(kernel)(*tuple(_d.values())))

</pallas_src>

<mosaic_0001>
#map = affine_map<(d0, d1) -> (0)>
#map1 = affine_map<(d0, d1) -> (0, 0)>
module attributes {stable_mosaic.version = 14 : i64} {
  func.func @pool(%arg0: i32, %arg1: i32, %arg2: memref<1310720xi32, #tpu.memory_space<hbm>>, %arg3: memref<1000000x64xf32, #tpu.memory_space<hbm>>, %arg4: memref<65536x64xf32, #tpu.memory_space<hbm>>, %arg5: memref<2x640xi32, #tpu.memory_space<vmem>>, %arg6: memref<2x640x64xf32, #tpu.memory_space<vmem>>, %arg7: memref<64x64xf32, #tpu.memory_space<vmem>>, %arg8: memref<!tpu.dma_semaphore, #tpu.memory_space<semaphore_mem>>, %arg9: memref<!tpu.dma_semaphore, #tpu.memory_space<semaphore_mem>>, %arg10: memref<!tpu.dma_semaphore, #tpu.memory_space<semaphore_mem>>, %arg11: memref<!tpu.dma_semaphore, #tpu.memory_space<semaphore_mem>>) attributes {dimension_semantics = [#tpu.dimension_semantics<core_parallel>, #tpu.dimension_semantics<subcore_parallel>], iteration_bounds = array<i64: 2, 16>, scalar_prefetch = 0 : i64, scratch_operands = 7 : i64, tpu.core_type = #tpu.core_type<sc_vector_subcore>, window_params = [{transform_indices = #map}, {transform_indices = #map1}, {transform_indices = #map1}]} {
    %mul3A = arith.constant 2 : i32
    %mul3A_0 = arith.muli %arg1, %mul3A : i32
    %add3A = arith.addi %mul3A_0, %arg0 : i32
    %mul3A_1 = arith.constant 32 : i32
    %mul3A_2 = arith.muli %add3A, %mul3A_1 : i32
    %add3A_3 = arith.constant 0 : i32
    %add3A_4 = arith.addi %mul3A_2, %add3A_3 : i32
    %mul3A_5 = arith.constant 1280 : i32
    %mul3A_6 = arith.muli %add3A_4, %mul3A_5 : i32
    %add3A_7 = arith.constant 0 : i32
    %add3A_8 = arith.addi %mul3A_6, %add3A_7 : i32
    %dma_start3A = arith.constant 0 : i32
    %dma_start3A_9 = arith.constant 0 : i32
    %dma_start3A_10 = tpu.memref_slice %arg5[%dma_start3A, %dma_start3A_9] : memref<2x640xi32, #tpu.memory_space<vmem>> -> memref<1x640xi32, #tpu.memory_space<vmem>>
    %dma_start3A_11 = tpu.memref_squeeze %dma_start3A_10 : memref<1x640xi32, #tpu.memory_space<vmem>> -> memref<640xi32, #tpu.memory_space<vmem>>
    %dma_start3A_12 = tpu.memref_slice %arg2[%add3A_8] : memref<1310720xi32, #tpu.memory_space<hbm>> -> memref<640xi32, #tpu.memory_space<hbm>>
    %dma_start3A_13 = arith.constant 0 : i32
    %dma_start3A_14 = tpu.memref_slice %arg5[%dma_start3A, %dma_start3A_13] : memref<2x640xi32, #tpu.memory_space<vmem>> -> memref<1x640xi32, #tpu.memory_space<vmem>>
    %dma_start3A_15 = tpu.memref_squeeze %dma_start3A_14 : memref<1x640xi32, #tpu.memory_space<vmem>> -> memref<640xi32, #tpu.memory_space<vmem>>
    %dma_start3A_16 = tpu.memref_slice %arg2[%add3A_8] : memref<1310720xi32, #tpu.memory_space<hbm>> -> memref<640xi32, #tpu.memory_space<hbm>>
    tpu.enqueue_dma source(%dma_start3A_16 : memref<640xi32, #tpu.memory_space<hbm>>) target(%dma_start3A_15 : memref<640xi32, #tpu.memory_space<vmem>>) target_semaphore(%arg10 : memref<!tpu.dma_semaphore, #tpu.memory_space<semaphore_mem>>)
    %dma_wait3A = arith.constant 0 : i32
    %dma_wait3A_17 = arith.constant 0 : i32
    %dma_wait3A_18 = tpu.memref_slice %arg5[%dma_wait3A, %dma_wait3A_17] : memref<2x640xi32, #tpu.memory_space<vmem>> -> memref<1x640xi32, #tpu.memory_space<vmem>>
    %dma_wait3A_19 = tpu.memref_squeeze %dma_wait3A_18 : memref<1x640xi32, #tpu.memory_space<vmem>> -> memref<640xi32, #tpu.memory_space<vmem>>
    %dma_wait3A_20 = arith.constant 0 : i32
    %dma_wait3A_21 = tpu.memref_slice %arg2[%dma_wait3A_20] : memref<1310720xi32, #tpu.memory_space<hbm>> -> memref<640xi32, #tpu.memory_space<hbm>>
    %dma_wait3A_22 = arith.constant 0 : i32
    %dma_wait3A_23 = tpu.memref_slice %arg5[%dma_wait3A, %dma_wait3A_22] : memref<2x640xi32, #tpu.memory_space<vmem>> -> memref<1x640xi32, #tpu.memory_space<vmem>>
    %dma_wait3A_24 = tpu.memref_squeeze %dma_wait3A_23 : memref<1x640xi32, #tpu.memory_space<vmem>> -> memref<640xi32, #tpu.memory_space<vmem>>
    %dma_wait3A_25 = arith.constant 0 : i32
    %dma_wait3A_26 = tpu.memref_slice %arg2[%dma_wait3A_25] : memref<1310720xi32, #tpu.memory_space<hbm>> -> memref<640xi32, #tpu.memory_space<hbm>>
    tpu.wait_dma2 semaphore(%arg10 : memref<!tpu.dma_semaphore, #tpu.memory_space<semaphore_mem>>) src(%dma_wait3A_26 : memref<640xi32, #tpu.memory_space<hbm>>) dst(%dma_wait3A_24 : memref<640xi32, #tpu.memory_space<vmem>>)
    %dma_start3A_27 = arith.constant 0 : i32
    %dma_start3A_28 = arith.constant 0 : i32
    %dma_start3A_29 = arith.constant 0 : i32
    %dma_start3A_30 = arith.constant 0 : i32
    %dma_start3A_31 = tpu.memref_slice %arg6[%dma_start3A_28, %dma_start3A_29, %dma_start3A_30] : memref<2x640x64xf32, #tpu.memory_space<vmem>> -> memref<1x128x64xf32, #tpu.memory_space<vmem>>
    %dma_start3A_32 = tpu.memref_squeeze %dma_start3A_31 : memref<1x128x64xf32, #tpu.memory_space<vmem>> -> memref<128x64xf32, #tpu.memory_space<vmem>>
    %dma_start3A_33 = arith.constant 0 : i32
    %dma_start3A_34 = tpu.memref_slice %arg5[%dma_start3A_27, %dma_start3A_33] : memref<2x640xi32, #tpu.memory_space<vmem>> -> memref<1x128xi32, #tpu.memory_space<vmem>>
    %dma_start3A_35 = tpu.memref_squeeze %dma_start3A_34 : memref<1x128xi32, #tpu.memory_space<vmem>> -> memref<128xi32, #tpu.memory_space<vmem>>
    %dma_start3A_36 = arith.constant 0 : i32
    %dma_start3A_37 = arith.constant 0 : i32
    %dma_start3A_38 = tpu.memref_slice %arg3[%dma_start3A_36, %dma_start3A_37] : memref<1000000x64xf32, #tpu.memory_space<hbm>> -> memref<1000000x64xf32, #tpu.memory_space<hbm>>
    tpu.enqueue_indirect_dma source(%dma_start3A_38 : memref<1000000x64xf32, #tpu.memory_space<hbm>>) target(%dma_start3A_32 : memref<128x64xf32, #tpu.memory_space<vmem>>) offsets(%dma_start3A_35 : memref<128xi32, #tpu.memory_space<vmem>>) semaphore(%arg8 : memref<!tpu.dma_semaphore, #tpu.memory_space<semaphore_mem>>)
    %dma_start3A_39 = arith.constant 0 : i32
    %dma_start3A_40 = arith.constant 0 : i32
    %dma_start3A_41 = arith.constant 128 : i32
    %dma_start3A_42 = arith.constant 0 : i32
    %dma_start3A_43 = tpu.memref_slice %arg6[%dma_start3A_40, %dma_start3A_41, %dma_start3A_42] : memref<2x640x64xf32, #tpu.memory_space<vmem>> -> memref<1x128x64xf32, #tpu.memory_space<vmem>>
    %dma_start3A_44 = tpu.memref_squeeze %dma_start3A_43 : memref<1x128x64xf32, #tpu.memory_space<vmem>> -> memref<128x64xf32, #tpu.memory_space<vmem>>
    %dma_start3A_45 = arith.constant 128 : i32
    %dma_start3A_46 = tpu.memref_slice %arg5[%dma_start3A_39, %dma_start3A_45] : memref<2x640xi32, #tpu.memory_space<vmem>> -> memref<1x128xi32, #tpu.memory_space<vmem>>
    %dma_start3A_47 = tpu.memref_squeeze %dma_start3A_46 : memref<1x128xi32, #tpu.memory_space<vmem>> -> memref<128xi32, #tpu.memory_space<vmem>>
    %dma_start3A_48 = arith.constant 0 : i32
    %dma_start3A_49 = arith.constant 0 : i32
    %dma_start3A_50 = tpu.memref_slice %arg3[%dma_start3A_48, %dma_start3A_49] : memref<1000000x64xf32, #tpu.memory_space<hbm>> -> memref<1000000x64xf32, #tpu.memory_space<hbm>>
    tpu.enqueue_indirect_dma source(%dma_start3A_50 : memref<1000000x64xf32, #tpu.memory_space<hbm>>) target(%dma_start3A_44 : memref<128x64xf32, #tpu.memory_space<vmem>>) offsets(%dma_start3A_47 : memref<128xi32, #tpu.memory_space<vmem>>) semaphore(%arg8 : memref<!tpu.dma_semaphore, #tpu.memory_space<semaphore_mem>>)
    %dma_start3A_51 = arith.constant 0 : i32
    %dma_start3A_52 = arith.constant 0 : i32
    %dma_start3A_53 = arith.constant 256 : i32
    %dma_start3A_54 = arith.constant 0 : i32
    %dma_start3A_55 = tpu.memref_slice %arg6[%dma_start3A_52, %dma_start3A_53, %dma_start3A_54] : memref<2x640x64xf32, #tpu.memory_space<vmem>> -> memref<1x128x64xf32, #tpu.memory_space<vmem>>
    %dma_start3A_56 = tpu.memref_squeeze %dma_start3A_55 : memref<1x128x64xf32, #tpu.memory_space<vmem>> -> memref<128x64xf32, #tpu.memory_space<vmem>>
    %dma_start3A_57 = arith.constant 256 : i32
    %dma_start3A_58 = tpu.memref_slice %arg5[%dma_start3A_51, %dma_start3A_57] : memref<2x640xi32, #tpu.memory_space<vmem>> -> memref<1x128xi32, #tpu.memory_space<vmem>>
    %dma_start3A_59 = tpu.memref_squeeze %dma_start3A_58 : memref<1x128xi32, #tpu.memory_space<vmem>> -> memref<128xi32, #tpu.memory_space<vmem>>
    %dma_start3A_60 = arith.constant 0 : i32
    %dma_start3A_61 = arith.constant 0 : i32
    %dma_start3A_62 = tpu.memref_slice %arg3[%dma_start3A_60, %dma_start3A_61] : memref<1000000x64xf32, #tpu.memory_space<hbm>> -> memref<1000000x64xf32, #tpu.memory_space<hbm>>
    tpu.enqueue_indirect_dma source(%dma_start3A_62 : memref<1000000x64xf32, #tpu.memory_space<hbm>>) target(%dma_start3A_56 : memref<128x64xf32, #tpu.memory_space<vmem>>) offsets(%dma_start3A_59 : memref<128xi32, #tpu.memory_space<vmem>>) semaphore(%arg8 : memref<!tpu.dma_semaphore, #tpu.memory_space<semaphore_mem>>)
    %dma_start3A_63 = arith.constant 0 : i32
    %dma_start3A_64 = arith.constant 0 : i32
    %dma_start3A_65 = arith.constant 384 : i32
    %dma_start3A_66 = arith.constant 0 : i32
    %dma_start3A_67 = tpu.memref_slice %arg6[%dma_start3A_64, %dma_start3A_65, %dma_start3A_66] : memref<2x640x64xf32, #tpu.memory_space<vmem>> -> memref<1x128x64xf32, #tpu.memory_space<vmem>>
    %dma_start3A_68 = tpu.memref_squeeze %dma_start3A_67 : memref<1x128x64xf32, #tpu.memory_space<vmem>> -> memref<128x64xf32, #tpu.memory_space<vmem>>
    %dma_start3A_69 = arith.constant 384 : i32
    %dma_start3A_70 = tpu.memref_slice %arg5[%dma_start3A_63, %dma_start3A_69] : memref<2x640xi32, #tpu.memory_space<vmem>> -> memref<1x128xi32, #tpu.memory_space<vmem>>
    %dma_start3A_71 = tpu.memref_squeeze %dma_start3A_70 : memref<1x128xi32, #tpu.memory_space<vmem>> -> memref<128xi32, #tpu.memory_space<vmem>>
    %dma_start3A_72 = arith.constant 0 : i32
    %dma_start3A_73 = arith.constant 0 : i32
    %dma_start3A_74 = tpu.memref_slice %arg3[%dma_start3A_72, %dma_start3A_73] : memref<1000000x64xf32, #tpu.memory_space<hbm>> -> memref<1000000x64xf32, #tpu.memory_space<hbm>>
    tpu.enqueue_indirect_dma source(%dma_start3A_74 : memref<1000000x64xf32, #tpu.memory_space<hbm>>) target(%dma_start3A_68 : memref<128x64xf32, #tpu.memory_space<vmem>>) offsets(%dma_start3A_71 : memref<128xi32, #tpu.memory_space<vmem>>) semaphore(%arg8 : memref<!tpu.dma_semaphore, #tpu.memory_space<semaphore_mem>>)
    %dma_start3A_75 = arith.constant 0 : i32
    %dma_start3A_76 = arith.constant 0 : i32
    %dma_start3A_77 = arith.constant 512 : i32
    %dma_start3A_78 = arith.constant 0 : i32
    %dma_start3A_79 = tpu.memref_slice %arg6[%dma_start3A_76, %dma_start3A_77, %dma_start3A_78] : memref<2x640x64xf32, #tpu.memory_space<vmem>> -> memref<1x128x64xf32, #tpu.memory_space<vmem>>
    %dma_start3A_80 = tpu.memref_squeeze %dma_start3A_79 : memref<1x128x64xf32, #tpu.memory_space<vmem>> -> memref<128x64xf32, #tpu.memory_space<vmem>>
    %dma_start3A_81 = arith.constant 512 : i32
    %dma_start3A_82 = tpu.memref_slice %arg5[%dma_start3A_75, %dma_start3A_81] : memref<2x640xi32, #tpu.memory_space<vmem>> -> memref<1x128xi32, #tpu.memory_space<vmem>>
    %dma_start3A_83 = tpu.memref_squeeze %dma_start3A_82 : memref<1x128xi32, #tpu.memory_space<vmem>> -> memref<128xi32, #tpu.memory_space<vmem>>
    %dma_start3A_84 = arith.constant 0 : i32
    %dma_start3A_85 = arith.constant 0 : i32
    %dma_start3A_86 = tpu.memref_slice %arg3[%dma_start3A_84, %dma_start3A_85] : memref<1000000x64xf32, #tpu.memory_space<hbm>> -> memref<1000000x64xf32, #tpu.memory_space<hbm>>
    tpu.enqueue_indirect_dma source(%dma_start3A_86 : memref<1000000x64xf32, #tpu.memory_space<hbm>>) target(%dma_start3A_80 : memref<128x64xf32, #tpu.memory_space<vmem>>) offsets(%dma_start3A_83 : memref<128xi32, #tpu.memory_space<vmem>>) semaphore(%arg8 : memref<!tpu.dma_semaphore, #tpu.memory_space<semaphore_mem>>)
    %add3A_87 = arith.constant 0 : i32
    %add3A_88 = arith.addi %mul3A_2, %add3A_87 : i32
    %mul3A_89 = arith.constant 1280 : i32
    %mul3A_90 = arith.muli %add3A_88, %mul3A_89 : i32
    %add3A_91 = arith.constant 640 : i32
    %add3A_92 = arith.addi %mul3A_90, %add3A_91 : i32
    %dma_start3A_93 = arith.constant 1 : i32
    %dma_start3A_94 = arith.constant 0 : i32
    %dma_start3A_95 = tpu.memref_slice %arg5[%dma_start3A_93, %dma_start3A_94] : memref<2x640xi32, #tpu.memory_space<vmem>> -> memref<1x640xi32, #tpu.memory_space<vmem>>
    %dma_start3A_96 = tpu.memref_squeeze %dma_start3A_95 : memref<1x640xi32, #tpu.memory_space<vmem>> -> memref<640xi32, #tpu.memory_space<vmem>>
    %dma_start3A_97 = tpu.memref_slice %arg2[%add3A_92] : memref<1310720xi32, #tpu.memory_space<hbm>> -> memref<640xi32, #tpu.memory_space<hbm>>
    %dma_start3A_98 = arith.constant 0 : i32
    %dma_start3A_99 = tpu.memref_slice %arg5[%dma_start3A_93, %dma_start3A_98] : memref<2x640xi32, #tpu.memory_space<vmem>> -> memref<1x640xi32, #tpu.memory_space<vmem>>
    %dma_start3A_100 = tpu.memref_squeeze %dma_start3A_99 : memref<1x640xi32, #tpu.memory_space<vmem>> -> memref<640xi32, #tpu.memory_space<vmem>>
    %dma_start3A_101 = tpu.memref_slice %arg2[%add3A_92] : memref<1310720xi32, #tpu.memory_space<hbm>> -> memref<640xi32, #tpu.memory_space<hbm>>
    tpu.enqueue_dma source(%dma_start3A_101 : memref<640xi32, #tpu.memory_space<hbm>>) target(%dma_start3A_100 : memref<640xi32, #tpu.memory_space<vmem>>) target_semaphore(%arg11 : memref<!tpu.dma_semaphore, #tpu.memory_space<semaphore_mem>>)
    %scan3A = arith.constant 0 : i32
    %scan3A_102 = arith.constant 0 : i32
    %scan3A_103 = arith.constant 32 : i32
    %scan3A_104 = arith.addi %scan3A_102, %scan3A_103 : i32
    %scan3A_105 = arith.constant 1 : i32
    scf.for %scan3A_133 = %scan3A_102 to %scan3A_104 step %scan3A_105  : i32 {
      %add3A_134 = arith.addi %mul3A_2, %scan3A_133 : i32
      %add3A_135 = arith.constant 1 : i32
      %add3A_136 = arith.addi %scan3A_133, %add3A_135 : i32
      %min3A = arith.constant 31 : i32
      %min3A_137 = arith.minsi %add3A_136, %min3A : i32
      %dma_wait3A_138 = arith.constant 1 : i32
      %dma_wait3A_139 = arith.constant 0 : i32
      %dma_wait3A_140 = tpu.memref_slice %arg5[%dma_wait3A_138, %dma_wait3A_139] : memref<2x640xi32, #tpu.memory_space<vmem>> -> memref<1x640xi32, #tpu.memory_space<vmem>>
      %dma_wait3A_141 = tpu.memref_squeeze %dma_wait3A_140 : memref<1x640xi32, #tpu.memory_space<vmem>> -> memref<640xi32, #tpu.memory_space<vmem>>
      %dma_wait3A_142 = arith.constant 0 : i32
      %dma_wait3A_143 = tpu.memref_slice %arg2[%dma_wait3A_142] : memref<1310720xi32, #tpu.memory_space<hbm>> -> memref<640xi32, #tpu.memory_space<hbm>>
      %dma_wait3A_144 = arith.constant 0 : i32
      %dma_wait3A_145 = tpu.memref_slice %arg5[%dma_wait3A_138, %dma_wait3A_144] : memref<2x640xi32, #tpu.memory_space<vmem>> -> memref<1x640xi32, #tpu.memory_space<vmem>>
      %dma_wait3A_146 = tpu.memref_squeeze %dma_wait3A_145 : memref<1x640xi32, #tpu.memory_space<vmem>> -> memref<640xi32, #tpu.memory_space<vmem>>
      %dma_wait3A_147 = arith.constant 0 : i32
      %dma_wait3A_148 = tpu.memref_slice %arg2[%dma_wait3A_147] : memref<1310720xi32, #tpu.memory_space<hbm>> -> memref<640xi32, #tpu.memory_space<hbm>>
      tpu.wait_dma2 semaphore(%arg11 : memref<!tpu.dma_semaphore, #tpu.memory_space<semaphore_mem>>) src(%dma_wait3A_148 : memref<640xi32, #tpu.memory_space<hbm>>) dst(%dma_wait3A_146 : memref<640xi32, #tpu.memory_space<vmem>>)
      %dma_start3A_149 = arith.constant 1 : i32
      %dma_start3A_150 = arith.constant 1 : i32
      %dma_start3A_151 = arith.constant 0 : i32
      %dma_start3A_152 = arith.constant 0 : i32
      %dma_start3A_153 = tpu.memref_slice %arg6[%dma_start3A_150, %dma_start3A_151, %dma_start3A_152] : memref<2x640x64xf32, #tpu.memory_space<vmem>> -> memref<1x128x64xf32, #tpu.memory_space<vmem>>
      %dma_start3A_154 = tpu.memref_squeeze %dma_start3A_153 : memref<1x128x64xf32, #tpu.memory_space<vmem>> -> memref<128x64xf32, #tpu.memory_space<vmem>>
      %dma_start3A_155 = arith.constant 0 : i32
      %dma_start3A_156 = tpu.memref_slice %arg5[%dma_start3A_149, %dma_start3A_155] : memref<2x640xi32, #tpu.memory_space<vmem>> -> memref<1x128xi32, #tpu.memory_space<vmem>>
      %dma_start3A_157 = tpu.memref_squeeze %dma_start3A_156 : memref<1x128xi32, #tpu.memory_space<vmem>> -> memref<128xi32, #tpu.memory_space<vmem>>
      %dma_start3A_158 = arith.constant 0 : i32
      %dma_start3A_159 = arith.constant 0 : i32
      %dma_start3A_160 = tpu.memref_slice %arg3[%dma_start3A_158, %dma_start3A_159] : memref<1000000x64xf32, #tpu.memory_space<hbm>> -> memref<1000000x64xf32, #tpu.memory_space<hbm>>
      tpu.enqueue_indirect_dma source(%dma_start3A_160 : memref<1000000x64xf32, #tpu.memory_space<hbm>>) target(%dma_start3A_154 : memref<128x64xf32, #tpu.memory_space<vmem>>) offsets(%dma_start3A_157 : memref<128xi32, #tpu.memory_space<vmem>>) semaphore(%arg9 : memref<!tpu.dma_semaphore, #tpu.memory_space<semaphore_mem>>)
      %dma_start3A_161 = arith.constant 1 : i32
      %dma_start3A_162 = arith.constant 1 : i32
      %dma_start3A_163 = arith.constant 128 : i32
      %dma_start3A_164 = arith.constant 0 : i32
      %dma_start3A_165 = tpu.memref_slice %arg6[%dma_start3A_162, %dma_start3A_163, %dma_start3A_164] : memref<2x640x64xf32, #tpu.memory_space<vmem>> -> memref<1x128x64xf32, #tpu.memory_space<vmem>>
      %dma_start3A_166 = tpu.memref_squeeze %dma_start3A_165 : memref<1x128x64xf32, #tpu.memory_space<vmem>> -> memref<128x64xf32, #tpu.memory_space<vmem>>
      %dma_start3A_167 = arith.constant 128 : i32
      %dma_start3A_168 = tpu.memref_slice %arg5[%dma_start3A_161, %dma_start3A_167] : memref<2x640xi32, #tpu.memory_space<vmem>> -> memref<1x128xi32, #tpu.memory_space<vmem>>
      %dma_start3A_169 = tpu.memref_squeeze %dma_start3A_168 : memref<1x128xi32, #tpu.memory_space<vmem>> -> memref<128xi32, #tpu.memory_space<vmem>>
      %dma_start3A_170 = arith.constant 0 : i32
      %dma_start3A_171 = arith.constant 0 : i32
      %dma_start3A_172 = tpu.memref_slice %arg3[%dma_start3A_170, %dma_start3A_171] : memref<1000000x64xf32, #tpu.memory_space<hbm>> -> memref<1000000x64xf32, #tpu.memory_space<hbm>>
      tpu.enqueue_indirect_dma source(%dma_start3A_172 : memref<1000000x64xf32, #tpu.memory_space<hbm>>) target(%dma_start3A_166 : memref<128x64xf32, #tpu.memory_space<vmem>>) offsets(%dma_start3A_169 : memref<128xi32, #tpu.memory_space<vmem>>) semaphore(%arg9 : memref<!tpu.dma_semaphore, #tpu.memory_space<semaphore_mem>>)
      %dma_start3A_173 = arith.constant 1 : i32
      %dma_start3A_174 = arith.constant 1 : i32
      %dma_start3A_175 = arith.constant 256 : i32
      %dma_start3A_176 = arith.constant 0 : i32
      %dma_start3A_177 = tpu.memref_slice %arg6[%dma_start3A_174, %dma_start3A_175, %dma_start3A_176] : memref<2x640x64xf32, #tpu.memory_space<vmem>> -> memref<1x128x64xf32, #tpu.memory_space<vmem>>
      %dma_start3A_178 = tpu.memref_squeeze %dma_start3A_177 : memref<1x128x64xf32, #tpu.memory_space<vmem>> -> memref<128x64xf32, #tpu.memory_space<vmem>>
      %dma_start3A_179 = arith.constant 256 : i32
      %dma_start3A_180 = tpu.memref_slice %arg5[%dma_start3A_173, %dma_start3A_179] : memref<2x640xi32, #tpu.memory_space<vmem>> -> memref<1x128xi32, #tpu.memory_space<vmem>>
      %dma_start3A_181 = tpu.memref_squeeze %dma_start3A_180 : memref<1x128xi32, #tpu.memory_space<vmem>> -> memref<128xi32, #tpu.memory_space<vmem>>
      %dma_start3A_182 = arith.constant 0 : i32
      %dma_start3A_183 = arith.constant 0 : i32
      %dma_start3A_184 = tpu.memref_slice %arg3[%dma_start3A_182, %dma_start3A_183] : memref<1000000x64xf32, #tpu.memory_space<hbm>> -> memref<1000000x64xf32, #tpu.memory_space<hbm>>
      tpu.enqueue_indirect_dma source(%dma_start3A_184 : memref<1000000x64xf32, #tpu.memory_space<hbm>>) target(%dma_start3A_178 : memref<128x64xf32, #tpu.memory_space<vmem>>) offsets(%dma_start3A_181 : memref<128xi32, #tpu.memory_space<vmem>>) semaphore(%arg9 : memref<!tpu.dma_semaphore, #tpu.memory_space<semaphore_mem>>)
      %dma_start3A_185 = arith.constant 1 : i32
      %dma_start3A_186 = arith.constant 1 : i32
      %dma_start3A_187 = arith.constant 384 : i32
      %dma_start3A_188 = arith.constant 0 : i32
      %dma_start3A_189 = tpu.memref_slice %arg6[%dma_start3A_186, %dma_start3A_187, %dma_start3A_188] : memref<2x640x64xf32, #tpu.memory_space<vmem>> -> memref<1x128x64xf32, #tpu.memory_space<vmem>>
      %dma_start3A_190 = tpu.memref_squeeze %dma_start3A_189 : memref<1x128x64xf32, #tpu.memory_space<vmem>> -> memref<128x64xf32, #tpu.memory_space<vmem>>
      %dma_start3A_191 = arith.constant 384 : i32
      %dma_start3A_192 = tpu.memref_slice %arg5[%dma_start3A_185, %dma_start3A_191] : memref<2x640xi32, #tpu.memory_space<vmem>> -> memref<1x128xi32, #tpu.memory_space<vmem>>
      %dma_start3A_193 = tpu.memref_squeeze %dma_start3A_192 : memref<1x128xi32, #tpu.memory_space<vmem>> -> memref<128xi32, #tpu.memory_space<vmem>>
      %dma_start3A_194 = arith.constant 0 : i32
      %dma_start3A_195 = arith.constant 0 : i32
      %dma_start3A_196 = tpu.memref_slice %arg3[%dma_start3A_194, %dma_start3A_195] : memref<1000000x64xf32, #tpu.memory_space<hbm>> -> memref<1000000x64xf32, #tpu.memory_space<hbm>>
      tpu.enqueue_indirect_dma source(%dma_start3A_196 : memref<1000000x64xf32, #tpu.memory_space<hbm>>) target(%dma_start3A_190 : memref<128x64xf32, #tpu.memory_space<vmem>>) offsets(%dma_start3A_193 : memref<128xi32, #tpu.memory_space<vmem>>) semaphore(%arg9 : memref<!tpu.dma_semaphore, #tpu.memory_space<semaphore_mem>>)
      %dma_start3A_197 = arith.constant 1 : i32
      %dma_start3A_198 = arith.constant 1 : i32
      %dma_start3A_199 = arith.constant 512 : i32
      %dma_start3A_200 = arith.constant 0 : i32
      %dma_start3A_201 = tpu.memref_slice %arg6[%dma_start3A_198, %dma_start3A_199, %dma_start3A_200] : memref<2x640x64xf32, #tpu.memory_space<vmem>> -> memref<1x128x64xf32, #tpu.memory_space<vmem>>
      %dma_start3A_202 = tpu.memref_squeeze %dma_start3A_201 : memref<1x128x64xf32, #tpu.memory_space<vmem>> -> memref<128x64xf32, #tpu.memory_space<vmem>>
      %dma_start3A_203 = arith.constant 512 : i32
      %dma_start3A_204 = tpu.memref_slice %arg5[%dma_start3A_197, %dma_start3A_203] : memref<2x640xi32, #tpu.memory_space<vmem>> -> memref<1x128xi32, #tpu.memory_space<vmem>>
      %dma_start3A_205 = tpu.memref_squeeze %dma_start3A_204 : memref<1x128xi32, #tpu.memory_space<vmem>> -> memref<128xi32, #tpu.memory_space<vmem>>
      %dma_start3A_206 = arith.constant 0 : i32
      %dma_start3A_207 = arith.constant 0 : i32
      %dma_start3A_208 = tpu.memref_slice %arg3[%dma_start3A_206, %dma_start3A_207] : memref<1000000x64xf32, #tpu.memory_space<hbm>> -> memref<1000000x64xf32, #tpu.memory_space<hbm>>
      tpu.enqueue_indirect_dma source(%dma_start3A_208 : memref<1000000x64xf32, #tpu.memory_space<hbm>>) target(%dma_start3A_202 : memref<128x64xf32, #tpu.memory_space<vmem>>) offsets(%dma_start3A_205 : memref<128xi32, #tpu.memory_space<vmem>>) semaphore(%arg9 : memref<!tpu.dma_semaphore, #tpu.memory_space<semaphore_mem>>)
      %dma_wait3A_209 = arith.constant 0 : i32
      %dma_wait3A_210 = arith.constant 0 : i32
      %dma_wait3A_211 = arith.constant 0 : i32
      %dma_wait3A_212 = tpu.memref_slice %arg6[%dma_wait3A_209, %dma_wait3A_210, %dma_wait3A_211] : memref<2x640x64xf32, #tpu.memory_space<vmem>> -> memref<1x640x64xf32, #tpu.memory_space<vmem>>
      %dma_wait3A_213 = tpu.memref_squeeze %dma_wait3A_212 : memref<1x640x64xf32, #tpu.memory_space<vmem>> -> memref<640x64xf32, #tpu.memory_space<vmem>>
      %dma_wait3A_214 = arith.constant 0 : i32
      %dma_wait3A_215 = arith.constant 0 : i32
      %dma_wait3A_216 = tpu.memref_slice %arg3[%dma_wait3A_214, %dma_wait3A_215] : memref<1000000x64xf32, #tpu.memory_space<hbm>> -> memref<640x64xf32, #tpu.memory_space<hbm>>
      %dma_wait3A_217 = arith.constant 0 : i32
      %dma_wait3A_218 = arith.constant 0 : i32
      %dma_wait3A_219 = tpu.memref_slice %arg6[%dma_wait3A_209, %dma_wait3A_217, %dma_wait3A_218] : memref<2x640x64xf32, #tpu.memory_space<vmem>> -> memref<1x640x64xf32, #tpu.memory_space<vmem>>
      %dma_wait3A_220 = tpu.memref_squeeze %dma_wait3A_219 : memref<1x640x64xf32, #tpu.memory_space<vmem>> -> memref<640x64xf32, #tpu.memory_space<vmem>>
      %dma_wait3A_221 = arith.constant 0 : i32
      %dma_wait3A_222 = arith.constant 0 : i32
      %dma_wait3A_223 = tpu.memref_slice %arg3[%dma_wait3A_221, %dma_wait3A_222] : memref<1000000x64xf32, #tpu.memory_space<hbm>> -> memref<640x64xf32, #tpu.memory_space<hbm>>
      tpu.wait_dma2 semaphore(%arg8 : memref<!tpu.dma_semaphore, #tpu.memory_space<semaphore_mem>>) src(%dma_wait3A_223 : memref<640x64xf32, #tpu.memory_space<hbm>>) dst(%dma_wait3A_220 : memref<640x64xf32, #tpu.memory_space<vmem>>)
      %scan3A_224 = arith.constant 0 : i32
      %scan3A_225 = arith.constant 0 : i32
      %scan3A_226 = arith.constant 32 : i32
      %scan3A_227 = arith.addi %scan3A_225, %scan3A_226 : i32
      %scan3A_228 = arith.constant 1 : i32
      scf.for %scan3A_352 = %scan3A_225 to %scan3A_227 step %scan3A_228  : i32 {
        %broadcast_in_dim3A = arith.constant 0.000000e+00 : f32
        %broadcast_in_dim3A_353 = vector.broadcast %broadcast_in_dim3A : f32 to vector<16xf32>
        %broadcast_in_dim3A_354 = arith.constant 0.000000e+00 : f32
        %broadcast_in_dim3A_355 = vector.broadcast %broadcast_in_dim3A_354 : f32 to vector<16xf32>
        %broadcast_in_dim3A_356 = arith.constant 0.000000e+00 : f32
        %broadcast_in_dim3A_357 = vector.broadcast %broadcast_in_dim3A_356 : f32 to vector<16xf32>
        %broadcast_in_dim3A_358 = arith.constant 0.000000e+00 : f32
        %broadcast_in_dim3A_359 = vector.broadcast %broadcast_in_dim3A_358 : f32 to vector<16xf32>
        %mul3A_360 = arith.constant 20 : i32
        %mul3A_361 = arith.muli %scan3A_352, %mul3A_360 : i32
        %add3A_362 = arith.constant 0 : i32
        %add3A_363 = arith.addi %mul3A_361, %add3A_362 : i32
        %get3A = arith.constant 0 : i32
        %get3A_364 = arith.index_cast %get3A : i32 to index
        %get3A_365 = arith.index_cast %add3A_363 : i32 to index
        %get3A_366 = arith.constant 0 : index
        %get3A_367 = tpu.vector_load %arg6[%get3A_364, %get3A_365, %get3A_366] {strides = array<i32>} : memref<2x640x64xf32, #tpu.memory_space<vmem>>, vector<1x1x16xf32>,
        %get3A_368 = vector.shape_cast %get3A_367 : vector<1x1x16xf32> to vector<16xf32>
        %add3A_369 = arith.addf %broadcast_in_dim3A_353, %get3A_368 : vector<16xf32>
        %mul3A_370 = arith.constant 20 : i32
        %mul3A_371 = arith.muli %scan3A_352, %mul3A_370 : i32
        %add3A_372 = arith.constant 0 : i32
        %add3A_373 = arith.addi %mul3A_371, %add3A_372 : i32
        %get3A_374 = arith.constant 0 : i32
        %get3A_375 = arith.index_cast %get3A_374 : i32 to index
        %get3A_376 = arith.index_cast %add3A_373 : i32 to index
        %get3A_377 = arith.constant 16 : index
        %get3A_378 = tpu.vector_load %arg6[%get3A_375, %get3A_376, %get3A_377] {strides = array<i32>} : memref<2x640x64xf32, #tpu.memory_space<vmem>>, vector<1x1x16xf32>,
        %get3A_379 = vector.shape_cast %get3A_378 : vector<1x1x16xf32> to vector<16xf32>
        %add3A_380 = arith.addf %broadcast_in_dim3A_355, %get3A_379 : vector<16xf32>
        %mul3A_381 = arith.constant 20 : i32
        %mul3A_382 = arith.muli %scan3A_352, %mul3A_381 : i32
        %add3A_383 = arith.constant 0 : i32
        %add3A_384 = arith.addi %mul3A_382, %add3A_383 : i32
        %get3A_385 = arith.constant 0 : i32
        %get3A_386 = arith.index_cast %get3A_385 : i32 to index
        %get3A_387 = arith.index_cast %add3A_384 : i32 to index
        %get3A_388 = arith.constant 32 : index
        %get3A_389 = tpu.vector_load %arg6[%get3A_386, %get3A_387, %get3A_388] {strides = array<i32>} : memref<2x640x64xf32, #tpu.memory_space<vmem>>, vector<1x1x16xf32>,
        %get3A_390 = vector.shape_cast %get3A_389 : vector<1x1x16xf32> to vector<16xf32>
        %add3A_391 = arith.addf %broadcast_in_dim3A_357, %get3A_390 : vector<16xf32>
        %mul3A_392 = arith.constant 20 : i32
        %mul3A_393 = arith.muli %scan3A_352, %mul3A_392 : i32
        %add3A_394 = arith.constant 0 : i32
        %add3A_395 = arith.addi %mul3A_393, %add3A_394 : i32
        %get3A_396 = arith.constant 0 : i32
        %get3A_397 = arith.index_cast %get3A_396 : i32 to index
        %get3A_398 = arith.index_cast %add3A_395 : i32 to index
        %get3A_399 = arith.constant 48 : index
        %get3A_400 = tpu.vector_load %arg6[%get3A_397, %get3A_398, %get3A_399] {strides = array<i32>} : memref<2x640x64xf32, #tpu.memory_space<vmem>>, vector<1x1x16xf32>,
        %get3A_401 = vector.shape_cast %get3A_400 : vector<1x1x16xf32> to vector<16xf32>
        %add3A_402 = arith.addf %broadcast_in_dim3A_359, %get3A_401 : vector<16xf32>
        %mul3A_403 = arith.constant 20 : i32
        %mul3A_404 = arith.muli %scan3A_352, %mul3A_403 : i32
        %add3A_405 = arith.constant 1 : i32
        %add3A_406 = arith.addi %mul3A_404, %add3A_405 : i32
        %get3A_407 = arith.constant 0 : i32
        %get3A_408 = arith.index_cast %get3A_407 : i32 to index
        %get3A_409 = arith.index_cast %add3A_406 : i32 to index
        %get3A_410 = arith.constant 0 : index
        %get3A_411 = tpu.vector_load %arg6[%get3A_408, %get3A_409, %get3A_410] {strides = array<i32>} : memref<2x640x64xf32, #tpu.memory_space<vmem>>, vector<1x1x16xf32>,
        %get3A_412 = vector.shape_cast %get3A_411 : vector<1x1x16xf32> to vector<16xf32>
        %add3A_413 = arith.addf %add3A_369, %get3A_412 : vector<16xf32>
        %mul3A_414 = arith.constant 20 : i32
        %mul3A_415 = arith.muli %scan3A_352, %mul3A_414 : i32
        %add3A_416 = arith.constant 1 : i32
        %add3A_417 = arith.addi %mul3A_415, %add3A_416 : i32
        %get3A_418 = arith.constant 0 : i32
        %get3A_419 = arith.index_cast %get3A_418 : i32 to index
        %get3A_420 = arith.index_cast %add3A_417 : i32 to index
        %get3A_421 = arith.constant 16 : index
        %get3A_422 = tpu.vector_load %arg6[%get3A_419, %get3A_420, %get3A_421] {strides = array<i32>} : memref<2x640x64xf32, #tpu.memory_space<vmem>>, vector<1x1x16xf32>,
        %get3A_423 = vector.shape_cast %get3A_422 : vector<1x1x16xf32> to vector<16xf32>
        %add3A_424 = arith.addf %add3A_380, %get3A_423 : vector<16xf32>
        %mul3A_425 = arith.constant 20 : i32
        %mul3A_426 = arith.muli %scan3A_352, %mul3A_425 : i32
        %add3A_427 = arith.constant 1 : i32
        %add3A_428 = arith.addi %mul3A_426, %add3A_427 : i32
        %get3A_429 = arith.constant 0 : i32
        %get3A_430 = arith.index_cast %get3A_429 : i32 to index
        %get3A_431 = arith.index_cast %add3A_428 : i32 to index
        %get3A_432 = arith.constant 32 : index
        %get3A_433 = tpu.vector_load %arg6[%get3A_430, %get3A_431, %get3A_432] {strides = array<i32>} : memref<2x640x64xf32, #tpu.memory_space<vmem>>, vector<1x1x16xf32>,
        %get3A_434 = vector.shape_cast %get3A_433 : vector<1x1x16xf32> to vector<16xf32>
        %add3A_435 = arith.addf %add3A_391, %get3A_434 : vector<16xf32>
        %mul3A_436 = arith.constant 20 : i32
        %mul3A_437 = arith.muli %scan3A_352, %mul3A_436 : i32
        %add3A_438 = arith.constant 1 : i32
        %add3A_439 = arith.addi %mul3A_437, %add3A_438 : i32
        %get3A_440 = arith.constant 0 : i32
        %get3A_441 = arith.index_cast %get3A_440 : i32 to index
        %get3A_442 = arith.index_cast %add3A_439 : i32 to index
        %get3A_443 = arith.constant 48 : index
        %get3A_444 = tpu.vector_load %arg6[%get3A_441, %get3A_442, %get3A_443] {strides = array<i32>} : memref<2x640x64xf32, #tpu.memory_space<vmem>>, vector<1x1x16xf32>,
        %get3A_445 = vector.shape_cast %get3A_444 : vector<1x1x16xf32> to vector<16xf32>
        %add3A_446 = arith.addf %add3A_402, %get3A_445 : vector<16xf32>
        %mul3A_447 = arith.constant 20 : i32
        %mul3A_448 = arith.muli %scan3A_352, %mul3A_447 : i32
        %add3A_449 = arith.constant 2 : i32
        %add3A_450 = arith.addi %mul3A_448, %add3A_449 : i32
        %get3A_451 = arith.constant 0 : i32
        %get3A_452 = arith.index_cast %get3A_451 : i32 to index
        %get3A_453 = arith.index_cast %add3A_450 : i32 to index
        %get3A_454 = arith.constant 0 : index
        %get3A_455 = tpu.vector_load %arg6[%get3A_452, %get3A_453, %get3A_454] {strides = array<i32>} : memref<2x640x64xf32, #tpu.memory_space<vmem>>, vector<1x1x16xf32>,
        %get3A_456 = vector.shape_cast %get3A_455 : vector<1x1x16xf32> to vector<16xf32>
        %add3A_457 = arith.addf %add3A_413, %get3A_456 : vector<16xf32>
        %mul3A_458 = arith.constant 20 : i32
        %mul3A_459 = arith.muli %scan3A_352, %mul3A_458 : i32
        %add3A_460 = arith.constant 2 : i32
        %add3A_461 = arith.addi %mul3A_459, %add3A_460 : i32
        %get3A_462 = arith.constant 0 : i32
        %get3A_463 = arith.index_cast %get3A_462 : i32 to index
        %get3A_464 = arith.index_cast %add3A_461 : i32 to index
        %get3A_465 = arith.constant 16 : index
        %get3A_466 = tpu.vector_load %arg6[%get3A_463, %get3A_464, %get3A_465] {strides = array<i32>} : memref<2x640x64xf32, #tpu.memory_space<vmem>>, vector<1x1x16xf32>,
        %get3A_467 = vector.shape_cast %get3A_466 : vector<1x1x16xf32> to vector<16xf32>
        %add3A_468 = arith.addf %add3A_424, %get3A_467 : vector<16xf32>
        %mul3A_469 = arith.constant 20 : i32
        %mul3A_470 = arith.muli %scan3A_352, %mul3A_469 : i32
        %add3A_471 = arith.constant 2 : i32
        %add3A_472 = arith.addi %mul3A_470, %add3A_471 : i32
        %get3A_473 = arith.constant 0 : i32
        %get3A_474 = arith.index_cast %get3A_473 : i32 to index
        %get3A_475 = arith.index_cast %add3A_472 : i32 to index
        %get3A_476 = arith.constant 32 : index
        %get3A_477 = tpu.vector_load %arg6[%get3A_474, %get3A_475, %get3A_476] {strides = array<i32>} : memref<2x640x64xf32, #tpu.memory_space<vmem>>, vector<1x1x16xf32>,
        %get3A_478 = vector.shape_cast %get3A_477 : vector<1x1x16xf32> to vector<16xf32>
        %add3A_479 = arith.addf %add3A_435, %get3A_478 : vector<16xf32>
        %mul3A_480 = arith.constant 20 : i32
        %mul3A_481 = arith.muli %scan3A_352, %mul3A_480 : i32
        %add3A_482 = arith.constant 2 : i32
        %add3A_483 = arith.addi %mul3A_481, %add3A_482 : i32
        %get3A_484 = arith.constant 0 : i32
        %get3A_485 = arith.index_cast %get3A_484 : i32 to index
        %get3A_486 = arith.index_cast %add3A_483 : i32 to index
        %get3A_487 = arith.constant 48 : index
        %get3A_488 = tpu.vector_load %arg6[%get3A_485, %get3A_486, %get3A_487] {strides = array<i32>} : memref<2x640x64xf32, #tpu.memory_space<vmem>>, vector<1x1x16xf32>,
        %get3A_489 = vector.shape_cast %get3A_488 : vector<1x1x16xf32> to vector<16xf32>
        %add3A_490 = arith.addf %add3A_446, %get3A_489 : vector<16xf32>
        %mul3A_491 = arith.constant 20 : i32
        %mul3A_492 = arith.muli %scan3A_352, %mul3A_491 : i32
        %add3A_493 = arith.constant 3 : i32
        %add3A_494 = arith.addi %mul3A_492, %add3A_493 : i32
        %get3A_495 = arith.constant 0 : i32
        %get3A_496 = arith.index_cast %get3A_495 : i32 to index
        %get3A_497 = arith.index_cast %add3A_494 : i32 to index
        %get3A_498 = arith.constant 0 : index
        %get3A_499 = tpu.vector_load %arg6[%get3A_496, %get3A_497, %get3A_498] {strides = array<i32>} : memref<2x640x64xf32, #tpu.memory_space<vmem>>, vector<1x1x16xf32>,
        %get3A_500 = vector.shape_cast %get3A_499 : vector<1x1x16xf32> to vector<16xf32>
        %add3A_501 = arith.addf %add3A_457, %get3A_500 : vector<16xf32>
        %mul3A_502 = arith.constant 20 : i32
        %mul3A_503 = arith.muli %scan3A_352, %mul3A_502 : i32
        %add3A_504 = arith.constant 3 : i32
        %add3A_505 = arith.addi %mul3A_503, %add3A_504 : i32
        %get3A_506 = arith.constant 0 : i32
        %get3A_507 = arith.index_cast %get3A_506 : i32 to index
        %get3A_508 = arith.index_cast %add3A_505 : i32 to index
        %get3A_509 = arith.constant 16 : index
        %get3A_510 = tpu.vector_load %arg6[%get3A_507, %get3A_508, %get3A_509] {strides = array<i32>} : memref<2x640x64xf32, #tpu.memory_space<vmem>>, vector<1x1x16xf32>,
        %get3A_511 = vector.shape_cast %get3A_510 : vector<1x1x16xf32> to vector<16xf32>
        %add3A_512 = arith.addf %add3A_468, %get3A_511 : vector<16xf32>
        %mul3A_513 = arith.constant 20 : i32
        %mul3A_514 = arith.muli %scan3A_352, %mul3A_513 : i32
        %add3A_515 = arith.constant 3 : i32
        %add3A_516 = arith.addi %mul3A_514, %add3A_515 : i32
        %get3A_517 = arith.constant 0 : i32
        %get3A_518 = arith.index_cast %get3A_517 : i32 to index
        %get3A_519 = arith.index_cast %add3A_516 : i32 to index
        %get3A_520 = arith.constant 32 : index
        %get3A_521 = tpu.vector_load %arg6[%get3A_518, %get3A_519, %get3A_520] {strides = array<i32>} : memref<2x640x64xf32, #tpu.memory_space<vmem>>, vector<1x1x16xf32>,
        %get3A_522 = vector.shape_cast %get3A_521 : vector<1x1x16xf32> to vector<16xf32>
        %add3A_523 = arith.addf %add3A_479, %get3A_522 : vector<16xf32>
        %mul3A_524 = arith.constant 20 : i32
        %mul3A_525 = arith.muli %scan3A_352, %mul3A_524 : i32
        %add3A_526 = arith.constant 3 : i32
        %add3A_527 = arith.addi %mul3A_525, %add3A_526 : i32
        %get3A_528 = arith.constant 0 : i32
        %get3A_529 = arith.index_cast %get3A_528 : i32 to index
        %get3A_530 = arith.index_cast %add3A_527 : i32 to index
        %get3A_531 = arith.constant 48 : index
        %get3A_532 = tpu.vector_load %arg6[%get3A_529, %get3A_530, %get3A_531] {strides = array<i32>} : memref<2x640x64xf32, #tpu.memory_space<vmem>>, vector<1x1x16xf32>,
        %get3A_533 = vector.shape_cast %get3A_532 : vector<1x1x16xf32> to vector<16xf32>
        %add3A_534 = arith.addf %add3A_490, %get3A_533 : vector<16xf32>
        %mul3A_535 = arith.constant 20 : i32
        %mul3A_536 = arith.muli %scan3A_352, %mul3A_535 : i32
        %add3A_537 = arith.constant 4 : i32
        %add3A_538 = arith.addi %mul3A_536, %add3A_537 : i32
        %get3A_539 = arith.constant 0 : i32
        %get3A_540 = arith.index_cast %get3A_539 : i32 to index
        %get3A_541 = arith.index_cast %add3A_538 : i32 to index
        %get3A_542 = arith.constant 0 : index
        %get3A_543 = tpu.vector_load %arg6[%get3A_540, %get3A_541, %get3A_542] {strides = array<i32>} : memref<2x640x64xf32, #tpu.memory_space<vmem>>, vector<1x1x16xf32>,
        %get3A_544 = vector.shape_cast %get3A_543 : vector<1x1x16xf32> to vector<16xf32>
        %add3A_545 = arith.addf %add3A_501, %get3A_544 : vector<16xf32>
        %mul3A_546 = arith.constant 20 : i32
        %mul3A_547 = arith.muli %scan3A_352, %mul3A_546 : i32
        %add3A_548 = arith.constant 4 : i32
        %add3A_549 = arith.addi %mul3A_547, %add3A_548 : i32
        %get3A_550 = arith.constant 0 : i32
        %get3A_551 = arith.index_cast %get3A_550 : i32 to index
        %get3A_552 = arith.index_cast %add3A_549 : i32 to index
        %get3A_553 = arith.constant 16 : index
        %get3A_554 = tpu.vector_load %arg6[%get3A_551, %get3A_552, %get3A_553] {strides = array<i32>} : memref<2x640x64xf32, #tpu.memory_space<vmem>>, vector<1x1x16xf32>,
        %get3A_555 = vector.shape_cast %get3A_554 : vector<1x1x16xf32> to vector<16xf32>
        %add3A_556 = arith.addf %add3A_512, %get3A_555 : vector<16xf32>
        %mul3A_557 = arith.constant 20 : i32
        %mul3A_558 = arith.muli %scan3A_352, %mul3A_557 : i32
        %add3A_559 = arith.constant 4 : i32
        %add3A_560 = arith.addi %mul3A_558, %add3A_559 : i32
        %get3A_561 = arith.constant 0 : i32
        %get3A_562 = arith.index_cast %get3A_561 : i32 to index
        %get3A_563 = arith.index_cast %add3A_560 : i32 to index
        %get3A_564 = arith.constant 32 : index
        %get3A_565 = tpu.vector_load %arg6[%get3A_562, %get3A_563, %get3A_564] {strides = array<i32>} : memref<2x640x64xf32, #tpu.memory_space<vmem>>, vector<1x1x16xf32>,
        %get3A_566 = vector.shape_cast %get3A_565 : vector<1x1x16xf32> to vector<16xf32>
        %add3A_567 = arith.addf %add3A_523, %get3A_566 : vector<16xf32>
        %mul3A_568 = arith.constant 20 : i32
        %mul3A_569 = arith.muli %scan3A_352, %mul3A_568 : i32
        %add3A_570 = arith.constant 4 : i32
        %add3A_571 = arith.addi %mul3A_569, %add3A_570 : i32
        %get3A_572 = arith.constant 0 : i32
        %get3A_573 = arith.index_cast %get3A_572 : i32 to index
        %get3A_574 = arith.index_cast %add3A_571 : i32 to index
        %get3A_575 = arith.constant 48 : index
        %get3A_576 = tpu.vector_load %arg6[%get3A_573, %get3A_574, %get3A_575] {strides = array<i32>} : memref<2x640x64xf32, #tpu.memory_space<vmem>>, vector<1x1x16xf32>,
        %get3A_577 = vector.shape_cast %get3A_576 : vector<1x1x16xf32> to vector<16xf32>
        %add3A_578 = arith.addf %add3A_534, %get3A_577 : vector<16xf32>
        %mul3A_579 = arith.constant 20 : i32
        %mul3A_580 = arith.muli %scan3A_352, %mul3A_579 : i32
        %add3A_581 = arith.constant 5 : i32
        %add3A_582 = arith.addi %mul3A_580, %add3A_581 : i32
        %get3A_583 = arith.constant 0 : i32
        %get3A_584 = arith.index_cast %get3A_583 : i32 to index
        %get3A_585 = arith.index_cast %add3A_582 : i32 to index
        %get3A_586 = arith.constant 0 : index
        %get3A_587 = tpu.vector_load %arg6[%get3A_584, %get3A_585, %get3A_586] {strides = array<i32>} : memref<2x640x64xf32, #tpu.memory_space<vmem>>, vector<1x1x16xf32>,
        %get3A_588 = vector.shape_cast %get3A_587 : vector<1x1x16xf32> to vector<16xf32>
        %add3A_589 = arith.addf %add3A_545, %get3A_588 : vector<16xf32>
        %mul3A_590 = arith.constant 20 : i32
        %mul3A_591 = arith.muli %scan3A_352, %mul3A_590 : i32
        %add3A_592 = arith.constant 5 : i32
        %add3A_593 = arith.addi %mul3A_591, %add3A_592 : i32
        %get3A_594 = arith.constant 0 : i32
        %get3A_595 = arith.index_cast %get3A_594 : i32 to index
        %get3A_596 = arith.index_cast %add3A_593 : i32 to index
        %get3A_597 = arith.constant 16 : index
        %get3A_598 = tpu.vector_load %arg6[%get3A_595, %get3A_596, %get3A_597] {strides = array<i32>} : memref<2x640x64xf32, #tpu.memory_space<vmem>>, vector<1x1x16xf32>,
        %get3A_599 = vector.shape_cast %get3A_598 : vector<1x1x16xf32> to vector<16xf32>
        %add3A_600 = arith.addf %add3A_556, %get3A_599 : vector<16xf32>
        %mul3A_601 = arith.constant 20 : i32
        %mul3A_602 = arith.muli %scan3A_352, %mul3A_601 : i32
        %add3A_603 = arith.constant 5 : i32
        %add3A_604 = arith.addi %mul3A_602, %add3A_603 : i32
        %get3A_605 = arith.constant 0 : i32
        %get3A_606 = arith.index_cast %get3A_605 : i32 to index
        %get3A_607 = arith.index_cast %add3A_604 : i32 to index
        %get3A_608 = arith.constant 32 : index
        %get3A_609 = tpu.vector_load %arg6[%get3A_606, %get3A_607, %get3A_608] {strides = array<i32>} : memref<2x640x64xf32, #tpu.memory_space<vmem>>, vector<1x1x16xf32>,
        %get3A_610 = vector.shape_cast %get3A_609 : vector<1x1x16xf32> to vector<16xf32>
        %add3A_611 = arith.addf %add3A_567, %get3A_610 : vector<16xf32>
        %mul3A_612 = arith.constant 20 : i32
        %mul3A_613 = arith.muli %scan3A_352, %mul3A_612 : i32
        %add3A_614 = arith.constant 5 : i32
        %add3A_615 = arith.addi %mul3A_613, %add3A_614 : i32
        %get3A_616 = arith.constant 0 : i32
        %get3A_617 = arith.index_cast %get3A_616 : i32 to index
        %get3A_618 = arith.index_cast %add3A_615 : i32 to index
        %get3A_619 = arith.constant 48 : index
        %get3A_620 = tpu.vector_load %arg6[%get3A_617, %get3A_618, %get3A_619] {strides = array<i32>} : memref<2x640x64xf32, #tpu.memory_space<vmem>>, vector<1x1x16xf32>,
        %get3A_621 = vector.shape_cast %get3A_620 : vector<1x1x16xf32> to vector<16xf32>
        %add3A_622 = arith.addf %add3A_578, %get3A_621 : vector<16xf32>
        %mul3A_623 = arith.constant 20 : i32
        %mul3A_624 = arith.muli %scan3A_352, %mul3A_623 : i32
        %add3A_625 = arith.constant 6 : i32
        %add3A_626 = arith.addi %mul3A_624, %add3A_625 : i32
        %get3A_627 = arith.constant 0 : i32
        %get3A_628 = arith.index_cast %get3A_627 : i32 to index
        %get3A_629 = arith.index_cast %add3A_626 : i32 to index
        %get3A_630 = arith.constant 0 : index
        %get3A_631 = tpu.vector_load %arg6[%get3A_628, %get3A_629, %get3A_630] {strides = array<i32>} : memref<2x640x64xf32, #tpu.memory_space<vmem>>, vector<1x1x16xf32>,
        %get3A_632 = vector.shape_cast %get3A_631 : vector<1x1x16xf32> to vector<16xf32>
        %add3A_633 = arith.addf %add3A_589, %get3A_632 : vector<16xf32>
        %mul3A_634 = arith.constant 20 : i32
        %mul3A_635 = arith.muli %scan3A_352, %mul3A_634 : i32
        %add3A_636 = arith.constant 6 : i32
        %add3A_637 = arith.addi %mul3A_635, %add3A_636 : i32
        %get3A_638 = arith.constant 0 : i32
        %get3A_639 = arith.index_cast %get3A_638 : i32 to index
        %get3A_640 = arith.index_cast %add3A_637 : i32 to index
        %get3A_641 = arith.constant 16 : index
        %get3A_642 = tpu.vector_load %arg6[%get3A_639, %get3A_640, %get3A_641] {strides = array<i32>} : memref<2x640x64xf32, #tpu.memory_space<vmem>>, vector<1x1x16xf32>,
        %get3A_643 = vector.shape_cast %get3A_642 : vector<1x1x16xf32> to vector<16xf32>
        %add3A_644 = arith.addf %add3A_600, %get3A_643 : vector<16xf32>
        %mul3A_645 = arith.constant 20 : i32
        %mul3A_646 = arith.muli %scan3A_352, %mul3A_645 : i32
        %add3A_647 = arith.constant 6 : i32
        %add3A_648 = arith.addi %mul3A_646, %add3A_647 : i32
        %get3A_649 = arith.constant 0 : i32
        %get3A_650 = arith.index_cast %get3A_649 : i32 to index
        %get3A_651 = arith.index_cast %add3A_648 : i32 to index
        %get3A_652 = arith.constant 32 : index
        %get3A_653 = tpu.vector_load %arg6[%get3A_650, %get3A_651, %get3A_652] {strides = array<i32>} : memref<2x640x64xf32, #tpu.memory_space<vmem>>, vector<1x1x16xf32>,
        %get3A_654 = vector.shape_cast %get3A_653 : vector<1x1x16xf32> to vector<16xf32>
        %add3A_655 = arith.addf %add3A_611, %get3A_654 : vector<16xf32>
        %mul3A_656 = arith.constant 20 : i32
        %mul3A_657 = arith.muli %scan3A_352, %mul3A_656 : i32
        %add3A_658 = arith.constant 6 : i32
        %add3A_659 = arith.addi %mul3A_657, %add3A_658 : i32
        %get3A_660 = arith.constant 0 : i32
        %get3A_661 = arith.index_cast %get3A_660 : i32 to index
        %get3A_662 = arith.index_cast %add3A_659 : i32 to index
        %get3A_663 = arith.constant 48 : index
        %get3A_664 = tpu.vector_load %arg6[%get3A_661, %get3A_662, %get3A_663] {strides = array<i32>} : memref<2x640x64xf32, #tpu.memory_space<vmem>>, vector<1x1x16xf32>,
        %get3A_665 = vector.shape_cast %get3A_664 : vector<1x1x16xf32> to vector<16xf32>
        %add3A_666 = arith.addf %add3A_622, %get3A_665 : vector<16xf32>
        %mul3A_667 = arith.constant 20 : i32
        %mul3A_668 = arith.muli %scan3A_352, %mul3A_667 : i32
        %add3A_669 = arith.constant 7 : i32
        %add3A_670 = arith.addi %mul3A_668, %add3A_669 : i32
        %get3A_671 = arith.constant 0 : i32
        %get3A_672 = arith.index_cast %get3A_671 : i32 to index
        %get3A_673 = arith.index_cast %add3A_670 : i32 to index
        %get3A_674 = arith.constant 0 : index
        %get3A_675 = tpu.vector_load %arg6[%get3A_672, %get3A_673, %get3A_674] {strides = array<i32>} : memref<2x640x64xf32, #tpu.memory_space<vmem>>, vector<1x1x16xf32>,
        %get3A_676 = vector.shape_cast %get3A_675 : vector<1x1x16xf32> to vector<16xf32>
        %add3A_677 = arith.addf %add3A_633, %get3A_676 : vector<16xf32>
        %mul3A_678 = arith.constant 20 : i32
        %mul3A_679 = arith.muli %scan3A_352, %mul3A_678 : i32
        %add3A_680 = arith.constant 7 : i32
        %add3A_681 = arith.addi %mul3A_679, %add3A_680 : i32
        %get3A_682 = arith.constant 0 : i32
        %get3A_683 = arith.index_cast %get3A_682 : i32 to index
        %get3A_684 = arith.index_cast %add3A_681 : i32 to index
        %get3A_685 = arith.constant 16 : index
        %get3A_686 = tpu.vector_load %arg6[%get3A_683, %get3A_684, %get3A_685] {strides = array<i32>} : memref<2x640x64xf32, #tpu.memory_space<vmem>>, vector<1x1x16xf32>,
        %get3A_687 = vector.shape_cast %get3A_686 : vector<1x1x16xf32> to vector<16xf32>
        %add3A_688 = arith.addf %add3A_644, %get3A_687 : vector<16xf32>
        %mul3A_689 = arith.constant 20 : i32
        %mul3A_690 = arith.muli %scan3A_352, %mul3A_689 : i32
        %add3A_691 = arith.constant 7 : i32
        %add3A_692 = arith.addi %mul3A_690, %add3A_691 : i32
        %get3A_693 = arith.constant 0 : i32
        %get3A_694 = arith.index_cast %get3A_693 : i32 to index
        %get3A_695 = arith.index_cast %add3A_692 : i32 to index
        %get3A_696 = arith.constant 32 : index
        %get3A_697 = tpu.vector_load %arg6[%get3A_694, %get3A_695, %get3A_696] {strides = array<i32>} : memref<2x640x64xf32, #tpu.memory_space<vmem>>, vector<1x1x16xf32>,
        %get3A_698 = vector.shape_cast %get3A_697 : vector<1x1x16xf32> to vector<16xf32>
        %add3A_699 = arith.addf %add3A_655, %get3A_698 : vector<16xf32>
        %mul3A_700 = arith.constant 20 : i32
        %mul3A_701 = arith.muli %scan3A_352, %mul3A_700 : i32
        %add3A_702 = arith.constant 7 : i32
        %add3A_703 = arith.addi %mul3A_701, %add3A_702 : i32
        %get3A_704 = arith.constant 0 : i32
        %get3A_705 = arith.index_cast %get3A_704 : i32 to index
        %get3A_706 = arith.index_cast %add3A_703 : i32 to index
        %get3A_707 = arith.constant 48 : index
        %get3A_708 = tpu.vector_load %arg6[%get3A_705, %get3A_706, %get3A_707] {strides = array<i32>} : memref<2x640x64xf32, #tpu.memory_space<vmem>>, vector<1x1x16xf32>,
        %get3A_709 = vector.shape_cast %get3A_708 : vector<1x1x16xf32> to vector<16xf32>
        %add3A_710 = arith.addf %add3A_666, %get3A_709 : vector<16xf32>
        %mul3A_711 = arith.constant 20 : i32
        %mul3A_712 = arith.muli %scan3A_352, %mul3A_711 : i32
        %add3A_713 = arith.constant 8 : i32
        %add3A_714 = arith.addi %mul3A_712, %add3A_713 : i32
        %get3A_715 = arith.constant 0 : i32
        %get3A_716 = arith.index_cast %get3A_715 : i32 to index
        %get3A_717 = arith.index_cast %add3A_714 : i32 to index
        %get3A_718 = arith.constant 0 : index
        %get3A_719 = tpu.vector_load %arg6[%get3A_716, %get3A_717, %get3A_718] {strides = array<i32>} : memref<2x640x64xf32, #tpu.memory_space<vmem>>, vector<1x1x16xf32>,
        %get3A_720 = vector.shape_cast %get3A_719 : vector<1x1x16xf32> to vector<16xf32>
        %add3A_721 = arith.addf %add3A_677, %get3A_720 : vector<16xf32>
        %mul3A_722 = arith.constant 20 : i32
        %mul3A_723 = arith.muli %scan3A_352, %mul3A_722 : i32
        %add3A_724 = arith.constant 8 : i32
        %add3A_725 = arith.addi %mul3A_723, %add3A_724 : i32
        %get3A_726 = arith.constant 0 : i32
        %get3A_727 = arith.index_cast %get3A_726 : i32 to index
        %get3A_728 = arith.index_cast %add3A_725 : i32 to index
        %get3A_729 = arith.constant 16 : index
        %get3A_730 = tpu.vector_load %arg6[%get3A_727, %get3A_728, %get3A_729] {strides = array<i32>} : memref<2x640x64xf32, #tpu.memory_space<vmem>>, vector<1x1x16xf32>,
        %get3A_731 = vector.shape_cast %get3A_730 : vector<1x1x16xf32> to vector<16xf32>
        %add3A_732 = arith.addf %add3A_688, %get3A_731 : vector<16xf32>
        %mul3A_733 = arith.constant 20 : i32
        %mul3A_734 = arith.muli %scan3A_352, %mul3A_733 : i32
        %add3A_735 = arith.constant 8 : i32
        %add3A_736 = arith.addi %mul3A_734, %add3A_735 : i32
        %get3A_737 = arith.constant 0 : i32
        %get3A_738 = arith.index_cast %get3A_737 : i32 to index
        %get3A_739 = arith.index_cast %add3A_736 : i32 to index
        %get3A_740 = arith.constant 32 : index
        %get3A_741 = tpu.vector_load %arg6[%get3A_738, %get3A_739, %get3A_740] {strides = array<i32>} : memref<2x640x64xf32, #tpu.memory_space<vmem>>, vector<1x1x16xf32>,
        %get3A_742 = vector.shape_cast %get3A_741 : vector<1x1x16xf32> to vector<16xf32>
        %add3A_743 = arith.addf %add3A_699, %get3A_742 : vector<16xf32>
        %mul3A_744 = arith.constant 20 : i32
        %mul3A_745 = arith.muli %scan3A_352, %mul3A_744 : i32
        %add3A_746 = arith.constant 8 : i32
        %add3A_747 = arith.addi %mul3A_745, %add3A_746 : i32
        %get3A_748 = arith.constant 0 : i32
        %get3A_749 = arith.index_cast %get3A_748 : i32 to index
        %get3A_750 = arith.index_cast %add3A_747 : i32 to index
        %get3A_751 = arith.constant 48 : index
        %get3A_752 = tpu.vector_load %arg6[%get3A_749, %get3A_750, %get3A_751] {strides = array<i32>} : memref<2x640x64xf32, #tpu.memory_space<vmem>>, vector<1x1x16xf32>,
        %get3A_753 = vector.shape_cast %get3A_752 : vector<1x1x16xf32> to vector<16xf32>
        %add3A_754 = arith.addf %add3A_710, %get3A_753 : vector<16xf32>
        %mul3A_755 = arith.constant 20 : i32
        %mul3A_756 = arith.muli %scan3A_352, %mul3A_755 : i32
        %add3A_757 = arith.constant 9 : i32
        %add3A_758 = arith.addi %mul3A_756, %add3A_757 : i32
        %get3A_759 = arith.constant 0 : i32
        %get3A_760 = arith.index_cast %get3A_759 : i32 to index
        %get3A_761 = arith.index_cast %add3A_758 : i32 to index
        %get3A_762 = arith.constant 0 : index
        %get3A_763 = tpu.vector_load %arg6[%get3A_760, %get3A_761, %get3A_762] {strides = array<i32>} : memref<2x640x64xf32, #tpu.memory_space<vmem>>, vector<1x1x16xf32>,
        %get3A_764 = vector.shape_cast %get3A_763 : vector<1x1x16xf32> to vector<16xf32>
        %add3A_765 = arith.addf %add3A_721, %get3A_764 : vector<16xf32>
        %mul3A_766 = arith.constant 20 : i32
        %mul3A_767 = arith.muli %scan3A_352, %mul3A_766 : i32
        %add3A_768 = arith.constant 9 : i32
        %add3A_769 = arith.addi %mul3A_767, %add3A_768 : i32
        %get3A_770 = arith.constant 0 : i32
        %get3A_771 = arith.index_cast %get3A_770 : i32 to index
        %get3A_772 = arith.index_cast %add3A_769 : i32 to index
        %get3A_773 = arith.constant 16 : index
        %get3A_774 = tpu.vector_load %arg6[%get3A_771, %get3A_772, %get3A_773] {strides = array<i32>} : memref<2x640x64xf32, #tpu.memory_space<vmem>>, vector<1x1x16xf32>,
        %get3A_775 = vector.shape_cast %get3A_774 : vector<1x1x16xf32> to vector<16xf32>
        %add3A_776 = arith.addf %add3A_732, %get3A_775 : vector<16xf32>
        %mul3A_777 = arith.constant 20 : i32
        %mul3A_778 = arith.muli %scan3A_352, %mul3A_777 : i32
        %add3A_779 = arith.constant 9 : i32
        %add3A_780 = arith.addi %mul3A_778, %add3A_779 : i32
        %get3A_781 = arith.constant 0 : i32
        %get3A_782 = arith.index_cast %get3A_781 : i32 to index
        %get3A_783 = arith.index_cast %add3A_780 : i32 to index
        %get3A_784 = arith.constant 32 : index
        %get3A_785 = tpu.vector_load %arg6[%get3A_782, %get3A_783, %get3A_784] {strides = array<i32>} : memref<2x640x64xf32, #tpu.memory_space<vmem>>, vector<1x1x16xf32>,
        %get3A_786 = vector.shape_cast %get3A_785 : vector<1x1x16xf32> to vector<16xf32>
        %add3A_787 = arith.addf %add3A_743, %get3A_786 : vector<16xf32>
        %mul3A_788 = arith.constant 20 : i32
        %mul3A_789 = arith.muli %scan3A_352, %mul3A_788 : i32
        %add3A_790 = arith.constant 9 : i32
        %add3A_791 = arith.addi %mul3A_789, %add3A_790 : i32
        %get3A_792 = arith.constant 0 : i32
        %get3A_793 = arith.index_cast %get3A_792 : i32 to index
        %get3A_794 = arith.index_cast %add3A_791 : i32 to index
        %get3A_795 = arith.constant 48 : index
        %get3A_796 = tpu.vector_load %arg6[%get3A_793, %get3A_794, %get3A_795] {strides = array<i32>} : memref<2x640x64xf32, #tpu.memory_space<vmem>>, vector<1x1x16xf32>,
        %get3A_797 = vector.shape_cast %get3A_796 : vector<1x1x16xf32> to vector<16xf32>
        %add3A_798 = arith.addf %add3A_754, %get3A_797 : vector<16xf32>
        %mul3A_799 = arith.constant 20 : i32
        %mul3A_800 = arith.muli %scan3A_352, %mul3A_799 : i32
        %add3A_801 = arith.constant 10 : i32
        %add3A_802 = arith.addi %mul3A_800, %add3A_801 : i32
        %get3A_803 = arith.constant 0 : i32
        %get3A_804 = arith.index_cast %get3A_803 : i32 to index
        %get3A_805 = arith.index_cast %add3A_802 : i32 to index
        %get3A_806 = arith.constant 0 : index
        %get3A_807 = tpu.vector_load %arg6[%get3A_804, %get3A_805, %get3A_806] {strides = array<i32>} : memref<2x640x64xf32, #tpu.memory_space<vmem>>, vector<1x1x16xf32>,
        %get3A_808 = vector.shape_cast %get3A_807 : vector<1x1x16xf32> to vector<16xf32>
        %add3A_809 = arith.addf %add3A_765, %get3A_808 : vector<16xf32>
        %mul3A_810 = arith.constant 20 : i32
        %mul3A_811 = arith.muli %scan3A_352, %mul3A_810 : i32
        %add3A_812 = arith.constant 10 : i32
        %add3A_813 = arith.addi %mul3A_811, %add3A_812 : i32
        %get3A_814 = arith.constant 0 : i32
        %get3A_815 = arith.index_cast %get3A_814 : i32 to index
        %get3A_816 = arith.index_cast %add3A_813 : i32 to index
        %get3A_817 = arith.constant 16 : index
        %get3A_818 = tpu.vector_load %arg6[%get3A_815, %get3A_816, %get3A_817] {strides = array<i32>} : memref<2x640x64xf32, #tpu.memory_space<vmem>>, vector<1x1x16xf32>,
        %get3A_819 = vector.shape_cast %get3A_818 : vector<1x1x16xf32> to vector<16xf32>
        %add3A_820 = arith.addf %add3A_776, %get3A_819 : vector<16xf32>
        %mul3A_821 = arith.constant 20 : i32
        %mul3A_822 = arith.muli %scan3A_352, %mul3A_821 : i32
        %add3A_823 = arith.constant 10 : i32
        %add3A_824 = arith.addi %mul3A_822, %add3A_823 : i32
        %get3A_825 = arith.constant 0 : i32
        %get3A_826 = arith.index_cast %get3A_825 : i32 to index
        %get3A_827 = arith.index_cast %add3A_824 : i32 to index
        %get3A_828 = arith.constant 32 : index
        %get3A_829 = tpu.vector_load %arg6[%get3A_826, %get3A_827, %get3A_828] {strides = array<i32>} : memref<2x640x64xf32, #tpu.memory_space<vmem>>, vector<1x1x16xf32>,
        %get3A_830 = vector.shape_cast %get3A_829 : vector<1x1x16xf32> to vector<16xf32>
        %add3A_831 = arith.addf %add3A_787, %get3A_830 : vector<16xf32>
        %mul3A_832 = arith.constant 20 : i32
        %mul3A_833 = arith.muli %scan3A_352, %mul3A_832 : i32
        %add3A_834 = arith.constant 10 : i32
        %add3A_835 = arith.addi %mul3A_833, %add3A_834 : i32
        %get3A_836 = arith.constant 0 : i32
        %get3A_837 = arith.index_cast %get3A_836 : i32 to index
        %get3A_838 = arith.index_cast %add3A_835 : i32 to index
        %get3A_839 = arith.constant 48 : index
        %get3A_840 = tpu.vector_load %arg6[%get3A_837, %get3A_838, %get3A_839] {strides = array<i32>} : memref<2x640x64xf32, #tpu.memory_space<vmem>>, vector<1x1x16xf32>,
        %get3A_841 = vector.shape_cast %get3A_840 : vector<1x1x16xf32> to vector<16xf32>
        %add3A_842 = arith.addf %add3A_798, %get3A_841 : vector<16xf32>
        %mul3A_843 = arith.constant 20 : i32
        %mul3A_844 = arith.muli %scan3A_352, %mul3A_843 : i32
        %add3A_845 = arith.constant 11 : i32
        %add3A_846 = arith.addi %mul3A_844, %add3A_845 : i32
        %get3A_847 = arith.constant 0 : i32
        %get3A_848 = arith.index_cast %get3A_847 : i32 to index
        %get3A_849 = arith.index_cast %add3A_846 : i32 to index
        %get3A_850 = arith.constant 0 : index
        %get3A_851 = tpu.vector_load %arg6[%get3A_848, %get3A_849, %get3A_850] {strides = array<i32>} : memref<2x640x64xf32, #tpu.memory_space<vmem>>, vector<1x1x16xf32>,
        %get3A_852 = vector.shape_cast %get3A_851 : vector<1x1x16xf32> to vector<16xf32>
        %add3A_853 = arith.addf %add3A_809, %get3A_852 : vector<16xf32>
        %mul3A_854 = arith.constant 20 : i32
        %mul3A_855 = arith.muli %scan3A_352, %mul3A_854 : i32
        %add3A_856 = arith.constant 11 : i32
        %add3A_857 = arith.addi %mul3A_855, %add3A_856 : i32
        %get3A_858 = arith.constant 0 : i32
        %get3A_859 = arith.index_cast %get3A_858 : i32 to index
        %get3A_860 = arith.index_cast %add3A_857 : i32 to index
        %get3A_861 = arith.constant 16 : index
        %get3A_862 = tpu.vector_load %arg6[%get3A_859, %get3A_860, %get3A_861] {strides = array<i32>} : memref<2x640x64xf32, #tpu.memory_space<vmem>>, vector<1x1x16xf32>,
        %get3A_863 = vector.shape_cast %get3A_862 : vector<1x1x16xf32> to vector<16xf32>
        %add3A_864 = arith.addf %add3A_820, %get3A_863 : vector<16xf32>
        %mul3A_865 = arith.constant 20 : i32
        %mul3A_866 = arith.muli %scan3A_352, %mul3A_865 : i32
        %add3A_867 = arith.constant 11 : i32
        %add3A_868 = arith.addi %mul3A_866, %add3A_867 : i32
        %get3A_869 = arith.constant 0 : i32
        %get3A_870 = arith.index_cast %get3A_869 : i32 to index
        %get3A_871 = arith.index_cast %add3A_868 : i32 to index
        %get3A_872 = arith.constant 32 : index
        %get3A_873 = tpu.vector_load %arg6[%get3A_870, %get3A_871, %get3A_872] {strides = array<i32>} : memref<2x640x64xf32, #tpu.memory_space<vmem>>, vector<1x1x16xf32>,
        %get3A_874 = vector.shape_cast %get3A_873 : vector<1x1x16xf32> to vector<16xf32>
        %add3A_875 = arith.addf %add3A_831, %get3A_874 : vector<16xf32>
        %mul3A_876 = arith.constant 20 : i32
        %mul3A_877 = arith.muli %scan3A_352, %mul3A_876 : i32
        %add3A_878 = arith.constant 11 : i32
        %add3A_879 = arith.addi %mul3A_877, %add3A_878 : i32
        %get3A_880 = arith.constant 0 : i32
        %get3A_881 = arith.index_cast %get3A_880 : i32 to index
        %get3A_882 = arith.index_cast %add3A_879 : i32 to index
        %get3A_883 = arith.constant 48 : index
        %get3A_884 = tpu.vector_load %arg6[%get3A_881, %get3A_882, %get3A_883] {strides = array<i32>} : memref<2x640x64xf32, #tpu.memory_space<vmem>>, vector<1x1x16xf32>,
        %get3A_885 = vector.shape_cast %get3A_884 : vector<1x1x16xf32> to vector<16xf32>
        %add3A_886 = arith.addf %add3A_842, %get3A_885 : vector<16xf32>
        %mul3A_887 = arith.constant 20 : i32
        %mul3A_888 = arith.muli %scan3A_352, %mul3A_887 : i32
        %add3A_889 = arith.constant 12 : i32
        %add3A_890 = arith.addi %mul3A_888, %add3A_889 : i32
        %get3A_891 = arith.constant 0 : i32
        %get3A_892 = arith.index_cast %get3A_891 : i32 to index
        %get3A_893 = arith.index_cast %add3A_890 : i32 to index
        %get3A_894 = arith.constant 0 : index
        %get3A_895 = tpu.vector_load %arg6[%get3A_892, %get3A_893, %get3A_894] {strides = array<i32>} : memref<2x640x64xf32, #tpu.memory_space<vmem>>, vector<1x1x16xf32>,
        %get3A_896 = vector.shape_cast %get3A_895 : vector<1x1x16xf32> to vector<16xf32>
        %add3A_897 = arith.addf %add3A_853, %get3A_896 : vector<16xf32>
        %mul3A_898 = arith.constant 20 : i32
        %mul3A_899 = arith.muli %scan3A_352, %mul3A_898 : i32
        %add3A_900 = arith.constant 12 : i32
        %add3A_901 = arith.addi %mul3A_899, %add3A_900 : i32
        %get3A_902 = arith.constant 0 : i32
        %get3A_903 = arith.index_cast %get3A_902 : i32 to index
        %get3A_904 = arith.index_cast %add3A_901 : i32 to index
        %get3A_905 = arith.constant 16 : index
        %get3A_906 = tpu.vector_load %arg6[%get3A_903, %get3A_904, %get3A_905] {strides = array<i32>} : memref<2x640x64xf32, #tpu.memory_space<vmem>>, vector<1x1x16xf32>,
        %get3A_907 = vector.shape_cast %get3A_906 : vector<1x1x16xf32> to vector<16xf32>
        %add3A_908 = arith.addf %add3A_864, %get3A_907 : vector<16xf32>
        %mul3A_909 = arith.constant 20 : i32
        %mul3A_910 = arith.muli %scan3A_352, %mul3A_909 : i32
        %add3A_911 = arith.constant 12 : i32
        %add3A_912 = arith.addi %mul3A_910, %add3A_911 : i32
        %get3A_913 = arith.constant 0 : i32
        %get3A_914 = arith.index_cast %get3A_913 : i32 to index
        %get3A_915 = arith.index_cast %add3A_912 : i32 to index
        %get3A_916 = arith.constant 32 : index
        %get3A_917 = tpu.vector_load %arg6[%get3A_914, %get3A_915, %get3A_916] {strides = array<i32>} : memref<2x640x64xf32, #tpu.memory_space<vmem>>, vector<1x1x16xf32>,
        %get3A_918 = vector.shape_cast %get3A_917 : vector<1x1x16xf32> to vector<16xf32>
        %add3A_919 = arith.addf %add3A_875, %get3A_918 : vector<16xf32>
        %mul3A_920 = arith.constant 20 : i32
        %mul3A_921 = arith.muli %scan3A_352, %mul3A_920 : i32
        %add3A_922 = arith.constant 12 : i32
        %add3A_923 = arith.addi %mul3A_921, %add3A_922 : i32
        %get3A_924 = arith.constant 0 : i32
        %get3A_925 = arith.index_cast %get3A_924 : i32 to index
        %get3A_926 = arith.index_cast %add3A_923 : i32 to index
        %get3A_927 = arith.constant 48 : index
        %get3A_928 = tpu.vector_load %arg6[%get3A_925, %get3A_926, %get3A_927] {strides = array<i32>} : memref<2x640x64xf32, #tpu.memory_space<vmem>>, vector<1x1x16xf32>,
        %get3A_929 = vector.shape_cast %get3A_928 : vector<1x1x16xf32> to vector<16xf32>
        %add3A_930 = arith.addf %add3A_886, %get3A_929 : vector<16xf32>
        %mul3A_931 = arith.constant 20 : i32
        %mul3A_932 = arith.muli %scan3A_352, %mul3A_931 : i32
        %add3A_933 = arith.constant 13 : i32
        %add3A_934 = arith.addi %mul3A_932, %add3A_933 : i32
        %get3A_935 = arith.constant 0 : i32
        %get3A_936 = arith.index_cast %get3A_935 : i32 to index
        %get3A_937 = arith.index_cast %add3A_934 : i32 to index
        %get3A_938 = arith.constant 0 : index
        %get3A_939 = tpu.vector_load %arg6[%get3A_936, %get3A_937, %get3A_938] {strides = array<i32>} : memref<2x640x64xf32, #tpu.memory_space<vmem>>, vector<1x1x16xf32>,
        %get3A_940 = vector.shape_cast %get3A_939 : vector<1x1x16xf32> to vector<16xf32>
        %add3A_941 = arith.addf %add3A_897, %get3A_940 : vector<16xf32>
        %mul3A_942 = arith.constant 20 : i32
        %mul3A_943 = arith.muli %scan3A_352, %mul3A_942 : i32
        %add3A_944 = arith.constant 13 : i32
        %add3A_945 = arith.addi %mul3A_943, %add3A_944 : i32
        %get3A_946 = arith.constant 0 : i32
        %get3A_947 = arith.index_cast %get3A_946 : i32 to index
        %get3A_948 = arith.index_cast %add3A_945 : i32 to index
        %get3A_949 = arith.constant 16 : index
        %get3A_950 = tpu.vector_load %arg6[%get3A_947, %get3A_948, %get3A_949] {strides = array<i32>} : memref<2x640x64xf32, #tpu.memory_space<vmem>>, vector<1x1x16xf32>,
        %get3A_951 = vector.shape_cast %get3A_950 : vector<1x1x16xf32> to vector<16xf32>
        %add3A_952 = arith.addf %add3A_908, %get3A_951 : vector<16xf32>
        %mul3A_953 = arith.constant 20 : i32
        %mul3A_954 = arith.muli %scan3A_352, %mul3A_953 : i32
        %add3A_955 = arith.constant 13 : i32
        %add3A_956 = arith.addi %mul3A_954, %add3A_955 : i32
        %get3A_957 = arith.constant 0 : i32
        %get3A_958 = arith.index_cast %get3A_957 : i32 to index
        %get3A_959 = arith.index_cast %add3A_956 : i32 to index
        %get3A_960 = arith.constant 32 : index
        %get3A_961 = tpu.vector_load %arg6[%get3A_958, %get3A_959, %get3A_960] {strides = array<i32>} : memref<2x640x64xf32, #tpu.memory_space<vmem>>, vector<1x1x16xf32>,
        %get3A_962 = vector.shape_cast %get3A_961 : vector<1x1x16xf32> to vector<16xf32>
        %add3A_963 = arith.addf %add3A_919, %get3A_962 : vector<16xf32>
        %mul3A_964 = arith.constant 20 : i32
        %mul3A_965 = arith.muli %scan3A_352, %mul3A_964 : i32
        %add3A_966 = arith.constant 13 : i32
        %add3A_967 = arith.addi %mul3A_965, %add3A_966 : i32
        %get3A_968 = arith.constant 0 : i32
        %get3A_969 = arith.index_cast %get3A_968 : i32 to index
        %get3A_970 = arith.index_cast %add3A_967 : i32 to index
        %get3A_971 = arith.constant 48 : index
        %get3A_972 = tpu.vector_load %arg6[%get3A_969, %get3A_970, %get3A_971] {strides = array<i32>} : memref<2x640x64xf32, #tpu.memory_space<vmem>>, vector<1x1x16xf32>,
        %get3A_973 = vector.shape_cast %get3A_972 : vector<1x1x16xf32> to vector<16xf32>
        %add3A_974 = arith.addf %add3A_930, %get3A_973 : vector<16xf32>
        %mul3A_975 = arith.constant 20 : i32
        %mul3A_976 = arith.muli %scan3A_352, %mul3A_975 : i32
        %add3A_977 = arith.constant 14 : i32
        %add3A_978 = arith.addi %mul3A_976, %add3A_977 : i32
        %get3A_979 = arith.constant 0 : i32
        %get3A_980 = arith.index_cast %get3A_979 : i32 to index
        %get3A_981 = arith.index_cast %add3A_978 : i32 to index
        %get3A_982 = arith.constant 0 : index
        %get3A_983 = tpu.vector_load %arg6[%get3A_980, %get3A_981, %get3A_982] {strides = array<i32>} : memref<2x640x64xf32, #tpu.memory_space<vmem>>, vector<1x1x16xf32>,
        %get3A_984 = vector.shape_cast %get3A_983 : vector<1x1x16xf32> to vector<16xf32>
        %add3A_985 = arith.addf %add3A_941, %get3A_984 : vector<16xf32>
        %mul3A_986 = arith.constant 20 : i32
        %mul3A_987 = arith.muli %scan3A_352, %mul3A_986 : i32
        %add3A_988 = arith.constant 14 : i32
        %add3A_989 = arith.addi %mul3A_987, %add3A_988 : i32
        %get3A_990 = arith.constant 0 : i32
        %get3A_991 = arith.index_cast %get3A_990 : i32 to index
        %get3A_992 = arith.index_cast %add3A_989 : i32 to index
        %get3A_993 = arith.constant 16 : index
        %get3A_994 = tpu.vector_load %arg6[%get3A_991, %get3A_992, %get3A_993] {strides = array<i32>} : memref<2x640x64xf32, #tpu.memory_space<vmem>>, vector<1x1x16xf32>,
        %get3A_995 = vector.shape_cast %get3A_994 : vector<1x1x16xf32> to vector<16xf32>
        %add3A_996 = arith.addf %add3A_952, %get3A_995 : vector<16xf32>
        %mul3A_997 = arith.constant 20 : i32
        %mul3A_998 = arith.muli %scan3A_352, %mul3A_997 : i32
        %add3A_999 = arith.constant 14 : i32
        %add3A_1000 = arith.addi %mul3A_998, %add3A_999 : i32
        %get3A_1001 = arith.constant 0 : i32
        %get3A_1002 = arith.index_cast %get3A_1001 : i32 to index
        %get3A_1003 = arith.index_cast %add3A_1000 : i32 to index
        %get3A_1004 = arith.constant 32 : index
        %get3A_1005 = tpu.vector_load %arg6[%get3A_1002, %get3A_1003, %get3A_1004] {strides = array<i32>} : memref<2x640x64xf32, #tpu.memory_space<vmem>>, vector<1x1x16xf32>,
        %get3A_1006 = vector.shape_cast %get3A_1005 : vector<1x1x16xf32> to vector<16xf32>
        %add3A_1007 = arith.addf %add3A_963, %get3A_1006 : vector<16xf32>
        %mul3A_1008 = arith.constant 20 : i32
        %mul3A_1009 = arith.muli %scan3A_352, %mul3A_1008 : i32
        %add3A_1010 = arith.constant 14 : i32
        %add3A_1011 = arith.addi %mul3A_1009, %add3A_1010 : i32
        %get3A_1012 = arith.constant 0 : i32
        %get3A_1013 = arith.index_cast %get3A_1012 : i32 to index
        %get3A_1014 = arith.index_cast %add3A_1011 : i32 to index
        %get3A_1015 = arith.constant 48 : index
        %get3A_1016 = tpu.vector_load %arg6[%get3A_1013, %get3A_1014, %get3A_1015] {strides = array<i32>} : memref<2x640x64xf32, #tpu.memory_space<vmem>>, vector<1x1x16xf32>,
        %get3A_1017 = vector.shape_cast %get3A_1016 : vector<1x1x16xf32> to vector<16xf32>
        %add3A_1018 = arith.addf %add3A_974, %get3A_1017 : vector<16xf32>
        %mul3A_1019 = arith.constant 20 : i32
        %mul3A_1020 = arith.muli %scan3A_352, %mul3A_1019 : i32
        %add3A_1021 = arith.constant 15 : i32
        %add3A_1022 = arith.addi %mul3A_1020, %add3A_1021 : i32
        %get3A_1023 = arith.constant 0 : i32
        %get3A_1024 = arith.index_cast %get3A_1023 : i32 to index
        %get3A_1025 = arith.index_cast %add3A_1022 : i32 to index
        %get3A_1026 = arith.constant 0 : index
        %get3A_1027 = tpu.vector_load %arg6[%get3A_1024, %get3A_1025, %get3A_1026] {strides = array<i32>} : memref<2x640x64xf32, #tpu.memory_space<vmem>>, vector<1x1x16xf32>,
        %get3A_1028 = vector.shape_cast %get3A_1027 : vector<1x1x16xf32> to vector<16xf32>
        %add3A_1029 = arith.addf %add3A_985, %get3A_1028 : vector<16xf32>
        %mul3A_1030 = arith.constant 20 : i32
        %mul3A_1031 = arith.muli %scan3A_352, %mul3A_1030 : i32
        %add3A_1032 = arith.constant 15 : i32
        %add3A_1033 = arith.addi %mul3A_1031, %add3A_1032 : i32
        %get3A_1034 = arith.constant 0 : i32
        %get3A_1035 = arith.index_cast %get3A_1034 : i32 to index
        %get3A_1036 = arith.index_cast %add3A_1033 : i32 to index
        %get3A_1037 = arith.constant 16 : index
        %get3A_1038 = tpu.vector_load %arg6[%get3A_1035, %get3A_1036, %get3A_1037] {strides = array<i32>} : memref<2x640x64xf32, #tpu.memory_space<vmem>>, vector<1x1x16xf32>,
        %get3A_1039 = vector.shape_cast %get3A_1038 : vector<1x1x16xf32> to vector<16xf32>
        %add3A_1040 = arith.addf %add3A_996, %get3A_1039 : vector<16xf32>
        %mul3A_1041 = arith.constant 20 : i32
        %mul3A_1042 = arith.muli %scan3A_352, %mul3A_1041 : i32
        %add3A_1043 = arith.constant 15 : i32
        %add3A_1044 = arith.addi %mul3A_1042, %add3A_1043 : i32
        %get3A_1045 = arith.constant 0 : i32
        %get3A_1046 = arith.index_cast %get3A_1045 : i32 to index
        %get3A_1047 = arith.index_cast %add3A_1044 : i32 to index
        %get3A_1048 = arith.constant 32 : index
        %get3A_1049 = tpu.vector_load %arg6[%get3A_1046, %get3A_1047, %get3A_1048] {strides = array<i32>} : memref<2x640x64xf32, #tpu.memory_space<vmem>>, vector<1x1x16xf32>,
        %get3A_1050 = vector.shape_cast %get3A_1049 : vector<1x1x16xf32> to vector<16xf32>
        %add3A_1051 = arith.addf %add3A_1007, %get3A_1050 : vector<16xf32>
        %mul3A_1052 = arith.constant 20 : i32
        %mul3A_1053 = arith.muli %scan3A_352, %mul3A_1052 : i32
        %add3A_1054 = arith.constant 15 : i32
        %add3A_1055 = arith.addi %mul3A_1053, %add3A_1054 : i32
        %get3A_1056 = arith.constant 0 : i32
        %get3A_1057 = arith.index_cast %get3A_1056 : i32 to index
        %get3A_1058 = arith.index_cast %add3A_1055 : i32 to index
        %get3A_1059 = arith.constant 48 : index
        %get3A_1060 = tpu.vector_load %arg6[%get3A_1057, %get3A_1058, %get3A_1059] {strides = array<i32>} : memref<2x640x64xf32, #tpu.memory_space<vmem>>, vector<1x1x16xf32>,
        %get3A_1061 = vector.shape_cast %get3A_1060 : vector<1x1x16xf32> to vector<16xf32>
        %add3A_1062 = arith.addf %add3A_1018, %get3A_1061 : vector<16xf32>
        %mul3A_1063 = arith.constant 20 : i32
        %mul3A_1064 = arith.muli %scan3A_352, %mul3A_1063 : i32
        %add3A_1065 = arith.constant 16 : i32
        %add3A_1066 = arith.addi %mul3A_1064, %add3A_1065 : i32
        %get3A_1067 = arith.constant 0 : i32
        %get3A_1068 = arith.index_cast %get3A_1067 : i32 to index
        %get3A_1069 = arith.index_cast %add3A_1066 : i32 to index
        %get3A_1070 = arith.constant 0 : index
        %get3A_1071 = tpu.vector_load %arg6[%get3A_1068, %get3A_1069, %get3A_1070] {strides = array<i32>} : memref<2x640x64xf32, #tpu.memory_space<vmem>>, vector<1x1x16xf32>,
        %get3A_1072 = vector.shape_cast %get3A_1071 : vector<1x1x16xf32> to vector<16xf32>
        %add3A_1073 = arith.addf %add3A_1029, %get3A_1072 : vector<16xf32>
        %mul3A_1074 = arith.constant 20 : i32
        %mul3A_1075 = arith.muli %scan3A_352, %mul3A_1074 : i32
        %add3A_1076 = arith.constant 16 : i32
        %add3A_1077 = arith.addi %mul3A_1075, %add3A_1076 : i32
        %get3A_1078 = arith.constant 0 : i32
        %get3A_1079 = arith.index_cast %get3A_1078 : i32 to index
        %get3A_1080 = arith.index_cast %add3A_1077 : i32 to index
        %get3A_1081 = arith.constant 16 : index
        %get3A_1082 = tpu.vector_load %arg6[%get3A_1079, %get3A_1080, %get3A_1081] {strides = array<i32>} : memref<2x640x64xf32, #tpu.memory_space<vmem>>, vector<1x1x16xf32>,
        %get3A_1083 = vector.shape_cast %get3A_1082 : vector<1x1x16xf32> to vector<16xf32>
        %add3A_1084 = arith.addf %add3A_1040, %get3A_1083 : vector<16xf32>
        %mul3A_1085 = arith.constant 20 : i32
        %mul3A_1086 = arith.muli %scan3A_352, %mul3A_1085 : i32
        %add3A_1087 = arith.constant 16 : i32
        %add3A_1088 = arith.addi %mul3A_1086, %add3A_1087 : i32
        %get3A_1089 = arith.constant 0 : i32
        %get3A_1090 = arith.index_cast %get3A_1089 : i32 to index
        %get3A_1091 = arith.index_cast %add3A_1088 : i32 to index
        %get3A_1092 = arith.constant 32 : index
        %get3A_1093 = tpu.vector_load %arg6[%get3A_1090, %get3A_1091, %get3A_1092] {strides = array<i32>} : memref<2x640x64xf32, #tpu.memory_space<vmem>>, vector<1x1x16xf32>,
        %get3A_1094 = vector.shape_cast %get3A_1093 : vector<1x1x16xf32> to vector<16xf32>
        %add3A_1095 = arith.addf %add3A_1051, %get3A_1094 : vector<16xf32>
        %mul3A_1096 = arith.constant 20 : i32
        %mul3A_1097 = arith.muli %scan3A_352, %mul3A_1096 : i32
        %add3A_1098 = arith.constant 16 : i32
        %add3A_1099 = arith.addi %mul3A_1097, %add3A_1098 : i32
        %get3A_1100 = arith.constant 0 : i32
        %get3A_1101 = arith.index_cast %get3A_1100 : i32 to index
        %get3A_1102 = arith.index_cast %add3A_1099 : i32 to index
        %get3A_1103 = arith.constant 48 : index
        %get3A_1104 = tpu.vector_load %arg6[%get3A_1101, %get3A_1102, %get3A_1103] {strides = array<i32>} : memref<2x640x64xf32, #tpu.memory_space<vmem>>, vector<1x1x16xf32>,
        %get3A_1105 = vector.shape_cast %get3A_1104 : vector<1x1x16xf32> to vector<16xf32>
        %add3A_1106 = arith.addf %add3A_1062, %get3A_1105 : vector<16xf32>
        %mul3A_1107 = arith.constant 20 : i32
        %mul3A_1108 = arith.muli %scan3A_352, %mul3A_1107 : i32
        %add3A_1109 = arith.constant 17 : i32
        %add3A_1110 = arith.addi %mul3A_1108, %add3A_1109 : i32
        %get3A_1111 = arith.constant 0 : i32
        %get3A_1112 = arith.index_cast %get3A_1111 : i32 to index
        %get3A_1113 = arith.index_cast %add3A_1110 : i32 to index
        %get3A_1114 = arith.constant 0 : index
        %get3A_1115 = tpu.vector_load %arg6[%get3A_1112, %get3A_1113, %get3A_1114] {strides = array<i32>} : memref<2x640x64xf32, #tpu.memory_space<vmem>>, vector<1x1x16xf32>,
        %get3A_1116 = vector.shape_cast %get3A_1115 : vector<1x1x16xf32> to vector<16xf32>
        %add3A_1117 = arith.addf %add3A_1073, %get3A_1116 : vector<16xf32>
        %mul3A_1118 = arith.constant 20 : i32
        %mul3A_1119 = arith.muli %scan3A_352, %mul3A_1118 : i32
        %add3A_1120 = arith.constant 17 : i32
        %add3A_1121 = arith.addi %mul3A_1119, %add3A_1120 : i32
        %get3A_1122 = arith.constant 0 : i32
        %get3A_1123 = arith.index_cast %get3A_1122 : i32 to index
        %get3A_1124 = arith.index_cast %add3A_1121 : i32 to index
        %get3A_1125 = arith.constant 16 : index
        %get3A_1126 = tpu.vector_load %arg6[%get3A_1123, %get3A_1124, %get3A_1125] {strides = array<i32>} : memref<2x640x64xf32, #tpu.memory_space<vmem>>, vector<1x1x16xf32>,
        %get3A_1127 = vector.shape_cast %get3A_1126 : vector<1x1x16xf32> to vector<16xf32>
        %add3A_1128 = arith.addf %add3A_1084, %get3A_1127 : vector<16xf32>
        %mul3A_1129 = arith.constant 20 : i32
        %mul3A_1130 = arith.muli %scan3A_352, %mul3A_1129 : i32
        %add3A_1131 = arith.constant 17 : i32
        %add3A_1132 = arith.addi %mul3A_1130, %add3A_1131 : i32
        %get3A_1133 = arith.constant 0 : i32
        %get3A_1134 = arith.index_cast %get3A_1133 : i32 to index
        %get3A_1135 = arith.index_cast %add3A_1132 : i32 to index
        %get3A_1136 = arith.constant 32 : index
        %get3A_1137 = tpu.vector_load %arg6[%get3A_1134, %get3A_1135, %get3A_1136] {strides = array<i32>} : memref<2x640x64xf32, #tpu.memory_space<vmem>>, vector<1x1x16xf32>,
        %get3A_1138 = vector.shape_cast %get3A_1137 : vector<1x1x16xf32> to vector<16xf32>
        %add3A_1139 = arith.addf %add3A_1095, %get3A_1138 : vector<16xf32>
        %mul3A_1140 = arith.constant 20 : i32
        %mul3A_1141 = arith.muli %scan3A_352, %mul3A_1140 : i32
        %add3A_1142 = arith.constant 17 : i32
        %add3A_1143 = arith.addi %mul3A_1141, %add3A_1142 : i32
        %get3A_1144 = arith.constant 0 : i32
        %get3A_1145 = arith.index_cast %get3A_1144 : i32 to index
        %get3A_1146 = arith.index_cast %add3A_1143 : i32 to index
        %get3A_1147 = arith.constant 48 : index
        %get3A_1148 = tpu.vector_load %arg6[%get3A_1145, %get3A_1146, %get3A_1147] {strides = array<i32>} : memref<2x640x64xf32, #tpu.memory_space<vmem>>, vector<1x1x16xf32>,
        %get3A_1149 = vector.shape_cast %get3A_1148 : vector<1x1x16xf32> to vector<16xf32>
        %add3A_1150 = arith.addf %add3A_1106, %get3A_1149 : vector<16xf32>
        %mul3A_1151 = arith.constant 20 : i32
        %mul3A_1152 = arith.muli %scan3A_352, %mul3A_1151 : i32
        %add3A_1153 = arith.constant 18 : i32
        %add3A_1154 = arith.addi %mul3A_1152, %add3A_1153 : i32
        %get3A_1155 = arith.constant 0 : i32
        %get3A_1156 = arith.index_cast %get3A_1155 : i32 to index
        %get3A_1157 = arith.index_cast %add3A_1154 : i32 to index
        %get3A_1158 = arith.constant 0 : index
        %get3A_1159 = tpu.vector_load %arg6[%get3A_1156, %get3A_1157, %get3A_1158] {strides = array<i32>} : memref<2x640x64xf32, #tpu.memory_space<vmem>>, vector<1x1x16xf32>,
        %get3A_1160 = vector.shape_cast %get3A_1159 : vector<1x1x16xf32> to vector<16xf32>
        %add3A_1161 = arith.addf %add3A_1117, %get3A_1160 : vector<16xf32>
        %mul3A_1162 = arith.constant 20 : i32
        %mul3A_1163 = arith.muli %scan3A_352, %mul3A_1162 : i32
        %add3A_1164 = arith.constant 18 : i32
        %add3A_1165 = arith.addi %mul3A_1163, %add3A_1164 : i32
        %get3A_1166 = arith.constant 0 : i32
        %get3A_1167 = arith.index_cast %get3A_1166 : i32 to index
        %get3A_1168 = arith.index_cast %add3A_1165 : i32 to index
        %get3A_1169 = arith.constant 16 : index
        %get3A_1170 = tpu.vector_load %arg6[%get3A_1167, %get3A_1168, %get3A_1169] {strides = array<i32>} : memref<2x640x64xf32, #tpu.memory_space<vmem>>, vector<1x1x16xf32>,
        %get3A_1171 = vector.shape_cast %get3A_1170 : vector<1x1x16xf32> to vector<16xf32>
        %add3A_1172 = arith.addf %add3A_1128, %get3A_1171 : vector<16xf32>
        %mul3A_1173 = arith.constant 20 : i32
        %mul3A_1174 = arith.muli %scan3A_352, %mul3A_1173 : i32
        %add3A_1175 = arith.constant 18 : i32
        %add3A_1176 = arith.addi %mul3A_1174, %add3A_1175 : i32
        %get3A_1177 = arith.constant 0 : i32
        %get3A_1178 = arith.index_cast %get3A_1177 : i32 to index
        %get3A_1179 = arith.index_cast %add3A_1176 : i32 to index
        %get3A_1180 = arith.constant 32 : index
        %get3A_1181 = tpu.vector_load %arg6[%get3A_1178, %get3A_1179, %get3A_1180] {strides = array<i32>} : memref<2x640x64xf32, #tpu.memory_space<vmem>>, vector<1x1x16xf32>,
        %get3A_1182 = vector.shape_cast %get3A_1181 : vector<1x1x16xf32> to vector<16xf32>
        %add3A_1183 = arith.addf %add3A_1139, %get3A_1182 : vector<16xf32>
        %mul3A_1184 = arith.constant 20 : i32
        %mul3A_1185 = arith.muli %scan3A_352, %mul3A_1184 : i32
        %add3A_1186 = arith.constant 18 : i32
        %add3A_1187 = arith.addi %mul3A_1185, %add3A_1186 : i32
        %get3A_1188 = arith.constant 0 : i32
        %get3A_1189 = arith.index_cast %get3A_1188 : i32 to index
        %get3A_1190 = arith.index_cast %add3A_1187 : i32 to index
        %get3A_1191 = arith.constant 48 : index
        %get3A_1192 = tpu.vector_load %arg6[%get3A_1189, %get3A_1190, %get3A_1191] {strides = array<i32>} : memref<2x640x64xf32, #tpu.memory_space<vmem>>, vector<1x1x16xf32>,
        %get3A_1193 = vector.shape_cast %get3A_1192 : vector<1x1x16xf32> to vector<16xf32>
        %add3A_1194 = arith.addf %add3A_1150, %get3A_1193 : vector<16xf32>
        %mul3A_1195 = arith.constant 20 : i32
        %mul3A_1196 = arith.muli %scan3A_352, %mul3A_1195 : i32
        %add3A_1197 = arith.constant 19 : i32
        %add3A_1198 = arith.addi %mul3A_1196, %add3A_1197 : i32
        %get3A_1199 = arith.constant 0 : i32
        %get3A_1200 = arith.index_cast %get3A_1199 : i32 to index
        %get3A_1201 = arith.index_cast %add3A_1198 : i32 to index
        %get3A_1202 = arith.constant 0 : index
        %get3A_1203 = tpu.vector_load %arg6[%get3A_1200, %get3A_1201, %get3A_1202] {strides = array<i32>} : memref<2x640x64xf32, #tpu.memory_space<vmem>>, vector<1x1x16xf32>,
        %get3A_1204 = vector.shape_cast %get3A_1203 : vector<1x1x16xf32> to vector<16xf32>
        %add3A_1205 = arith.addf %add3A_1161, %get3A_1204 : vector<16xf32>
        %mul3A_1206 = arith.constant 20 : i32
        %mul3A_1207 = arith.muli %scan3A_352, %mul3A_1206 : i32
        %add3A_1208 = arith.constant 19 : i32
        %add3A_1209 = arith.addi %mul3A_1207, %add3A_1208 : i32
        %get3A_1210 = arith.constant 0 : i32
        %get3A_1211 = arith.index_cast %get3A_1210 : i32 to index
        %get3A_1212 = arith.index_cast %add3A_1209 : i32 to index
        %get3A_1213 = arith.constant 16 : index
        %get3A_1214 = tpu.vector_load %arg6[%get3A_1211, %get3A_1212, %get3A_1213] {strides = array<i32>} : memref<2x640x64xf32, #tpu.memory_space<vmem>>, vector<1x1x16xf32>,
        %get3A_1215 = vector.shape_cast %get3A_1214 : vector<1x1x16xf32> to vector<16xf32>
        %add3A_1216 = arith.addf %add3A_1172, %get3A_1215 : vector<16xf32>
        %mul3A_1217 = arith.constant 20 : i32
        %mul3A_1218 = arith.muli %scan3A_352, %mul3A_1217 : i32
        %add3A_1219 = arith.constant 19 : i32
        %add3A_1220 = arith.addi %mul3A_1218, %add3A_1219 : i32
        %get3A_1221 = arith.constant 0 : i32
        %get3A_1222 = arith.index_cast %get3A_1221 : i32 to index
        %get3A_1223 = arith.index_cast %add3A_1220 : i32 to index
        %get3A_1224 = arith.constant 32 : index
        %get3A_1225 = tpu.vector_load %arg6[%get3A_1222, %get3A_1223, %get3A_1224] {strides = array<i32>} : memref<2x640x64xf32, #tpu.memory_space<vmem>>, vector<1x1x16xf32>,
        %get3A_1226 = vector.shape_cast %get3A_1225 : vector<1x1x16xf32> to vector<16xf32>
        %add3A_1227 = arith.addf %add3A_1183, %get3A_1226 : vector<16xf32>
        %mul3A_1228 = arith.constant 20 : i32
        %mul3A_1229 = arith.muli %scan3A_352, %mul3A_1228 : i32
        %add3A_1230 = arith.constant 19 : i32
        %add3A_1231 = arith.addi %mul3A_1229, %add3A_1230 : i32
        %get3A_1232 = arith.constant 0 : i32
        %get3A_1233 = arith.index_cast %get3A_1232 : i32 to index
        %get3A_1234 = arith.index_cast %add3A_1231 : i32 to index
        %get3A_1235 = arith.constant 48 : index
        %get3A_1236 = tpu.vector_load %arg6[%get3A_1233, %get3A_1234, %get3A_1235] {strides = array<i32>} : memref<2x640x64xf32, #tpu.memory_space<vmem>>, vector<1x1x16xf32>,
        %get3A_1237 = vector.shape_cast %get3A_1236 : vector<1x1x16xf32> to vector<16xf32>
        %add3A_1238 = arith.addf %add3A_1194, %get3A_1237 : vector<16xf32>
        %mul3A_1239 = arith.constant 5.000000e-02 : f32
        %mul3A_1240 = vector.broadcast %mul3A_1239 : f32 to vector<16xf32>
        %mul3A_1241 = arith.mulf %add3A_1205, %mul3A_1240 : vector<16xf32>
        %add3A_1242 = arith.constant 0 : i32
        %add3A_1243 = arith.addi %add3A_1242, %scan3A_352 : i32
        %swap3A = arith.index_cast %add3A_1243 : i32 to index
        %swap3A_1244 = arith.constant 0 : index
        %swap3A_1245 = tpu.vector_load %arg7[%swap3A, %swap3A_1244] {strides = array<i32>} : memref<64x64xf32, #tpu.memory_space<vmem>>, vector<1x16xf32>,
        %swap3A_1246 = vector.shape_cast %swap3A_1245 : vector<1x16xf32> to vector<16xf32>
        %swap3A_1247 = vector.shape_cast %mul3A_1241 : vector<16xf32> to vector<1x16xf32>
        tpu.vector_store %arg7[%swap3A, %swap3A_1244], %swap3A_1247 {strides = array<i32>} : memref<64x64xf32, #tpu.memory_space<vmem>>, vector<1x16xf32>,
        %mul3A_1248 = arith.constant 5.000000e-02 : f32
        %mul3A_1249 = vector.broadcast %mul3A_1248 : f32 to vector<16xf32>
        %mul3A_1250 = arith.mulf %add3A_1216, %mul3A_1249 : vector<16xf32>
        %add3A_1251 = arith.constant 0 : i32
        %add3A_1252 = arith.addi %add3A_1251, %scan3A_352 : i32
        %swap3A_1253 = arith.index_cast %add3A_1252 : i32 to index
        %swap3A_1254 = arith.constant 16 : index
        %swap3A_1255 = tpu.vector_load %arg7[%swap3A_1253, %swap3A_1254] {strides = array<i32>} : memref<64x64xf32, #tpu.memory_space<vmem>>, vector<1x16xf32>,
        %swap3A_1256 = vector.shape_cast %swap3A_1255 : vector<1x16xf32> to vector<16xf32>
        %swap3A_1257 = vector.shape_cast %mul3A_1250 : vector<16xf32> to vector<1x16xf32>
        tpu.vector_store %arg7[%swap3A_1253, %swap3A_1254], %swap3A_1257 {strides = array<i32>} : memref<64x64xf32, #tpu.memory_space<vmem>>, vector<1x16xf32>,
        %mul3A_1258 = arith.constant 5.000000e-02 : f32
        %mul3A_1259 = vector.broadcast %mul3A_1258 : f32 to vector<16xf32>
        %mul3A_1260 = arith.mulf %add3A_1227, %mul3A_1259 : vector<16xf32>
        %add3A_1261 = arith.constant 0 : i32
        %add3A_1262 = arith.addi %add3A_1261, %scan3A_352 : i32
        %swap3A_1263 = arith.index_cast %add3A_1262 : i32 to index
        %swap3A_1264 = arith.constant 32 : index
        %swap3A_1265 = tpu.vector_load %arg7[%swap3A_1263, %swap3A_1264] {strides = array<i32>} : memref<64x64xf32, #tpu.memory_space<vmem>>, vector<1x16xf32>,
        %swap3A_1266 = vector.shape_cast %swap3A_1265 : vector<1x16xf32> to vector<16xf32>
        %swap3A_1267 = vector.shape_cast %mul3A_1260 : vector<16xf32> to vector<1x16xf32>
        tpu.vector_store %arg7[%swap3A_1263, %swap3A_1264], %swap3A_1267 {strides = array<i32>} : memref<64x64xf32, #tpu.memory_space<vmem>>, vector<1x16xf32>,
        %mul3A_1268 = arith.constant 5.000000e-02 : f32
        %mul3A_1269 = vector.broadcast %mul3A_1268 : f32 to vector<16xf32>
        %mul3A_1270 = arith.mulf %add3A_1238, %mul3A_1269 : vector<16xf32>
        %add3A_1271 = arith.constant 0 : i32
        %add3A_1272 = arith.addi %add3A_1271, %scan3A_352 : i32
        %swap3A_1273 = arith.index_cast %add3A_1272 : i32 to index
        %swap3A_1274 = arith.constant 48 : index
        %swap3A_1275 = tpu.vector_load %arg7[%swap3A_1273, %swap3A_1274] {strides = array<i32>} : memref<64x64xf32, #tpu.memory_space<vmem>>, vector<1x16xf32>,
        %swap3A_1276 = vector.shape_cast %swap3A_1275 : vector<1x16xf32> to vector<16xf32>
        %swap3A_1277 = vector.shape_cast %mul3A_1270 : vector<16xf32> to vector<1x16xf32>
        tpu.vector_store %arg7[%swap3A_1273, %swap3A_1274], %swap3A_1277 {strides = array<i32>} : memref<64x64xf32, #tpu.memory_space<vmem>>, vector<1x16xf32>,
      }
      %scan3A_229 = arith.constant 32 : i32
      %add3A_230 = arith.addi %mul3A_2, %min3A_137 : i32
      %mul3A_231 = arith.constant 1280 : i32
      %mul3A_232 = arith.muli %add3A_230, %mul3A_231 : i32
      %add3A_233 = arith.constant 0 : i32
      %add3A_234 = arith.addi %mul3A_232, %add3A_233 : i32
      %dma_start3A_235 = arith.constant 0 : i32
      %dma_start3A_236 = arith.constant 0 : i32
      %dma_start3A_237 = tpu.memref_slice %arg5[%dma_start3A_235, %dma_start3A_236] : memref<2x640xi32, #tpu.memory_space<vmem>> -> memref<1x640xi32, #tpu.memory_space<vmem>>
      %dma_start3A_238 = tpu.memref_squeeze %dma_start3A_237 : memref<1x640xi32, #tpu.memory_space<vmem>> -> memref<640xi32, #tpu.memory_space<vmem>>
      %dma_start3A_239 = tpu.memref_slice %arg2[%add3A_234] : memref<1310720xi32, #tpu.memory_space<hbm>> -> memref<640xi32, #tpu.memory_space<hbm>>
      %dma_start3A_240 = arith.constant 0 : i32
      %dma_start3A_241 = tpu.memref_slice %arg5[%dma_start3A_235, %dma_start3A_240] : memref<2x640xi32, #tpu.memory_space<vmem>> -> memref<1x640xi32, #tpu.memory_space<vmem>>
      %dma_start3A_242 = tpu.memref_squeeze %dma_start3A_241 : memref<1x640xi32, #tpu.memory_space<vmem>> -> memref<640xi32, #tpu.memory_space<vmem>>
      %dma_start3A_243 = tpu.memref_slice %arg2[%add3A_234] : memref<1310720xi32, #tpu.memory_space<hbm>> -> memref<640xi32, #tpu.memory_space<hbm>>
      tpu.enqueue_dma source(%dma_start3A_243 : memref<640xi32, #tpu.memory_space<hbm>>) target(%dma_start3A_242 : memref<640xi32, #tpu.memory_space<vmem>>) target_semaphore(%arg10 : memref<!tpu.dma_semaphore, #tpu.memory_space<semaphore_mem>>)
      %dma_wait3A_244 = arith.constant 0 : i32
      %dma_wait3A_245 = arith.constant 0 : i32
      %dma_wait3A_246 = tpu.memref_slice %arg5[%dma_wait3A_244, %dma_wait3A_245] : memref<2x640xi32, #tpu.memory_space<vmem>> -> memref<1x640xi32, #tpu.memory_space<vmem>>
      %dma_wait3A_247 = tpu.memref_squeeze %dma_wait3A_246 : memref<1x640xi32, #tpu.memory_space<vmem>> -> memref<640xi32, #tpu.memory_space<vmem>>
      %dma_wait3A_248 = arith.constant 0 : i32
      %dma_wait3A_249 = tpu.memref_slice %arg2[%dma_wait3A_248] : memref<1310720xi32, #tpu.memory_space<hbm>> -> memref<640xi32, #tpu.memory_space<hbm>>
      %dma_wait3A_250 = arith.constant 0 : i32
      %dma_wait3A_251 = tpu.memref_slice %arg5[%dma_wait3A_244, %dma_wait3A_250] : memref<2x640xi32, #tpu.memory_space<vmem>> -> memref<1x640xi32, #tpu.memory_space<vmem>>
      %dma_wait3A_252 = tpu.memref_squeeze %dma_wait3A_251 : memref<1x640xi32, #tpu.memory_space<vmem>> -> memref<640xi32, #tpu.memory_space<vmem>>
      %dma_wait3A_253 = arith.constant 0 : i32
      %dma_wait3A_254 = tpu.memref_slice %arg2[%dma_wait3A_253] : memref<1310720xi32, #tpu.memory_space<hbm>> -> memref<640xi32, #tpu.memory_space<hbm>>
      tpu.wait_dma2 semaphore(%arg10 : memref<!tpu.dma_semaphore, #tpu.memory_space<semaphore_mem>>) src(%dma_wait3A_254 : memref<640xi32, #tpu.memory_space<hbm>>) dst(%dma_wait3A_252 : memref<640xi32, #tpu.memory_space<vmem>>)
      %dma_start3A_255 = arith.constant 0 : i32
      %dma_start3A_256 = arith.constant 0 : i32
      %dma_start3A_257 = arith.constant 0 : i32
      %dma_start3A_258 = arith.constant 0 : i32
      %dma_start3A_259 = tpu.memref_slice %arg6[%dma_start3A_256, %dma_start3A_257, %dma_start3A_258] : memref<2x640x64xf32, #tpu.memory_space<vmem>> -> memref<1x128x64xf32, #tpu.memory_space<vmem>>
      %dma_start3A_260 = tpu.memref_squeeze %dma_start3A_259 : memref<1x128x64xf32, #tpu.memory_space<vmem>> -> memref<128x64xf32, #tpu.memory_space<vmem>>
      %dma_start3A_261 = arith.constant 0 : i32
      %dma_start3A_262 = tpu.memref_slice %arg5[%dma_start3A_255, %dma_start3A_261] : memref<2x640xi32, #tpu.memory_space<vmem>> -> memref<1x128xi32, #tpu.memory_space<vmem>>
      %dma_start3A_263 = tpu.memref_squeeze %dma_start3A_262 : memref<1x128xi32, #tpu.memory_space<vmem>> -> memref<128xi32, #tpu.memory_space<vmem>>
      %dma_start3A_264 = arith.constant 0 : i32
      %dma_start3A_265 = arith.constant 0 : i32
      %dma_start3A_266 = tpu.memref_slice %arg3[%dma_start3A_264, %dma_start3A_265] : memref<1000000x64xf32, #tpu.memory_space<hbm>> -> memref<1000000x64xf32, #tpu.memory_space<hbm>>
      tpu.enqueue_indirect_dma source(%dma_start3A_266 : memref<1000000x64xf32, #tpu.memory_space<hbm>>) target(%dma_start3A_260 : memref<128x64xf32, #tpu.memory_space<vmem>>) offsets(%dma_start3A_263 : memref<128xi32, #tpu.memory_space<vmem>>) semaphore(%arg8 : memref<!tpu.dma_semaphore, #tpu.memory_space<semaphore_mem>>)
      %dma_start3A_267 = arith.constant 0 : i32
      %dma_start3A_268 = arith.constant 0 : i32
      %dma_start3A_269 = arith.constant 128 : i32
      %dma_start3A_270 = arith.constant 0 : i32
      %dma_start3A_271 = tpu.memref_slice %arg6[%dma_start3A_268, %dma_start3A_269, %dma_start3A_270] : memref<2x640x64xf32, #tpu.memory_space<vmem>> -> memref<1x128x64xf32, #tpu.memory_space<vmem>>
      %dma_start3A_272 = tpu.memref_squeeze %dma_start3A_271 : memref<1x128x64xf32, #tpu.memory_space<vmem>> -> memref<128x64xf32, #tpu.memory_space<vmem>>
      %dma_start3A_273 = arith.constant 128 : i32
      %dma_start3A_274 = tpu.memref_slice %arg5[%dma_start3A_267, %dma_start3A_273] : memref<2x640xi32, #tpu.memory_space<vmem>> -> memref<1x128xi32, #tpu.memory_space<vmem>>
      %dma_start3A_275 = tpu.memref_squeeze %dma_start3A_274 : memref<1x128xi32, #tpu.memory_space<vmem>> -> memref<128xi32, #tpu.memory_space<vmem>>
      %dma_start3A_276 = arith.constant 0 : i32
      %dma_start3A_277 = arith.constant 0 : i32
      %dma_start3A_278 = tpu.memref_slice %arg3[%dma_start3A_276, %dma_start3A_277] : memref<1000000x64xf32, #tpu.memory_space<hbm>> -> memref<1000000x64xf32, #tpu.memory_space<hbm>>
      tpu.enqueue_indirect_dma source(%dma_start3A_278 : memref<1000000x64xf32, #tpu.memory_space<hbm>>) target(%dma_start3A_272 : memref<128x64xf32, #tpu.memory_space<vmem>>) offsets(%dma_start3A_275 : memref<128xi32, #tpu.memory_space<vmem>>) semaphore(%arg8 : memref<!tpu.dma_semaphore, #tpu.memory_space<semaphore_mem>>)
      %dma_start3A_279 = arith.constant 0 : i32
      %dma_start3A_280 = arith.constant 0 : i32
      %dma_start3A_281 = arith.constant 256 : i32
      %dma_start3A_282 = arith.constant 0 : i32
      %dma_start3A_283 = tpu.memref_slice %arg6[%dma_start3A_280, %dma_start3A_281, %dma_start3A_282] : memref<2x640x64xf32, #tpu.memory_space<vmem>> -> memref<1x128x64xf32, #tpu.memory_space<vmem>>
      %dma_start3A_284 = tpu.memref_squeeze %dma_start3A_283 : memref<1x128x64xf32, #tpu.memory_space<vmem>> -> memref<128x64xf32, #tpu.memory_space<vmem>>
      %dma_start3A_285 = arith.constant 256 : i32
      %dma_start3A_286 = tpu.memref_slice %arg5[%dma_start3A_279, %dma_start3A_285] : memref<2x640xi32, #tpu.memory_space<vmem>> -> memref<1x128xi32, #tpu.memory_space<vmem>>
      %dma_start3A_287 = tpu.memref_squeeze %dma_start3A_286 : memref<1x128xi32, #tpu.memory_space<vmem>> -> memref<128xi32, #tpu.memory_space<vmem>>
      %dma_start3A_288 = arith.constant 0 : i32
      %dma_start3A_289 = arith.constant 0 : i32
      %dma_start3A_290 = tpu.memref_slice %arg3[%dma_start3A_288, %dma_start3A_289] : memref<1000000x64xf32, #tpu.memory_space<hbm>> -> memref<1000000x64xf32, #tpu.memory_space<hbm>>
      tpu.enqueue_indirect_dma source(%dma_start3A_290 : memref<1000000x64xf32, #tpu.memory_space<hbm>>) target(%dma_start3A_284 : memref<128x64xf32, #tpu.memory_space<vmem>>) offsets(%dma_start3A_287 : memref<128xi32, #tpu.memory_space<vmem>>) semaphore(%arg8 : memref<!tpu.dma_semaphore, #tpu.memory_space<semaphore_mem>>)
      %dma_start3A_291 = arith.constant 0 : i32
      %dma_start3A_292 = arith.constant 0 : i32
      %dma_start3A_293 = arith.constant 384 : i32
      %dma_start3A_294 = arith.constant 0 : i32
      %dma_start3A_295 = tpu.memref_slice %arg6[%dma_start3A_292, %dma_start3A_293, %dma_start3A_294] : memref<2x640x64xf32, #tpu.memory_space<vmem>> -> memref<1x128x64xf32, #tpu.memory_space<vmem>>
      %dma_start3A_296 = tpu.memref_squeeze %dma_start3A_295 : memref<1x128x64xf32, #tpu.memory_space<vmem>> -> memref<128x64xf32, #tpu.memory_space<vmem>>
      %dma_start3A_297 = arith.constant 384 : i32
      %dma_start3A_298 = tpu.memref_slice %arg5[%dma_start3A_291, %dma_start3A_297] : memref<2x640xi32, #tpu.memory_space<vmem>> -> memref<1x128xi32, #tpu.memory_space<vmem>>
      %dma_start3A_299 = tpu.memref_squeeze %dma_start3A_298 : memref<1x128xi32, #tpu.memory_space<vmem>> -> memref<128xi32, #tpu.memory_space<vmem>>
      %dma_start3A_300 = arith.constant 0 : i32
      %dma_start3A_301 = arith.constant 0 : i32
      %dma_start3A_302 = tpu.memref_slice %arg3[%dma_start3A_300, %dma_start3A_301] : memref<1000000x64xf32, #tpu.memory_space<hbm>> -> memref<1000000x64xf32, #tpu.memory_space<hbm>>
      tpu.enqueue_indirect_dma source(%dma_start3A_302 : memref<1000000x64xf32, #tpu.memory_space<hbm>>) target(%dma_start3A_296 : memref<128x64xf32, #tpu.memory_space<vmem>>) offsets(%dma_start3A_299 : memref<128xi32, #tpu.memory_space<vmem>>) semaphore(%arg8 : memref<!tpu.dma_semaphore, #tpu.memory_space<semaphore_mem>>)
      %dma_start3A_303 = arith.constant 0 : i32
      %dma_start3A_304 = arith.constant 0 : i32
      %dma_start3A_305 = arith.constant 512 : i32
      %dma_start3A_306 = arith.constant 0 : i32
      %dma_start3A_307 = tpu.memref_slice %arg6[%dma_start3A_304, %dma_start3A_305, %dma_start3A_306] : memref<2x640x64xf32, #tpu.memory_space<vmem>> -> memref<1x128x64xf32, #tpu.memory_space<vmem>>
      %dma_start3A_308 = tpu.memref_squeeze %dma_start3A_307 : memref<1x128x64xf32, #tpu.memory_space<vmem>> -> memref<128x64xf32, #tpu.memory_space<vmem>>
      %dma_start3A_309 = arith.constant 512 : i32
      %dma_start3A_310 = tpu.memref_slice %arg5[%dma_start3A_303, %dma_start3A_309] : memref<2x640xi32, #tpu.memory_space<vmem>> -> memref<1x128xi32, #tpu.memory_space<vmem>>
      %dma_start3A_311 = tpu.memref_squeeze %dma_start3A_310 : memref<1x128xi32, #tpu.memory_space<vmem>> -> memref<128xi32, #tpu.memory_space<vmem>>
      %dma_start3A_312 = arith.constant 0 : i32
      %dma_start3A_313 = arith.constant 0 : i32
      %dma_start3A_314 = tpu.memref_slice %arg3[%dma_start3A_312, %dma_start3A_313] : memref<1000000x64xf32, #tpu.memory_space<hbm>> -> memref<1000000x64xf32, #tpu.memory_space<hbm>>
      tpu.enqueue_indirect_dma source(%dma_start3A_314 : memref<1000000x64xf32, #tpu.memory_space<hbm>>) target(%dma_start3A_308 : memref<128x64xf32, #tpu.memory_space<vmem>>) offsets(%dma_start3A_311 : memref<128xi32, #tpu.memory_space<vmem>>) semaphore(%arg8 : memref<!tpu.dma_semaphore, #tpu.memory_space<semaphore_mem>>)
      %dma_wait3A_315 = arith.constant 1 : i32
      %dma_wait3A_316 = arith.constant 0 : i32
      %dma_wait3A_317 = arith.constant 0 : i32
      %dma_wait3A_318 = tpu.memref_slice %arg6[%dma_wait3A_315, %dma_wait3A_316, %dma_wait3A_317] : memref<2x640x64xf32, #tpu.memory_space<vmem>> -> memref<1x640x64xf32, #tpu.memory_space<vmem>>
      %dma_wait3A_319 = tpu.memref_squeeze %dma_wait3A_318 : memref<1x640x64xf32, #tpu.memory_space<vmem>> -> memref<640x64xf32, #tpu.memory_space<vmem>>
      %dma_wait3A_320 = arith.constant 0 : i32
      %dma_wait3A_321 = arith.constant 0 : i32
      %dma_wait3A_322 = tpu.memref_slice %arg3[%dma_wait3A_320, %dma_wait3A_321] : memref<1000000x64xf32, #tpu.memory_space<hbm>> -> memref<640x64xf32, #tpu.memory_space<hbm>>
      %dma_wait3A_323 = arith.constant 0 : i32
      %dma_wait3A_324 = arith.constant 0 : i32
      %dma_wait3A_325 = tpu.memref_slice %arg6[%dma_wait3A_315, %dma_wait3A_323, %dma_wait3A_324] : memref<2x640x64xf32, #tpu.memory_space<vmem>> -> memref<1x640x64xf32, #tpu.memory_space<vmem>>
      %dma_wait3A_326 = tpu.memref_squeeze %dma_wait3A_325 : memref<1x640x64xf32, #tpu.memory_space<vmem>> -> memref<640x64xf32, #tpu.memory_space<vmem>>
      %dma_wait3A_327 = arith.constant 0 : i32
      %dma_wait3A_328 = arith.constant 0 : i32
      %dma_wait3A_329 = tpu.memref_slice %arg3[%dma_wait3A_327, %dma_wait3A_328] : memref<1000000x64xf32, #tpu.memory_space<hbm>> -> memref<640x64xf32, #tpu.memory_space<hbm>>
      tpu.wait_dma2 semaphore(%arg9 : memref<!tpu.dma_semaphore, #tpu.memory_space<semaphore_mem>>) src(%dma_wait3A_329 : memref<640x64xf32, #tpu.memory_space<hbm>>) dst(%dma_wait3A_326 : memref<640x64xf32, #tpu.memory_space<vmem>>)
      %scan3A_330 = arith.constant 0 : i32
      %scan3A_331 = arith.constant 0 : i32
      %scan3A_332 = arith.constant 32 : i32
      %scan3A_333 = arith.addi %scan3A_331, %scan3A_332 : i32
      %scan3A_334 = arith.constant 1 : i32
      scf.for %scan3A_352 = %scan3A_331 to %scan3A_333 step %scan3A_334  : i32 {
        %broadcast_in_dim3A = arith.constant 0.000000e+00 : f32
        %broadcast_in_dim3A_353 = vector.broadcast %broadcast_in_dim3A : f32 to vector<16xf32>
        %broadcast_in_dim3A_354 = arith.constant 0.000000e+00 : f32
        %broadcast_in_dim3A_355 = vector.broadcast %broadcast_in_dim3A_354 : f32 to vector<16xf32>
        %broadcast_in_dim3A_356 = arith.constant 0.000000e+00 : f32
        %broadcast_in_dim3A_357 = vector.broadcast %broadcast_in_dim3A_356 : f32 to vector<16xf32>
        %broadcast_in_dim3A_358 = arith.constant 0.000000e+00 : f32
        %broadcast_in_dim3A_359 = vector.broadcast %broadcast_in_dim3A_358 : f32 to vector<16xf32>
        %mul3A_360 = arith.constant 20 : i32
        %mul3A_361 = arith.muli %scan3A_352, %mul3A_360 : i32
        %add3A_362 = arith.constant 0 : i32
        %add3A_363 = arith.addi %mul3A_361, %add3A_362 : i32
        %get3A = arith.constant 1 : i32
        %get3A_364 = arith.index_cast %get3A : i32 to index
        %get3A_365 = arith.index_cast %add3A_363 : i32 to index
        %get3A_366 = arith.constant 0 : index
        %get3A_367 = tpu.vector_load %arg6[%get3A_364, %get3A_365, %get3A_366] {strides = array<i32>} : memref<2x640x64xf32, #tpu.memory_space<vmem>>, vector<1x1x16xf32>,
        %get3A_368 = vector.shape_cast %get3A_367 : vector<1x1x16xf32> to vector<16xf32>
        %add3A_369 = arith.addf %broadcast_in_dim3A_353, %get3A_368 : vector<16xf32>
        %mul3A_370 = arith.constant 20 : i32
        %mul3A_371 = arith.muli %scan3A_352, %mul3A_370 : i32
        %add3A_372 = arith.constant 0 : i32
        %add3A_373 = arith.addi %mul3A_371, %add3A_372 : i32
        %get3A_374 = arith.constant 1 : i32
        %get3A_375 = arith.index_cast %get3A_374 : i32 to index
        %get3A_376 = arith.index_cast %add3A_373 : i32 to index
        %get3A_377 = arith.constant 16 : index
        %get3A_378 = tpu.vector_load %arg6[%get3A_375, %get3A_376, %get3A_377] {strides = array<i32>} : memref<2x640x64xf32, #tpu.memory_space<vmem>>, vector<1x1x16xf32>,
        %get3A_379 = vector.shape_cast %get3A_378 : vector<1x1x16xf32> to vector<16xf32>
        %add3A_380 = arith.addf %broadcast_in_dim3A_355, %get3A_379 : vector<16xf32>
        %mul3A_381 = arith.constant 20 : i32
        %mul3A_382 = arith.muli %scan3A_352, %mul3A_381 : i32
        %add3A_383 = arith.constant 0 : i32
        %add3A_384 = arith.addi %mul3A_382, %add3A_383 : i32
        %get3A_385 = arith.constant 1 : i32
        %get3A_386 = arith.index_cast %get3A_385 : i32 to index
        %get3A_387 = arith.index_cast %add3A_384 : i32 to index
        %get3A_388 = arith.constant 32 : index
        %get3A_389 = tpu.vector_load %arg6[%get3A_386, %get3A_387, %get3A_388] {strides = array<i32>} : memref<2x640x64xf32, #tpu.memory_space<vmem>>, vector<1x1x16xf32>,
        %get3A_390 = vector.shape_cast %get3A_389 : vector<1x1x16xf32> to vector<16xf32>
        %add3A_391 = arith.addf %broadcast_in_dim3A_357, %get3A_390 : vector<16xf32>
        %mul3A_392 = arith.constant 20 : i32
        %mul3A_393 = arith.muli %scan3A_352, %mul3A_392 : i32
        %add3A_394 = arith.constant 0 : i32
        %add3A_395 = arith.addi %mul3A_393, %add3A_394 : i32
        %get3A_396 = arith.constant 1 : i32
        %get3A_397 = arith.index_cast %get3A_396 : i32 to index
        %get3A_398 = arith.index_cast %add3A_395 : i32 to index
        %get3A_399 = arith.constant 48 : index
        %get3A_400 = tpu.vector_load %arg6[%get3A_397, %get3A_398, %get3A_399] {strides = array<i32>} : memref<2x640x64xf32, #tpu.memory_space<vmem>>, vector<1x1x16xf32>,
        %get3A_401 = vector.shape_cast %get3A_400 : vector<1x1x16xf32> to vector<16xf32>
        %add3A_402 = arith.addf %broadcast_in_dim3A_359, %get3A_401 : vector<16xf32>
        %mul3A_403 = arith.constant 20 : i32
        %mul3A_404 = arith.muli %scan3A_352, %mul3A_403 : i32
        %add3A_405 = arith.constant 1 : i32
        %add3A_406 = arith.addi %mul3A_404, %add3A_405 : i32
        %get3A_407 = arith.constant 1 : i32
        %get3A_408 = arith.index_cast %get3A_407 : i32 to index
        %get3A_409 = arith.index_cast %add3A_406 : i32 to index
        %get3A_410 = arith.constant 0 : index
        %get3A_411 = tpu.vector_load %arg6[%get3A_408, %get3A_409, %get3A_410] {strides = array<i32>} : memref<2x640x64xf32, #tpu.memory_space<vmem>>, vector<1x1x16xf32>,
        %get3A_412 = vector.shape_cast %get3A_411 : vector<1x1x16xf32> to vector<16xf32>
        %add3A_413 = arith.addf %add3A_369, %get3A_412 : vector<16xf32>
        %mul3A_414 = arith.constant 20 : i32
        %mul3A_415 = arith.muli %scan3A_352, %mul3A_414 : i32
        %add3A_416 = arith.constant 1 : i32
        %add3A_417 = arith.addi %mul3A_415, %add3A_416 : i32
        %get3A_418 = arith.constant 1 : i32
        %get3A_419 = arith.index_cast %get3A_418 : i32 to index
        %get3A_420 = arith.index_cast %add3A_417 : i32 to index
        %get3A_421 = arith.constant 16 : index
        %get3A_422 = tpu.vector_load %arg6[%get3A_419, %get3A_420, %get3A_421] {strides = array<i32>} : memref<2x640x64xf32, #tpu.memory_space<vmem>>, vector<1x1x16xf32>,
        %get3A_423 = vector.shape_cast %get3A_422 : vector<1x1x16xf32> to vector<16xf32>
        %add3A_424 = arith.addf %add3A_380, %get3A_423 : vector<16xf32>
        %mul3A_425 = arith.constant 20 : i32
        %mul3A_426 = arith.muli %scan3A_352, %mul3A_425 : i32
        %add3A_427 = arith.constant 1 : i32
        %add3A_428 = arith.addi %mul3A_426, %add3A_427 : i32
        %get3A_429 = arith.constant 1 : i32
        %get3A_430 = arith.index_cast %get3A_429 : i32 to index
        %get3A_431 = arith.index_cast %add3A_428 : i32 to index
        %get3A_432 = arith.constant 32 : index
        %get3A_433 = tpu.vector_load %arg6[%get3A_430, %get3A_431, %get3A_432] {strides = array<i32>} : memref<2x640x64xf32, #tpu.memory_space<vmem>>, vector<1x1x16xf32>,
        %get3A_434 = vector.shape_cast %get3A_433 : vector<1x1x16xf32> to vector<16xf32>
        %add3A_435 = arith.addf %add3A_391, %get3A_434 : vector<16xf32>
        %mul3A_436 = arith.constant 20 : i32
        %mul3A_437 = arith.muli %scan3A_352, %mul3A_436 : i32
        %add3A_438 = arith.constant 1 : i32
        %add3A_439 = arith.addi %mul3A_437, %add3A_438 : i32
        %get3A_440 = arith.constant 1 : i32
        %get3A_441 = arith.index_cast %get3A_440 : i32 to index
        %get3A_442 = arith.index_cast %add3A_439 : i32 to index
        %get3A_443 = arith.constant 48 : index
        %get3A_444 = tpu.vector_load %arg6[%get3A_441, %get3A_442, %get3A_443] {strides = array<i32>} : memref<2x640x64xf32, #tpu.memory_space<vmem>>, vector<1x1x16xf32>,
        %get3A_445 = vector.shape_cast %get3A_444 : vector<1x1x16xf32> to vector<16xf32>
        %add3A_446 = arith.addf %add3A_402, %get3A_445 : vector<16xf32>
        %mul3A_447 = arith.constant 20 : i32
        %mul3A_448 = arith.muli %scan3A_352, %mul3A_447 : i32
        %add3A_449 = arith.constant 2 : i32
        %add3A_450 = arith.addi %mul3A_448, %add3A_449 : i32
        %get3A_451 = arith.constant 1 : i32
        %get3A_452 = arith.index_cast %get3A_451 : i32 to index
        %get3A_453 = arith.index_cast %add3A_450 : i32 to index
        %get3A_454 = arith.constant 0 : index
        %get3A_455 = tpu.vector_load %arg6[%get3A_452, %get3A_453, %get3A_454] {strides = array<i32>} : memref<2x640x64xf32, #tpu.memory_space<vmem>>, vector<1x1x16xf32>,
        %get3A_456 = vector.shape_cast %get3A_455 : vector<1x1x16xf32> to vector<16xf32>
        %add3A_457 = arith.addf %add3A_413, %get3A_456 : vector<16xf32>
        %mul3A_458 = arith.constant 20 : i32
        %mul3A_459 = arith.muli %scan3A_352, %mul3A_458 : i32
        %add3A_460 = arith.constant 2 : i32
        %add3A_461 = arith.addi %mul3A_459, %add3A_460 : i32
        %get3A_462 = arith.constant 1 : i32
        %get3A_463 = arith.index_cast %get3A_462 : i32 to index
        %get3A_464 = arith.index_cast %add3A_461 : i32 to index
        %get3A_465 = arith.constant 16 : index
        %get3A_466 = tpu.vector_load %arg6[%get3A_463, %get3A_464, %get3A_465] {strides = array<i32>} : memref<2x640x64xf32, #tpu.memory_space<vmem>>, vector<1x1x16xf32>,
        %get3A_467 = vector.shape_cast %get3A_466 : vector<1x1x16xf32> to vector<16xf32>
        %add3A_468 = arith.addf %add3A_424, %get3A_467 : vector<16xf32>
        %mul3A_469 = arith.constant 20 : i32
        %mul3A_470 = arith.muli %scan3A_352, %mul3A_469 : i32
        %add3A_471 = arith.constant 2 : i32
        %add3A_472 = arith.addi %mul3A_470, %add3A_471 : i32
        %get3A_473 = arith.constant 1 : i32
        %get3A_474 = arith.index_cast %get3A_473 : i32 to index
        %get3A_475 = arith.index_cast %add3A_472 : i32 to index
        %get3A_476 = arith.constant 32 : index
        %get3A_477 = tpu.vector_load %arg6[%get3A_474, %get3A_475, %get3A_476] {strides = array<i32>} : memref<2x640x64xf32, #tpu.memory_space<vmem>>, vector<1x1x16xf32>,
        %get3A_478 = vector.shape_cast %get3A_477 : vector<1x1x16xf32> to vector<16xf32>
        %add3A_479 = arith.addf %add3A_435, %get3A_478 : vector<16xf32>
        %mul3A_480 = arith.constant 20 : i32
        %mul3A_481 = arith.muli %scan3A_352, %mul3A_480 : i32
        %add3A_482 = arith.constant 2 : i32
        %add3A_483 = arith.addi %mul3A_481, %add3A_482 : i32
        %get3A_484 = arith.constant 1 : i32
        %get3A_485 = arith.index_cast %get3A_484 : i32 to index
        %get3A_486 = arith.index_cast %add3A_483 : i32 to index
        %get3A_487 = arith.constant 48 : index
        %get3A_488 = tpu.vector_load %arg6[%get3A_485, %get3A_486, %get3A_487] {strides = array<i32>} : memref<2x640x64xf32, #tpu.memory_space<vmem>>, vector<1x1x16xf32>,
        %get3A_489 = vector.shape_cast %get3A_488 : vector<1x1x16xf32> to vector<16xf32>
        %add3A_490 = arith.addf %add3A_446, %get3A_489 : vector<16xf32>
        %mul3A_491 = arith.constant 20 : i32
        %mul3A_492 = arith.muli %scan3A_352, %mul3A_491 : i32
        %add3A_493 = arith.constant 3 : i32
        %add3A_494 = arith.addi %mul3A_492, %add3A_493 : i32
        %get3A_495 = arith.constant 1 : i32
        %get3A_496 = arith.index_cast %get3A_495 : i32 to index
        %get3A_497 = arith.index_cast %add3A_494 : i32 to index
        %get3A_498 = arith.constant 0 : index
        %get3A_499 = tpu.vector_load %arg6[%get3A_496, %get3A_497, %get3A_498] {strides = array<i32>} : memref<2x640x64xf32, #tpu.memory_space<vmem>>, vector<1x1x16xf32>,
        %get3A_500 = vector.shape_cast %get3A_499 : vector<1x1x16xf32> to vector<16xf32>
        %add3A_501 = arith.addf %add3A_457, %get3A_500 : vector<16xf32>
        %mul3A_502 = arith.constant 20 : i32
        %mul3A_503 = arith.muli %scan3A_352, %mul3A_502 : i32
        %add3A_504 = arith.constant 3 : i32
        %add3A_505 = arith.addi %mul3A_503, %add3A_504 : i32
        %get3A_506 = arith.constant 1 : i32
        %get3A_507 = arith.index_cast %get3A_506 : i32 to index
        %get3A_508 = arith.index_cast %add3A_505 : i32 to index
        %get3A_509 = arith.constant 16 : index
        %get3A_510 = tpu.vector_load %arg6[%get3A_507, %get3A_508, %get3A_509] {strides = array<i32>} : memref<2x640x64xf32, #tpu.memory_space<vmem>>, vector<1x1x16xf32>,
        %get3A_511 = vector.shape_cast %get3A_510 : vector<1x1x16xf32> to vector<16xf32>
        %add3A_512 = arith.addf %add3A_468, %get3A_511 : vector<16xf32>
        %mul3A_513 = arith.constant 20 : i32
        %mul3A_514 = arith.muli %scan3A_352, %mul3A_513 : i32
        %add3A_515 = arith.constant 3 : i32
        %add3A_516 = arith.addi %mul3A_514, %add3A_515 : i32
        %get3A_517 = arith.constant 1 : i32
        %get3A_518 = arith.index_cast %get3A_517 : i32 to index
        %get3A_519 = arith.index_cast %add3A_516 : i32 to index
        %get3A_520 = arith.constant 32 : index
        %get3A_521 = tpu.vector_load %arg6[%get3A_518, %get3A_519, %get3A_520] {strides = array<i32>} : memref<2x640x64xf32, #tpu.memory_space<vmem>>, vector<1x1x16xf32>,
        %get3A_522 = vector.shape_cast %get3A_521 : vector<1x1x16xf32> to vector<16xf32>
        %add3A_523 = arith.addf %add3A_479, %get3A_522 : vector<16xf32>
        %mul3A_524 = arith.constant 20 : i32
        %mul3A_525 = arith.muli %scan3A_352, %mul3A_524 : i32
        %add3A_526 = arith.constant 3 : i32
        %add3A_527 = arith.addi %mul3A_525, %add3A_526 : i32
        %get3A_528 = arith.constant 1 : i32
        %get3A_529 = arith.index_cast %get3A_528 : i32 to index
        %get3A_530 = arith.index_cast %add3A_527 : i32 to index
        %get3A_531 = arith.constant 48 : index
        %get3A_532 = tpu.vector_load %arg6[%get3A_529, %get3A_530, %get3A_531] {strides = array<i32>} : memref<2x640x64xf32, #tpu.memory_space<vmem>>, vector<1x1x16xf32>,
        %get3A_533 = vector.shape_cast %get3A_532 : vector<1x1x16xf32> to vector<16xf32>
        %add3A_534 = arith.addf %add3A_490, %get3A_533 : vector<16xf32>
        %mul3A_535 = arith.constant 20 : i32
        %mul3A_536 = arith.muli %scan3A_352, %mul3A_535 : i32
        %add3A_537 = arith.constant 4 : i32
        %add3A_538 = arith.addi %mul3A_536, %add3A_537 : i32
        %get3A_539 = arith.constant 1 : i32
        %get3A_540 = arith.index_cast %get3A_539 : i32 to index
        %get3A_541 = arith.index_cast %add3A_538 : i32 to index
        %get3A_542 = arith.constant 0 : index
        %get3A_543 = tpu.vector_load %arg6[%get3A_540, %get3A_541, %get3A_542] {strides = array<i32>} : memref<2x640x64xf32, #tpu.memory_space<vmem>>, vector<1x1x16xf32>,
        %get3A_544 = vector.shape_cast %get3A_543 : vector<1x1x16xf32> to vector<16xf32>
        %add3A_545 = arith.addf %add3A_501, %get3A_544 : vector<16xf32>
        %mul3A_546 = arith.constant 20 : i32
        %mul3A_547 = arith.muli %scan3A_352, %mul3A_546 : i32
        %add3A_548 = arith.constant 4 : i32
        %add3A_549 = arith.addi %mul3A_547, %add3A_548 : i32
        %get3A_550 = arith.constant 1 : i32
        %get3A_551 = arith.index_cast %get3A_550 : i32 to index
        %get3A_552 = arith.index_cast %add3A_549 : i32 to index
        %get3A_553 = arith.constant 16 : index
        %get3A_554 = tpu.vector_load %arg6[%get3A_551, %get3A_552, %get3A_553] {strides = array<i32>} : memref<2x640x64xf32, #tpu.memory_space<vmem>>, vector<1x1x16xf32>,
        %get3A_555 = vector.shape_cast %get3A_554 : vector<1x1x16xf32> to vector<16xf32>
        %add3A_556 = arith.addf %add3A_512, %get3A_555 : vector<16xf32>
        %mul3A_557 = arith.constant 20 : i32
        %mul3A_558 = arith.muli %scan3A_352, %mul3A_557 : i32
        %add3A_559 = arith.constant 4 : i32
        %add3A_560 = arith.addi %mul3A_558, %add3A_559 : i32
        %get3A_561 = arith.constant 1 : i32
        %get3A_562 = arith.index_cast %get3A_561 : i32 to index
        %get3A_563 = arith.index_cast %add3A_560 : i32 to index
        %get3A_564 = arith.constant 32 : index
        %get3A_565 = tpu.vector_load %arg6[%get3A_562, %get3A_563, %get3A_564] {strides = array<i32>} : memref<2x640x64xf32, #tpu.memory_space<vmem>>, vector<1x1x16xf32>,
        %get3A_566 = vector.shape_cast %get3A_565 : vector<1x1x16xf32> to vector<16xf32>
        %add3A_567 = arith.addf %add3A_523, %get3A_566 : vector<16xf32>
        %mul3A_568 = arith.constant 20 : i32
        %mul3A_569 = arith.muli %scan3A_352, %mul3A_568 : i32
        %add3A_570 = arith.constant 4 : i32
        %add3A_571 = arith.addi %mul3A_569, %add3A_570 : i32
        %get3A_572 = arith.constant 1 : i32
        %get3A_573 = arith.index_cast %get3A_572 : i32 to index
        %get3A_574 = arith.index_cast %add3A_571 : i32 to index
        %get3A_575 = arith.constant 48 : index
        %get3A_576 = tpu.vector_load %arg6[%get3A_573, %get3A_574, %get3A_575] {strides = array<i32>} : memref<2x640x64xf32, #tpu.memory_space<vmem>>, vector<1x1x16xf32>,
        %get3A_577 = vector.shape_cast %get3A_576 : vector<1x1x16xf32> to vector<16xf32>
        %add3A_578 = arith.addf %add3A_534, %get3A_577 : vector<16xf32>
        %mul3A_579 = arith.constant 20 : i32
        %mul3A_580 = arith.muli %scan3A_352, %mul3A_579 : i32
        %add3A_581 = arith.constant 5 : i32
        %add3A_582 = arith.addi %mul3A_580, %add3A_581 : i32
        %get3A_583 = arith.constant 1 : i32
        %get3A_584 = arith.index_cast %get3A_583 : i32 to index
        %get3A_585 = arith.index_cast %add3A_582 : i32 to index
        %get3A_586 = arith.constant 0 : index
        %get3A_587 = tpu.vector_load %arg6[%get3A_584, %get3A_585, %get3A_586] {strides = array<i32>} : memref<2x640x64xf32, #tpu.memory_space<vmem>>, vector<1x1x16xf32>,
        %get3A_588 = vector.shape_cast %get3A_587 : vector<1x1x16xf32> to vector<16xf32>
        %add3A_589 = arith.addf %add3A_545, %get3A_588 : vector<16xf32>
        %mul3A_590 = arith.constant 20 : i32
        %mul3A_591 = arith.muli %scan3A_352, %mul3A_590 : i32
        %add3A_592 = arith.constant 5 : i32
        %add3A_593 = arith.addi %mul3A_591, %add3A_592 : i32
        %get3A_594 = arith.constant 1 : i32
        %get3A_595 = arith.index_cast %get3A_594 : i32 to index
        %get3A_596 = arith.index_cast %add3A_593 : i32 to index
        %get3A_597 = arith.constant 16 : index
        %get3A_598 = tpu.vector_load %arg6[%get3A_595, %get3A_596, %get3A_597] {strides = array<i32>} : memref<2x640x64xf32, #tpu.memory_space<vmem>>, vector<1x1x16xf32>,
        %get3A_599 = vector.shape_cast %get3A_598 : vector<1x1x16xf32> to vector<16xf32>
        %add3A_600 = arith.addf %add3A_556, %get3A_599 : vector<16xf32>
        %mul3A_601 = arith.constant 20 : i32
        %mul3A_602 = arith.muli %scan3A_352, %mul3A_601 : i32
        %add3A_603 = arith.constant 5 : i32
        %add3A_604 = arith.addi %mul3A_602, %add3A_603 : i32
        %get3A_605 = arith.constant 1 : i32
        %get3A_606 = arith.index_cast %get3A_605 : i32 to index
        %get3A_607 = arith.index_cast %add3A_604 : i32 to index
        %get3A_608 = arith.constant 32 : index
        %get3A_609 = tpu.vector_load %arg6[%get3A_606, %get3A_607, %get3A_608] {strides = array<i32>} : memref<2x640x64xf32, #tpu.memory_space<vmem>>, vector<1x1x16xf32>,
        %get3A_610 = vector.shape_cast %get3A_609 : vector<1x1x16xf32> to vector<16xf32>
        %add3A_611 = arith.addf %add3A_567, %get3A_610 : vector<16xf32>
        %mul3A_612 = arith.constant 20 : i32
        %mul3A_613 = arith.muli %scan3A_352, %mul3A_612 : i32
        %add3A_614 = arith.constant 5 : i32
        %add3A_615 = arith.addi %mul3A_613, %add3A_614 : i32
        %get3A_616 = arith.constant 1 : i32
        %get3A_617 = arith.index_cast %get3A_616 : i32 to index
        %get3A_618 = arith.index_cast %add3A_615 : i32 to index
        %get3A_619 = arith.constant 48 : index
        %get3A_620 = tpu.vector_load %arg6[%get3A_617, %get3A_618, %get3A_619] {strides = array<i32>} : memref<2x640x64xf32, #tpu.memory_space<vmem>>, vector<1x1x16xf32>,
        %get3A_621 = vector.shape_cast %get3A_620 : vector<1x1x16xf32> to vector<16xf32>
        %add3A_622 = arith.addf %add3A_578, %get3A_621 : vector<16xf32>
        %mul3A_623 = arith.constant 20 : i32
        %mul3A_624 = arith.muli %scan3A_352, %mul3A_623 : i32
        %add3A_625 = arith.constant 6 : i32
        %add3A_626 = arith.addi %mul3A_624, %add3A_625 : i32
        %get3A_627 = arith.constant 1 : i32
        %get3A_628 = arith.index_cast %get3A_627 : i32 to index
        %get3A_629 = arith.index_cast %add3A_626 : i32 to index
        %get3A_630 = arith.constant 0 : index
        %get3A_631 = tpu.vector_load %arg6[%get3A_628, %get3A_629, %get3A_630] {strides = array<i32>} : memref<2x640x64xf32, #tpu.memory_space<vmem>>, vector<1x1x16xf32>,
        %get3A_632 = vector.shape_cast %get3A_631 : vector<1x1x16xf32> to vector<16xf32>
        %add3A_633 = arith.addf %add3A_589, %get3A_632 : vector<16xf32>
        %mul3A_634 = arith.constant 20 : i32
        %mul3A_635 = arith.muli %scan3A_352, %mul3A_634 : i32
        %add3A_636 = arith.constant 6 : i32
        %add3A_637 = arith.addi %mul3A_635, %add3A_636 : i32
        %get3A_638 = arith.constant 1 : i32
        %get3A_639 = arith.index_cast %get3A_638 : i32 to index
        %get3A_640 = arith.index_cast %add3A_637 : i32 to index
        %get3A_641 = arith.constant 16 : index
        %get3A_642 = tpu.vector_load %arg6[%get3A_639, %get3A_640, %get3A_641] {strides = array<i32>} : memref<2x640x64xf32, #tpu.memory_space<vmem>>, vector<1x1x16xf32>,
        %get3A_643 = vector.shape_cast %get3A_642 : vector<1x1x16xf32> to vector<16xf32>
        %add3A_644 = arith.addf %add3A_600, %get3A_643 : vector<16xf32>
        %mul3A_645 = arith.constant 20 : i32
        %mul3A_646 = arith.muli %scan3A_352, %mul3A_645 : i32
        %add3A_647 = arith.constant 6 : i32
        %add3A_648 = arith.addi %mul3A_646, %add3A_647 : i32
        %get3A_649 = arith.constant 1 : i32
        %get3A_650 = arith.index_cast %get3A_649 : i32 to index
        %get3A_651 = arith.index_cast %add3A_648 : i32 to index
        %get3A_652 = arith.constant 32 : index
        %get3A_653 = tpu.vector_load %arg6[%get3A_650, %get3A_651, %get3A_652] {strides = array<i32>} : memref<2x640x64xf32, #tpu.memory_space<vmem>>, vector<1x1x16xf32>,
        %get3A_654 = vector.shape_cast %get3A_653 : vector<1x1x16xf32> to vector<16xf32>
        %add3A_655 = arith.addf %add3A_611, %get3A_654 : vector<16xf32>
        %mul3A_656 = arith.constant 20 : i32
        %mul3A_657 = arith.muli %scan3A_352, %mul3A_656 : i32
        %add3A_658 = arith.constant 6 : i32
        %add3A_659 = arith.addi %mul3A_657, %add3A_658 : i32
        %get3A_660 = arith.constant 1 : i32
        %get3A_661 = arith.index_cast %get3A_660 : i32 to index
        %get3A_662 = arith.index_cast %add3A_659 : i32 to index
        %get3A_663 = arith.constant 48 : index
        %get3A_664 = tpu.vector_load %arg6[%get3A_661, %get3A_662, %get3A_663] {strides = array<i32>} : memref<2x640x64xf32, #tpu.memory_space<vmem>>, vector<1x1x16xf32>,
        %get3A_665 = vector.shape_cast %get3A_664 : vector<1x1x16xf32> to vector<16xf32>
        %add3A_666 = arith.addf %add3A_622, %get3A_665 : vector<16xf32>
        %mul3A_667 = arith.constant 20 : i32
        %mul3A_668 = arith.muli %scan3A_352, %mul3A_667 : i32
        %add3A_669 = arith.constant 7 : i32
        %add3A_670 = arith.addi %mul3A_668, %add3A_669 : i32
        %get3A_671 = arith.constant 1 : i32
        %get3A_672 = arith.index_cast %get3A_671 : i32 to index
        %get3A_673 = arith.index_cast %add3A_670 : i32 to index
        %get3A_674 = arith.constant 0 : index
        %get3A_675 = tpu.vector_load %arg6[%get3A_672, %get3A_673, %get3A_674] {strides = array<i32>} : memref<2x640x64xf32, #tpu.memory_space<vmem>>, vector<1x1x16xf32>,
        %get3A_676 = vector.shape_cast %get3A_675 : vector<1x1x16xf32> to vector<16xf32>
        %add3A_677 = arith.addf %add3A_633, %get3A_676 : vector<16xf32>
        %mul3A_678 = arith.constant 20 : i32
        %mul3A_679 = arith.muli %scan3A_352, %mul3A_678 : i32
        %add3A_680 = arith.constant 7 : i32
        %add3A_681 = arith.addi %mul3A_679, %add3A_680 : i32
        %get3A_682 = arith.constant 1 : i32
        %get3A_683 = arith.index_cast %get3A_682 : i32 to index
        %get3A_684 = arith.index_cast %add3A_681 : i32 to index
        %get3A_685 = arith.constant 16 : index
        %get3A_686 = tpu.vector_load %arg6[%get3A_683, %get3A_684, %get3A_685] {strides = array<i32>} : memref<2x640x64xf32, #tpu.memory_space<vmem>>, vector<1x1x16xf32>,
        %get3A_687 = vector.shape_cast %get3A_686 : vector<1x1x16xf32> to vector<16xf32>
        %add3A_688 = arith.addf %add3A_644, %get3A_687 : vector<16xf32>
        %mul3A_689 = arith.constant 20 : i32
        %mul3A_690 = arith.muli %scan3A_352, %mul3A_689 : i32
        %add3A_691 = arith.constant 7 : i32
        %add3A_692 = arith.addi %mul3A_690, %add3A_691 : i32
        %get3A_693 = arith.constant 1 : i32
        %get3A_694 = arith.index_cast %get3A_693 : i32 to index
        %get3A_695 = arith.index_cast %add3A_692 : i32 to index
        %get3A_696 = arith.constant 32 : index
        %get3A_697 = tpu.vector_load %arg6[%get3A_694, %get3A_695, %get3A_696] {strides = array<i32>} : memref<2x640x64xf32, #tpu.memory_space<vmem>>, vector<1x1x16xf32>,
        %get3A_698 = vector.shape_cast %get3A_697 : vector<1x1x16xf32> to vector<16xf32>
        %add3A_699 = arith.addf %add3A_655, %get3A_698 : vector<16xf32>
        %mul3A_700 = arith.constant 20 : i32
        %mul3A_701 = arith.muli %scan3A_352, %mul3A_700 : i32
        %add3A_702 = arith.constant 7 : i32
        %add3A_703 = arith.addi %mul3A_701, %add3A_702 : i32
        %get3A_704 = arith.constant 1 : i32
        %get3A_705 = arith.index_cast %get3A_704 : i32 to index
        %get3A_706 = arith.index_cast %add3A_703 : i32 to index
        %get3A_707 = arith.constant 48 : index
        %get3A_708 = tpu.vector_load %arg6[%get3A_705, %get3A_706, %get3A_707] {strides = array<i32>} : memref<2x640x64xf32, #tpu.memory_space<vmem>>, vector<1x1x16xf32>,
        %get3A_709 = vector.shape_cast %get3A_708 : vector<1x1x16xf32> to vector<16xf32>
        %add3A_710 = arith.addf %add3A_666, %get3A_709 : vector<16xf32>
        %mul3A_711 = arith.constant 20 : i32
        %mul3A_712 = arith.muli %scan3A_352, %mul3A_711 : i32
        %add3A_713 = arith.constant 8 : i32
        %add3A_714 = arith.addi %mul3A_712, %add3A_713 : i32
        %get3A_715 = arith.constant 1 : i32
        %get3A_716 = arith.index_cast %get3A_715 : i32 to index
        %get3A_717 = arith.index_cast %add3A_714 : i32 to index
        %get3A_718 = arith.constant 0 : index
        %get3A_719 = tpu.vector_load %arg6[%get3A_716, %get3A_717, %get3A_718] {strides = array<i32>} : memref<2x640x64xf32, #tpu.memory_space<vmem>>, vector<1x1x16xf32>,
        %get3A_720 = vector.shape_cast %get3A_719 : vector<1x1x16xf32> to vector<16xf32>
        %add3A_721 = arith.addf %add3A_677, %get3A_720 : vector<16xf32>
        %mul3A_722 = arith.constant 20 : i32
        %mul3A_723 = arith.muli %scan3A_352, %mul3A_722 : i32
        %add3A_724 = arith.constant 8 : i32
        %add3A_725 = arith.addi %mul3A_723, %add3A_724 : i32
        %get3A_726 = arith.constant 1 : i32
        %get3A_727 = arith.index_cast %get3A_726 : i32 to index
        %get3A_728 = arith.index_cast %add3A_725 : i32 to index
        %get3A_729 = arith.constant 16 : index
        %get3A_730 = tpu.vector_load %arg6[%get3A_727, %get3A_728, %get3A_729] {strides = array<i32>} : memref<2x640x64xf32, #tpu.memory_space<vmem>>, vector<1x1x16xf32>,
        %get3A_731 = vector.shape_cast %get3A_730 : vector<1x1x16xf32> to vector<16xf32>
        %add3A_732 = arith.addf %add3A_688, %get3A_731 : vector<16xf32>
        %mul3A_733 = arith.constant 20 : i32
        %mul3A_734 = arith.muli %scan3A_352, %mul3A_733 : i32
        %add3A_735 = arith.constant 8 : i32
        %add3A_736 = arith.addi %mul3A_734, %add3A_735 : i32
        %get3A_737 = arith.constant 1 : i32
        %get3A_738 = arith.index_cast %get3A_737 : i32 to index
        %get3A_739 = arith.index_cast %add3A_736 : i32 to index
        %get3A_740 = arith.constant 32 : index
        %get3A_741 = tpu.vector_load %arg6[%get3A_738, %get3A_739, %get3A_740] {strides = array<i32>} : memref<2x640x64xf32, #tpu.memory_space<vmem>>, vector<1x1x16xf32>,
        %get3A_742 = vector.shape_cast %get3A_741 : vector<1x1x16xf32> to vector<16xf32>
        %add3A_743 = arith.addf %add3A_699, %get3A_742 : vector<16xf32>
        %mul3A_744 = arith.constant 20 : i32
        %mul3A_745 = arith.muli %scan3A_352, %mul3A_744 : i32
        %add3A_746 = arith.constant 8 : i32
        %add3A_747 = arith.addi %mul3A_745, %add3A_746 : i32
        %get3A_748 = arith.constant 1 : i32
        %get3A_749 = arith.index_cast %get3A_748 : i32 to index
        %get3A_750 = arith.index_cast %add3A_747 : i32 to index
        %get3A_751 = arith.constant 48 : index
        %get3A_752 = tpu.vector_load %arg6[%get3A_749, %get3A_750, %get3A_751] {strides = array<i32>} : memref<2x640x64xf32, #tpu.memory_space<vmem>>, vector<1x1x16xf32>,
        %get3A_753 = vector.shape_cast %get3A_752 : vector<1x1x16xf32> to vector<16xf32>
        %add3A_754 = arith.addf %add3A_710, %get3A_753 : vector<16xf32>
        %mul3A_755 = arith.constant 20 : i32
        %mul3A_756 = arith.muli %scan3A_352, %mul3A_755 : i32
        %add3A_757 = arith.constant 9 : i32
        %add3A_758 = arith.addi %mul3A_756, %add3A_757 : i32
        %get3A_759 = arith.constant 1 : i32
        %get3A_760 = arith.index_cast %get3A_759 : i32 to index
        %get3A_761 = arith.index_cast %add3A_758 : i32 to index
        %get3A_762 = arith.constant 0 : index
        %get3A_763 = tpu.vector_load %arg6[%get3A_760, %get3A_761, %get3A_762] {strides = array<i32>} : memref<2x640x64xf32, #tpu.memory_space<vmem>>, vector<1x1x16xf32>,
        %get3A_764 = vector.shape_cast %get3A_763 : vector<1x1x16xf32> to vector<16xf32>
        %add3A_765 = arith.addf %add3A_721, %get3A_764 : vector<16xf32>
        %mul3A_766 = arith.constant 20 : i32
        %mul3A_767 = arith.muli %scan3A_352, %mul3A_766 : i32
        %add3A_768 = arith.constant 9 : i32
        %add3A_769 = arith.addi %mul3A_767, %add3A_768 : i32
        %get3A_770 = arith.constant 1 : i32
        %get3A_771 = arith.index_cast %get3A_770 : i32 to index
        %get3A_772 = arith.index_cast %add3A_769 : i32 to index
        %get3A_773 = arith.constant 16 : index
        %get3A_774 = tpu.vector_load %arg6[%get3A_771, %get3A_772, %get3A_773] {strides = array<i32>} : memref<2x640x64xf32, #tpu.memory_space<vmem>>, vector<1x1x16xf32>,
        %get3A_775 = vector.shape_cast %get3A_774 : vector<1x1x16xf32> to vector<16xf32>
        %add3A_776 = arith.addf %add3A_732, %get3A_775 : vector<16xf32>
        %mul3A_777 = arith.constant 20 : i32
        %mul3A_778 = arith.muli %scan3A_352, %mul3A_777 : i32
        %add3A_779 = arith.constant 9 : i32
        %add3A_780 = arith.addi %mul3A_778, %add3A_779 : i32
        %get3A_781 = arith.constant 1 : i32
        %get3A_782 = arith.index_cast %get3A_781 : i32 to index
        %get3A_783 = arith.index_cast %add3A_780 : i32 to index
        %get3A_784 = arith.constant 32 : index
        %get3A_785 = tpu.vector_load %arg6[%get3A_782, %get3A_783, %get3A_784] {strides = array<i32>} : memref<2x640x64xf32, #tpu.memory_space<vmem>>, vector<1x1x16xf32>,
        %get3A_786 = vector.shape_cast %get3A_785 : vector<1x1x16xf32> to vector<16xf32>
        %add3A_787 = arith.addf %add3A_743, %get3A_786 : vector<16xf32>
        %mul3A_788 = arith.constant 20 : i32
        %mul3A_789 = arith.muli %scan3A_352, %mul3A_788 : i32
        %add3A_790 = arith.constant 9 : i32
        %add3A_791 = arith.addi %mul3A_789, %add3A_790 : i32
        %get3A_792 = arith.constant 1 : i32
        %get3A_793 = arith.index_cast %get3A_792 : i32 to index
        %get3A_794 = arith.index_cast %add3A_791 : i32 to index
        %get3A_795 = arith.constant 48 : index
        %get3A_796 = tpu.vector_load %arg6[%get3A_793, %get3A_794, %get3A_795] {strides = array<i32>} : memref<2x640x64xf32, #tpu.memory_space<vmem>>, vector<1x1x16xf32>,
        %get3A_797 = vector.shape_cast %get3A_796 : vector<1x1x16xf32> to vector<16xf32>
        %add3A_798 = arith.addf %add3A_754, %get3A_797 : vector<16xf32>
        %mul3A_799 = arith.constant 20 : i32
        %mul3A_800 = arith.muli %scan3A_352, %mul3A_799 : i32
        %add3A_801 = arith.constant 10 : i32
        %add3A_802 = arith.addi %mul3A_800, %add3A_801 : i32
        %get3A_803 = arith.constant 1 : i32
        %get3A_804 = arith.index_cast %get3A_803 : i32 to index
        %get3A_805 = arith.index_cast %add3A_802 : i32 to index
        %get3A_806 = arith.constant 0 : index
        %get3A_807 = tpu.vector_load %arg6[%get3A_804, %get3A_805, %get3A_806] {strides = array<i32>} : memref<2x640x64xf32, #tpu.memory_space<vmem>>, vector<1x1x16xf32>,
        %get3A_808 = vector.shape_cast %get3A_807 : vector<1x1x16xf32> to vector<16xf32>
        %add3A_809 = arith.addf %add3A_765, %get3A_808 : vector<16xf32>
        %mul3A_810 = arith.constant 20 : i32
        %mul3A_811 = arith.muli %scan3A_352, %mul3A_810 : i32
        %add3A_812 = arith.constant 10 : i32
        %add3A_813 = arith.addi %mul3A_811, %add3A_812 : i32
        %get3A_814 = arith.constant 1 : i32
        %get3A_815 = arith.index_cast %get3A_814 : i32 to index
        %get3A_816 = arith.index_cast %add3A_813 : i32 to index
        %get3A_817 = arith.constant 16 : index
        %get3A_818 = tpu.vector_load %arg6[%get3A_815, %get3A_816, %get3A_817] {strides = array<i32>} : memref<2x640x64xf32, #tpu.memory_space<vmem>>, vector<1x1x16xf32>,
        %get3A_819 = vector.shape_cast %get3A_818 : vector<1x1x16xf32> to vector<16xf32>
        %add3A_820 = arith.addf %add3A_776, %get3A_819 : vector<16xf32>
        %mul3A_821 = arith.constant 20 : i32
        %mul3A_822 = arith.muli %scan3A_352, %mul3A_821 : i32
        %add3A_823 = arith.constant 10 : i32
        %add3A_824 = arith.addi %mul3A_822, %add3A_823 : i32
        %get3A_825 = arith.constant 1 : i32
        %get3A_826 = arith.index_cast %get3A_825 : i32 to index
        %get3A_827 = arith.index_cast %add3A_824 : i32 to index
        %get3A_828 = arith.constant 32 : index
        %get3A_829 = tpu.vector_load %arg6[%get3A_826, %get3A_827, %get3A_828] {strides = array<i32>} : memref<2x640x64xf32, #tpu.memory_space<vmem>>, vector<1x1x16xf32>,
        %get3A_830 = vector.shape_cast %get3A_829 : vector<1x1x16xf32> to vector<16xf32>
        %add3A_831 = arith.addf %add3A_787, %get3A_830 : vector<16xf32>
        %mul3A_832 = arith.constant 20 : i32
        %mul3A_833 = arith.muli %scan3A_352, %mul3A_832 : i32
        %add3A_834 = arith.constant 10 : i32
        %add3A_835 = arith.addi %mul3A_833, %add3A_834 : i32
        %get3A_836 = arith.constant 1 : i32
        %get3A_837 = arith.index_cast %get3A_836 : i32 to index
        %get3A_838 = arith.index_cast %add3A_835 : i32 to index
        %get3A_839 = arith.constant 48 : index
        %get3A_840 = tpu.vector_load %arg6[%get3A_837, %get3A_838, %get3A_839] {strides = array<i32>} : memref<2x640x64xf32, #tpu.memory_space<vmem>>, vector<1x1x16xf32>,
        %get3A_841 = vector.shape_cast %get3A_840 : vector<1x1x16xf32> to vector<16xf32>
        %add3A_842 = arith.addf %add3A_798, %get3A_841 : vector<16xf32>
        %mul3A_843 = arith.constant 20 : i32
        %mul3A_844 = arith.muli %scan3A_352, %mul3A_843 : i32
        %add3A_845 = arith.constant 11 : i32
        %add3A_846 = arith.addi %mul3A_844, %add3A_845 : i32
        %get3A_847 = arith.constant 1 : i32
        %get3A_848 = arith.index_cast %get3A_847 : i32 to index
        %get3A_849 = arith.index_cast %add3A_846 : i32 to index
        %get3A_850 = arith.constant 0 : index
        %get3A_851 = tpu.vector_load %arg6[%get3A_848, %get3A_849, %get3A_850] {strides = array<i32>} : memref<2x640x64xf32, #tpu.memory_space<vmem>>, vector<1x1x16xf32>,
        %get3A_852 = vector.shape_cast %get3A_851 : vector<1x1x16xf32> to vector<16xf32>
        %add3A_853 = arith.addf %add3A_809, %get3A_852 : vector<16xf32>
        %mul3A_854 = arith.constant 20 : i32
        %mul3A_855 = arith.muli %scan3A_352, %mul3A_854 : i32
        %add3A_856 = arith.constant 11 : i32
        %add3A_857 = arith.addi %mul3A_855, %add3A_856 : i32
        %get3A_858 = arith.constant 1 : i32
        %get3A_859 = arith.index_cast %get3A_858 : i32 to index
        %get3A_860 = arith.index_cast %add3A_857 : i32 to index
        %get3A_861 = arith.constant 16 : index
        %get3A_862 = tpu.vector_load %arg6[%get3A_859, %get3A_860, %get3A_861] {strides = array<i32>} : memref<2x640x64xf32, #tpu.memory_space<vmem>>, vector<1x1x16xf32>,
        %get3A_863 = vector.shape_cast %get3A_862 : vector<1x1x16xf32> to vector<16xf32>
        %add3A_864 = arith.addf %add3A_820, %get3A_863 : vector<16xf32>
        %mul3A_865 = arith.constant 20 : i32
        %mul3A_866 = arith.muli %scan3A_352, %mul3A_865 : i32
        %add3A_867 = arith.constant 11 : i32
        %add3A_868 = arith.addi %mul3A_866, %add3A_867 : i32
        %get3A_869 = arith.constant 1 : i32
        %get3A_870 = arith.index_cast %get3A_869 : i32 to index
        %get3A_871 = arith.index_cast %add3A_868 : i32 to index
        %get3A_872 = arith.constant 32 : index
        %get3A_873 = tpu.vector_load %arg6[%get3A_870, %get3A_871, %get3A_872] {strides = array<i32>} : memref<2x640x64xf32, #tpu.memory_space<vmem>>, vector<1x1x16xf32>,
        %get3A_874 = vector.shape_cast %get3A_873 : vector<1x1x16xf32> to vector<16xf32>
        %add3A_875 = arith.addf %add3A_831, %get3A_874 : vector<16xf32>
        %mul3A_876 = arith.constant 20 : i32
        %mul3A_877 = arith.muli %scan3A_352, %mul3A_876 : i32
        %add3A_878 = arith.constant 11 : i32
        %add3A_879 = arith.addi %mul3A_877, %add3A_878 : i32
        %get3A_880 = arith.constant 1 : i32
        %get3A_881 = arith.index_cast %get3A_880 : i32 to index
        %get3A_882 = arith.index_cast %add3A_879 : i32 to index
        %get3A_883 = arith.constant 48 : index
        %get3A_884 = tpu.vector_load %arg6[%get3A_881, %get3A_882, %get3A_883] {strides = array<i32>} : memref<2x640x64xf32, #tpu.memory_space<vmem>>, vector<1x1x16xf32>,
        %get3A_885 = vector.shape_cast %get3A_884 : vector<1x1x16xf32> to vector<16xf32>
        %add3A_886 = arith.addf %add3A_842, %get3A_885 : vector<16xf32>
        %mul3A_887 = arith.constant 20 : i32
        %mul3A_888 = arith.muli %scan3A_352, %mul3A_887 : i32
        %add3A_889 = arith.constant 12 : i32
        %add3A_890 = arith.addi %mul3A_888, %add3A_889 : i32
        %get3A_891 = arith.constant 1 : i32
        %get3A_892 = arith.index_cast %get3A_891 : i32 to index
        %get3A_893 = arith.index_cast %add3A_890 : i32 to index
        %get3A_894 = arith.constant 0 : index
        %get3A_895 = tpu.vector_load %arg6[%get3A_892, %get3A_893, %get3A_894] {strides = array<i32>} : memref<2x640x64xf32, #tpu.memory_space<vmem>>, vector<1x1x16xf32>,
        %get3A_896 = vector.shape_cast %get3A_895 : vector<1x1x16xf32> to vector<16xf32>
        %add3A_897 = arith.addf %add3A_853, %get3A_896 : vector<16xf32>
        %mul3A_898 = arith.constant 20 : i32
        %mul3A_899 = arith.muli %scan3A_352, %mul3A_898 : i32
        %add3A_900 = arith.constant 12 : i32
        %add3A_901 = arith.addi %mul3A_899, %add3A_900 : i32
        %get3A_902 = arith.constant 1 : i32
        %get3A_903 = arith.index_cast %get3A_902 : i32 to index
        %get3A_904 = arith.index_cast %add3A_901 : i32 to index
        %get3A_905 = arith.constant 16 : index
        %get3A_906 = tpu.vector_load %arg6[%get3A_903, %get3A_904, %get3A_905] {strides = array<i32>} : memref<2x640x64xf32, #tpu.memory_space<vmem>>, vector<1x1x16xf32>,
        %get3A_907 = vector.shape_cast %get3A_906 : vector<1x1x16xf32> to vector<16xf32>
        %add3A_908 = arith.addf %add3A_864, %get3A_907 : vector<16xf32>
        %mul3A_909 = arith.constant 20 : i32
        %mul3A_910 = arith.muli %scan3A_352, %mul3A_909 : i32
        %add3A_911 = arith.constant 12 : i32
        %add3A_912 = arith.addi %mul3A_910, %add3A_911 : i32
        %get3A_913 = arith.constant 1 : i32
        %get3A_914 = arith.index_cast %get3A_913 : i32 to index
        %get3A_915 = arith.index_cast %add3A_912 : i32 to index
        %get3A_916 = arith.constant 32 : index
        %get3A_917 = tpu.vector_load %arg6[%get3A_914, %get3A_915, %get3A_916] {strides = array<i32>} : memref<2x640x64xf32, #tpu.memory_space<vmem>>, vector<1x1x16xf32>,
        %get3A_918 = vector.shape_cast %get3A_917 : vector<1x1x16xf32> to vector<16xf32>
        %add3A_919 = arith.addf %add3A_875, %get3A_918 : vector<16xf32>
        %mul3A_920 = arith.constant 20 : i32
        %mul3A_921 = arith.muli %scan3A_352, %mul3A_920 : i32
        %add3A_922 = arith.constant 12 : i32
        %add3A_923 = arith.addi %mul3A_921, %add3A_922 : i32
        %get3A_924 = arith.constant 1 : i32
        %get3A_925 = arith.index_cast %get3A_924 : i32 to index
        %get3A_926 = arith.index_cast %add3A_923 : i32 to index
        %get3A_927 = arith.constant 48 : index
        %get3A_928 = tpu.vector_load %arg6[%get3A_925, %get3A_926, %get3A_927] {strides = array<i32>} : memref<2x640x64xf32, #tpu.memory_space<vmem>>, vector<1x1x16xf32>,
        %get3A_929 = vector.shape_cast %get3A_928 : vector<1x1x16xf32> to vector<16xf32>
        %add3A_930 = arith.addf %add3A_886, %get3A_929 : vector<16xf32>
        %mul3A_931 = arith.constant 20 : i32
        %mul3A_932 = arith.muli %scan3A_352, %mul3A_931 : i32
        %add3A_933 = arith.constant 13 : i32
        %add3A_934 = arith.addi %mul3A_932, %add3A_933 : i32
        %get3A_935 = arith.constant 1 : i32
        %get3A_936 = arith.index_cast %get3A_935 : i32 to index
        %get3A_937 = arith.index_cast %add3A_934 : i32 to index
        %get3A_938 = arith.constant 0 : index
        %get3A_939 = tpu.vector_load %arg6[%get3A_936, %get3A_937, %get3A_938] {strides = array<i32>} : memref<2x640x64xf32, #tpu.memory_space<vmem>>, vector<1x1x16xf32>,
        %get3A_940 = vector.shape_cast %get3A_939 : vector<1x1x16xf32> to vector<16xf32>
        %add3A_941 = arith.addf %add3A_897, %get3A_940 : vector<16xf32>
        %mul3A_942 = arith.constant 20 : i32
        %mul3A_943 = arith.muli %scan3A_352, %mul3A_942 : i32
        %add3A_944 = arith.constant 13 : i32
        %add3A_945 = arith.addi %mul3A_943, %add3A_944 : i32
        %get3A_946 = arith.constant 1 : i32
        %get3A_947 = arith.index_cast %get3A_946 : i32 to index
        %get3A_948 = arith.index_cast %add3A_945 : i32 to index
        %get3A_949 = arith.constant 16 : index
        %get3A_950 = tpu.vector_load %arg6[%get3A_947, %get3A_948, %get3A_949] {strides = array<i32>} : memref<2x640x64xf32, #tpu.memory_space<vmem>>, vector<1x1x16xf32>,
        %get3A_951 = vector.shape_cast %get3A_950 : vector<1x1x16xf32> to vector<16xf32>
        %add3A_952 = arith.addf %add3A_908, %get3A_951 : vector<16xf32>
        %mul3A_953 = arith.constant 20 : i32
        %mul3A_954 = arith.muli %scan3A_352, %mul3A_953 : i32
        %add3A_955 = arith.constant 13 : i32
        %add3A_956 = arith.addi %mul3A_954, %add3A_955 : i32
        %get3A_957 = arith.constant 1 : i32
        %get3A_958 = arith.index_cast %get3A_957 : i32 to index
        %get3A_959 = arith.index_cast %add3A_956 : i32 to index
        %get3A_960 = arith.constant 32 : index
        %get3A_961 = tpu.vector_load %arg6[%get3A_958, %get3A_959, %get3A_960] {strides = array<i32>} : memref<2x640x64xf32, #tpu.memory_space<vmem>>, vector<1x1x16xf32>,
        %get3A_962 = vector.shape_cast %get3A_961 : vector<1x1x16xf32> to vector<16xf32>
        %add3A_963 = arith.addf %add3A_919, %get3A_962 : vector<16xf32>
        %mul3A_964 = arith.constant 20 : i32
        %mul3A_965 = arith.muli %scan3A_352, %mul3A_964 : i32
        %add3A_966 = arith.constant 13 : i32
        %add3A_967 = arith.addi %mul3A_965, %add3A_966 : i32
        %get3A_968 = arith.constant 1 : i32
        %get3A_969 = arith.index_cast %get3A_968 : i32 to index
        %get3A_970 = arith.index_cast %add3A_967 : i32 to index
        %get3A_971 = arith.constant 48 : index
        %get3A_972 = tpu.vector_load %arg6[%get3A_969, %get3A_970, %get3A_971] {strides = array<i32>} : memref<2x640x64xf32, #tpu.memory_space<vmem>>, vector<1x1x16xf32>,
        %get3A_973 = vector.shape_cast %get3A_972 : vector<1x1x16xf32> to vector<16xf32>
        %add3A_974 = arith.addf %add3A_930, %get3A_973 : vector<16xf32>
        %mul3A_975 = arith.constant 20 : i32
        %mul3A_976 = arith.muli %scan3A_352, %mul3A_975 : i32
        %add3A_977 = arith.constant 14 : i32
        %add3A_978 = arith.addi %mul3A_976, %add3A_977 : i32
        %get3A_979 = arith.constant 1 : i32
        %get3A_980 = arith.index_cast %get3A_979 : i32 to index
        %get3A_981 = arith.index_cast %add3A_978 : i32 to index
        %get3A_982 = arith.constant 0 : index
        %get3A_983 = tpu.vector_load %arg6[%get3A_980, %get3A_981, %get3A_982] {strides = array<i32>} : memref<2x640x64xf32, #tpu.memory_space<vmem>>, vector<1x1x16xf32>,
        %get3A_984 = vector.shape_cast %get3A_983 : vector<1x1x16xf32> to vector<16xf32>
        %add3A_985 = arith.addf %add3A_941, %get3A_984 : vector<16xf32>
        %mul3A_986 = arith.constant 20 : i32
        %mul3A_987 = arith.muli %scan3A_352, %mul3A_986 : i32
        %add3A_988 = arith.constant 14 : i32
        %add3A_989 = arith.addi %mul3A_987, %add3A_988 : i32
        %get3A_990 = arith.constant 1 : i32
        %get3A_991 = arith.index_cast %get3A_990 : i32 to index
        %get3A_992 = arith.index_cast %add3A_989 : i32 to index
        %get3A_993 = arith.constant 16 : index
        %get3A_994 = tpu.vector_load %arg6[%get3A_991, %get3A_992, %get3A_993] {strides = array<i32>} : memref<2x640x64xf32, #tpu.memory_space<vmem>>, vector<1x1x16xf32>,
        %get3A_995 = vector.shape_cast %get3A_994 : vector<1x1x16xf32> to vector<16xf32>
        %add3A_996 = arith.addf %add3A_952, %get3A_995 : vector<16xf32>
        %mul3A_997 = arith.constant 20 : i32
        %mul3A_998 = arith.muli %scan3A_352, %mul3A_997 : i32
        %add3A_999 = arith.constant 14 : i32
        %add3A_1000 = arith.addi %mul3A_998, %add3A_999 : i32
        %get3A_1001 = arith.constant 1 : i32
        %get3A_1002 = arith.index_cast %get3A_1001 : i32 to index
        %get3A_1003 = arith.index_cast %add3A_1000 : i32 to index
        %get3A_1004 = arith.constant 32 : index
        %get3A_1005 = tpu.vector_load %arg6[%get3A_1002, %get3A_1003, %get3A_1004] {strides = array<i32>} : memref<2x640x64xf32, #tpu.memory_space<vmem>>, vector<1x1x16xf32>,
        %get3A_1006 = vector.shape_cast %get3A_1005 : vector<1x1x16xf32> to vector<16xf32>
        %add3A_1007 = arith.addf %add3A_963, %get3A_1006 : vector<16xf32>
        %mul3A_1008 = arith.constant 20 : i32
        %mul3A_1009 = arith.muli %scan3A_352, %mul3A_1008 : i32
        %add3A_1010 = arith.constant 14 : i32
        %add3A_1011 = arith.addi %mul3A_1009, %add3A_1010 : i32
        %get3A_1012 = arith.constant 1 : i32
        %get3A_1013 = arith.index_cast %get3A_1012 : i32 to index
        %get3A_1014 = arith.index_cast %add3A_1011 : i32 to index
        %get3A_1015 = arith.constant 48 : index
        %get3A_1016 = tpu.vector_load %arg6[%get3A_1013, %get3A_1014, %get3A_1015] {strides = array<i32>} : memref<2x640x64xf32, #tpu.memory_space<vmem>>, vector<1x1x16xf32>,
        %get3A_1017 = vector.shape_cast %get3A_1016 : vector<1x1x16xf32> to vector<16xf32>
        %add3A_1018 = arith.addf %add3A_974, %get3A_1017 : vector<16xf32>
        %mul3A_1019 = arith.constant 20 : i32
        %mul3A_1020 = arith.muli %scan3A_352, %mul3A_1019 : i32
        %add3A_1021 = arith.constant 15 : i32
        %add3A_1022 = arith.addi %mul3A_1020, %add3A_1021 : i32
        %get3A_1023 = arith.constant 1 : i32
        %get3A_1024 = arith.index_cast %get3A_1023 : i32 to index
        %get3A_1025 = arith.index_cast %add3A_1022 : i32 to index
        %get3A_1026 = arith.constant 0 : index
        %get3A_1027 = tpu.vector_load %arg6[%get3A_1024, %get3A_1025, %get3A_1026] {strides = array<i32>} : memref<2x640x64xf32, #tpu.memory_space<vmem>>, vector<1x1x16xf32>,
        %get3A_1028 = vector.shape_cast %get3A_1027 : vector<1x1x16xf32> to vector<16xf32>
        %add3A_1029 = arith.addf %add3A_985, %get3A_1028 : vector<16xf32>
        %mul3A_1030 = arith.constant 20 : i32
        %mul3A_1031 = arith.muli %scan3A_352, %mul3A_1030 : i32
        %add3A_1032 = arith.constant 15 : i32
        %add3A_1033 = arith.addi %mul3A_1031, %add3A_1032 : i32
        %get3A_1034 = arith.constant 1 : i32
        %get3A_1035 = arith.index_cast %get3A_1034 : i32 to index
        %get3A_1036 = arith.index_cast %add3A_1033 : i32 to index
        %get3A_1037 = arith.constant 16 : index
        %get3A_1038 = tpu.vector_load %arg6[%get3A_1035, %get3A_1036, %get3A_1037] {strides = array<i32>} : memref<2x640x64xf32, #tpu.memory_space<vmem>>, vector<1x1x16xf32>,
        %get3A_1039 = vector.shape_cast %get3A_1038 : vector<1x1x16xf32> to vector<16xf32>
        %add3A_1040 = arith.addf %add3A_996, %get3A_1039 : vector<16xf32>
        %mul3A_1041 = arith.constant 20 : i32
        %mul3A_1042 = arith.muli %scan3A_352, %mul3A_1041 : i32
        %add3A_1043 = arith.constant 15 : i32
        %add3A_1044 = arith.addi %mul3A_1042, %add3A_1043 : i32
        %get3A_1045 = arith.constant 1 : i32
        %get3A_1046 = arith.index_cast %get3A_1045 : i32 to index
        %get3A_1047 = arith.index_cast %add3A_1044 : i32 to index
        %get3A_1048 = arith.constant 32 : index
        %get3A_1049 = tpu.vector_load %arg6[%get3A_1046, %get3A_1047, %get3A_1048] {strides = array<i32>} : memref<2x640x64xf32, #tpu.memory_space<vmem>>, vector<1x1x16xf32>,
        %get3A_1050 = vector.shape_cast %get3A_1049 : vector<1x1x16xf32> to vector<16xf32>
        %add3A_1051 = arith.addf %add3A_1007, %get3A_1050 : vector<16xf32>
        %mul3A_1052 = arith.constant 20 : i32
        %mul3A_1053 = arith.muli %scan3A_352, %mul3A_1052 : i32
        %add3A_1054 = arith.constant 15 : i32
        %add3A_1055 = arith.addi %mul3A_1053, %add3A_1054 : i32
        %get3A_1056 = arith.constant 1 : i32
        %get3A_1057 = arith.index_cast %get3A_1056 : i32 to index
        %get3A_1058 = arith.index_cast %add3A_1055 : i32 to index
        %get3A_1059 = arith.constant 48 : index
        %get3A_1060 = tpu.vector_load %arg6[%get3A_1057, %get3A_1058, %get3A_1059] {strides = array<i32>} : memref<2x640x64xf32, #tpu.memory_space<vmem>>, vector<1x1x16xf32>,
        %get3A_1061 = vector.shape_cast %get3A_1060 : vector<1x1x16xf32> to vector<16xf32>
        %add3A_1062 = arith.addf %add3A_1018, %get3A_1061 : vector<16xf32>
        %mul3A_1063 = arith.constant 20 : i32
        %mul3A_1064 = arith.muli %scan3A_352, %mul3A_1063 : i32
        %add3A_1065 = arith.constant 16 : i32
        %add3A_1066 = arith.addi %mul3A_1064, %add3A_1065 : i32
        %get3A_1067 = arith.constant 1 : i32
        %get3A_1068 = arith.index_cast %get3A_1067 : i32 to index
        %get3A_1069 = arith.index_cast %add3A_1066 : i32 to index
        %get3A_1070 = arith.constant 0 : index
        %get3A_1071 = tpu.vector_load %arg6[%get3A_1068, %get3A_1069, %get3A_1070] {strides = array<i32>} : memref<2x640x64xf32, #tpu.memory_space<vmem>>, vector<1x1x16xf32>,
        %get3A_1072 = vector.shape_cast %get3A_1071 : vector<1x1x16xf32> to vector<16xf32>
        %add3A_1073 = arith.addf %add3A_1029, %get3A_1072 : vector<16xf32>
        %mul3A_1074 = arith.constant 20 : i32
        %mul3A_1075 = arith.muli %scan3A_352, %mul3A_1074 : i32
        %add3A_1076 = arith.constant 16 : i32
        %add3A_1077 = arith.addi %mul3A_1075, %add3A_1076 : i32
        %get3A_1078 = arith.constant 1 : i32
        %get3A_1079 = arith.index_cast %get3A_1078 : i32 to index
        %get3A_1080 = arith.index_cast %add3A_1077 : i32 to index
        %get3A_1081 = arith.constant 16 : index
        %get3A_1082 = tpu.vector_load %arg6[%get3A_1079, %get3A_1080, %get3A_1081] {strides = array<i32>} : memref<2x640x64xf32, #tpu.memory_space<vmem>>, vector<1x1x16xf32>,
        %get3A_1083 = vector.shape_cast %get3A_1082 : vector<1x1x16xf32> to vector<16xf32>
        %add3A_1084 = arith.addf %add3A_1040, %get3A_1083 : vector<16xf32>
        %mul3A_1085 = arith.constant 20 : i32
        %mul3A_1086 = arith.muli %scan3A_352, %mul3A_1085 : i32
        %add3A_1087 = arith.constant 16 : i32
        %add3A_1088 = arith.addi %mul3A_1086, %add3A_1087 : i32
        %get3A_1089 = arith.constant 1 : i32
        %get3A_1090 = arith.index_cast %get3A_1089 : i32 to index
        %get3A_1091 = arith.index_cast %add3A_1088 : i32 to index
        %get3A_1092 = arith.constant 32 : index
        %get3A_1093 = tpu.vector_load %arg6[%get3A_1090, %get3A_1091, %get3A_1092] {strides = array<i32>} : memref<2x640x64xf32, #tpu.memory_space<vmem>>, vector<1x1x16xf32>,
        %get3A_1094 = vector.shape_cast %get3A_1093 : vector<1x1x16xf32> to vector<16xf32>
        %add3A_1095 = arith.addf %add3A_1051, %get3A_1094 : vector<16xf32>
        %mul3A_1096 = arith.constant 20 : i32
        %mul3A_1097 = arith.muli %scan3A_352, %mul3A_1096 : i32
        %add3A_1098 = arith.constant 16 : i32
        %add3A_1099 = arith.addi %mul3A_1097, %add3A_1098 : i32
        %get3A_1100 = arith.constant 1 : i32
        %get3A_1101 = arith.index_cast %get3A_1100 : i32 to index
        %get3A_1102 = arith.index_cast %add3A_1099 : i32 to index
        %get3A_1103 = arith.constant 48 : index
        %get3A_1104 = tpu.vector_load %arg6[%get3A_1101, %get3A_1102, %get3A_1103] {strides = array<i32>} : memref<2x640x64xf32, #tpu.memory_space<vmem>>, vector<1x1x16xf32>,
        %get3A_1105 = vector.shape_cast %get3A_1104 : vector<1x1x16xf32> to vector<16xf32>
        %add3A_1106 = arith.addf %add3A_1062, %get3A_1105 : vector<16xf32>
        %mul3A_1107 = arith.constant 20 : i32
        %mul3A_1108 = arith.muli %scan3A_352, %mul3A_1107 : i32
        %add3A_1109 = arith.constant 17 : i32
        %add3A_1110 = arith.addi %mul3A_1108, %add3A_1109 : i32
        %get3A_1111 = arith.constant 1 : i32
        %get3A_1112 = arith.index_cast %get3A_1111 : i32 to index
        %get3A_1113 = arith.index_cast %add3A_1110 : i32 to index
        %get3A_1114 = arith.constant 0 : index
        %get3A_1115 = tpu.vector_load %arg6[%get3A_1112, %get3A_1113, %get3A_1114] {strides = array<i32>} : memref<2x640x64xf32, #tpu.memory_space<vmem>>, vector<1x1x16xf32>,
        %get3A_1116 = vector.shape_cast %get3A_1115 : vector<1x1x16xf32> to vector<16xf32>
        %add3A_1117 = arith.addf %add3A_1073, %get3A_1116 : vector<16xf32>
        %mul3A_1118 = arith.constant 20 : i32
        %mul3A_1119 = arith.muli %scan3A_352, %mul3A_1118 : i32
        %add3A_1120 = arith.constant 17 : i32
        %add3A_1121 = arith.addi %mul3A_1119, %add3A_1120 : i32
        %get3A_1122 = arith.constant 1 : i32
        %get3A_1123 = arith.index_cast %get3A_1122 : i32 to index
        %get3A_1124 = arith.index_cast %add3A_1121 : i32 to index
        %get3A_1125 = arith.constant 16 : index
        %get3A_1126 = tpu.vector_load %arg6[%get3A_1123, %get3A_1124, %get3A_1125] {strides = array<i32>} : memref<2x640x64xf32, #tpu.memory_space<vmem>>, vector<1x1x16xf32>,
        %get3A_1127 = vector.shape_cast %get3A_1126 : vector<1x1x16xf32> to vector<16xf32>
        %add3A_1128 = arith.addf %add3A_1084, %get3A_1127 : vector<16xf32>
        %mul3A_1129 = arith.constant 20 : i32
        %mul3A_1130 = arith.muli %scan3A_352, %mul3A_1129 : i32
        %add3A_1131 = arith.constant 17 : i32
        %add3A_1132 = arith.addi %mul3A_1130, %add3A_1131 : i32
        %get3A_1133 = arith.constant 1 : i32
        %get3A_1134 = arith.index_cast %get3A_1133 : i32 to index
        %get3A_1135 = arith.index_cast %add3A_1132 : i32 to index
        %get3A_1136 = arith.constant 32 : index
        %get3A_1137 = tpu.vector_load %arg6[%get3A_1134, %get3A_1135, %get3A_1136] {strides = array<i32>} : memref<2x640x64xf32, #tpu.memory_space<vmem>>, vector<1x1x16xf32>,
        %get3A_1138 = vector.shape_cast %get3A_1137 : vector<1x1x16xf32> to vector<16xf32>
        %add3A_1139 = arith.addf %add3A_1095, %get3A_1138 : vector<16xf32>
        %mul3A_1140 = arith.constant 20 : i32
        %mul3A_1141 = arith.muli %scan3A_352, %mul3A_1140 : i32
        %add3A_1142 = arith.constant 17 : i32
        %add3A_1143 = arith.addi %mul3A_1141, %add3A_1142 : i32
        %get3A_1144 = arith.constant 1 : i32
        %get3A_1145 = arith.index_cast %get3A_1144 : i32 to index
        %get3A_1146 = arith.index_cast %add3A_1143 : i32 to index
        %get3A_1147 = arith.constant 48 : index
        %get3A_1148 = tpu.vector_load %arg6[%get3A_1145, %get3A_1146, %get3A_1147] {strides = array<i32>} : memref<2x640x64xf32, #tpu.memory_space<vmem>>, vector<1x1x16xf32>,
        %get3A_1149 = vector.shape_cast %get3A_1148 : vector<1x1x16xf32> to vector<16xf32>
        %add3A_1150 = arith.addf %add3A_1106, %get3A_1149 : vector<16xf32>
        %mul3A_1151 = arith.constant 20 : i32
        %mul3A_1152 = arith.muli %scan3A_352, %mul3A_1151 : i32
        %add3A_1153 = arith.constant 18 : i32
        %add3A_1154 = arith.addi %mul3A_1152, %add3A_1153 : i32
        %get3A_1155 = arith.constant 1 : i32
        %get3A_1156 = arith.index_cast %get3A_1155 : i32 to index
        %get3A_1157 = arith.index_cast %add3A_1154 : i32 to index
        %get3A_1158 = arith.constant 0 : index
        %get3A_1159 = tpu.vector_load %arg6[%get3A_1156, %get3A_1157, %get3A_1158] {strides = array<i32>} : memref<2x640x64xf32, #tpu.memory_space<vmem>>, vector<1x1x16xf32>,
        %get3A_1160 = vector.shape_cast %get3A_1159 : vector<1x1x16xf32> to vector<16xf32>
        %add3A_1161 = arith.addf %add3A_1117, %get3A_1160 : vector<16xf32>
        %mul3A_1162 = arith.constant 20 : i32
        %mul3A_1163 = arith.muli %scan3A_352, %mul3A_1162 : i32
        %add3A_1164 = arith.constant 18 : i32
        %add3A_1165 = arith.addi %mul3A_1163, %add3A_1164 : i32
        %get3A_1166 = arith.constant 1 : i32
        %get3A_1167 = arith.index_cast %get3A_1166 : i32 to index
        %get3A_1168 = arith.index_cast %add3A_1165 : i32 to index
        %get3A_1169 = arith.constant 16 : index
        %get3A_1170 = tpu.vector_load %arg6[%get3A_1167, %get3A_1168, %get3A_1169] {strides = array<i32>} : memref<2x640x64xf32, #tpu.memory_space<vmem>>, vector<1x1x16xf32>,
        %get3A_1171 = vector.shape_cast %get3A_1170 : vector<1x1x16xf32> to vector<16xf32>
        %add3A_1172 = arith.addf %add3A_1128, %get3A_1171 : vector<16xf32>
        %mul3A_1173 = arith.constant 20 : i32
        %mul3A_1174 = arith.muli %scan3A_352, %mul3A_1173 : i32
        %add3A_1175 = arith.constant 18 : i32
        %add3A_1176 = arith.addi %mul3A_1174, %add3A_1175 : i32
        %get3A_1177 = arith.constant 1 : i32
        %get3A_1178 = arith.index_cast %get3A_1177 : i32 to index
        %get3A_1179 = arith.index_cast %add3A_1176 : i32 to index
        %get3A_1180 = arith.constant 32 : index
        %get3A_1181 = tpu.vector_load %arg6[%get3A_1178, %get3A_1179, %get3A_1180] {strides = array<i32>} : memref<2x640x64xf32, #tpu.memory_space<vmem>>, vector<1x1x16xf32>,
        %get3A_1182 = vector.shape_cast %get3A_1181 : vector<1x1x16xf32> to vector<16xf32>
        %add3A_1183 = arith.addf %add3A_1139, %get3A_1182 : vector<16xf32>
        %mul3A_1184 = arith.constant 20 : i32
        %mul3A_1185 = arith.muli %scan3A_352, %mul3A_1184 : i32
        %add3A_1186 = arith.constant 18 : i32
        %add3A_1187 = arith.addi %mul3A_1185, %add3A_1186 : i32
        %get3A_1188 = arith.constant 1 : i32
        %get3A_1189 = arith.index_cast %get3A_1188 : i32 to index
        %get3A_1190 = arith.index_cast %add3A_1187 : i32 to index
        %get3A_1191 = arith.constant 48 : index
        %get3A_1192 = tpu.vector_load %arg6[%get3A_1189, %get3A_1190, %get3A_1191] {strides = array<i32>} : memref<2x640x64xf32, #tpu.memory_space<vmem>>, vector<1x1x16xf32>,
        %get3A_1193 = vector.shape_cast %get3A_1192 : vector<1x1x16xf32> to vector<16xf32>
        %add3A_1194 = arith.addf %add3A_1150, %get3A_1193 : vector<16xf32>
        %mul3A_1195 = arith.constant 20 : i32
        %mul3A_1196 = arith.muli %scan3A_352, %mul3A_1195 : i32
        %add3A_1197 = arith.constant 19 : i32
        %add3A_1198 = arith.addi %mul3A_1196, %add3A_1197 : i32
        %get3A_1199 = arith.constant 1 : i32
        %get3A_1200 = arith.index_cast %get3A_1199 : i32 to index
        %get3A_1201 = arith.index_cast %add3A_1198 : i32 to index
        %get3A_1202 = arith.constant 0 : index
        %get3A_1203 = tpu.vector_load %arg6[%get3A_1200, %get3A_1201, %get3A_1202] {strides = array<i32>} : memref<2x640x64xf32, #tpu.memory_space<vmem>>, vector<1x1x16xf32>,
        %get3A_1204 = vector.shape_cast %get3A_1203 : vector<1x1x16xf32> to vector<16xf32>
        %add3A_1205 = arith.addf %add3A_1161, %get3A_1204 : vector<16xf32>
        %mul3A_1206 = arith.constant 20 : i32
        %mul3A_1207 = arith.muli %scan3A_352, %mul3A_1206 : i32
        %add3A_1208 = arith.constant 19 : i32
        %add3A_1209 = arith.addi %mul3A_1207, %add3A_1208 : i32
        %get3A_1210 = arith.constant 1 : i32
        %get3A_1211 = arith.index_cast %get3A_1210 : i32 to index
        %get3A_1212 = arith.index_cast %add3A_1209 : i32 to index
        %get3A_1213 = arith.constant 16 : index
        %get3A_1214 = tpu.vector_load %arg6[%get3A_1211, %get3A_1212, %get3A_1213] {strides = array<i32>} : memref<2x640x64xf32, #tpu.memory_space<vmem>>, vector<1x1x16xf32>,
        %get3A_1215 = vector.shape_cast %get3A_1214 : vector<1x1x16xf32> to vector<16xf32>
        %add3A_1216 = arith.addf %add3A_1172, %get3A_1215 : vector<16xf32>
        %mul3A_1217 = arith.constant 20 : i32
        %mul3A_1218 = arith.muli %scan3A_352, %mul3A_1217 : i32
        %add3A_1219 = arith.constant 19 : i32
        %add3A_1220 = arith.addi %mul3A_1218, %add3A_1219 : i32
        %get3A_1221 = arith.constant 1 : i32
        %get3A_1222 = arith.index_cast %get3A_1221 : i32 to index
        %get3A_1223 = arith.index_cast %add3A_1220 : i32 to index
        %get3A_1224 = arith.constant 32 : index
        %get3A_1225 = tpu.vector_load %arg6[%get3A_1222, %get3A_1223, %get3A_1224] {strides = array<i32>} : memref<2x640x64xf32, #tpu.memory_space<vmem>>, vector<1x1x16xf32>,
        %get3A_1226 = vector.shape_cast %get3A_1225 : vector<1x1x16xf32> to vector<16xf32>
        %add3A_1227 = arith.addf %add3A_1183, %get3A_1226 : vector<16xf32>
        %mul3A_1228 = arith.constant 20 : i32
        %mul3A_1229 = arith.muli %scan3A_352, %mul3A_1228 : i32
        %add3A_1230 = arith.constant 19 : i32
        %add3A_1231 = arith.addi %mul3A_1229, %add3A_1230 : i32
        %get3A_1232 = arith.constant 1 : i32
        %get3A_1233 = arith.index_cast %get3A_1232 : i32 to index
        %get3A_1234 = arith.index_cast %add3A_1231 : i32 to index
        %get3A_1235 = arith.constant 48 : index
        %get3A_1236 = tpu.vector_load %arg6[%get3A_1233, %get3A_1234, %get3A_1235] {strides = array<i32>} : memref<2x640x64xf32, #tpu.memory_space<vmem>>, vector<1x1x16xf32>,
        %get3A_1237 = vector.shape_cast %get3A_1236 : vector<1x1x16xf32> to vector<16xf32>
        %add3A_1238 = arith.addf %add3A_1194, %get3A_1237 : vector<16xf32>
        %mul3A_1239 = arith.constant 5.000000e-02 : f32
        %mul3A_1240 = vector.broadcast %mul3A_1239 : f32 to vector<16xf32>
        %mul3A_1241 = arith.mulf %add3A_1205, %mul3A_1240 : vector<16xf32>
        %add3A_1242 = arith.constant 32 : i32
        %add3A_1243 = arith.addi %add3A_1242, %scan3A_352 : i32
        %swap3A = arith.index_cast %add3A_1243 : i32 to index
        %swap3A_1244 = arith.constant 0 : index
        %swap3A_1245 = tpu.vector_load %arg7[%swap3A, %swap3A_1244] {strides = array<i32>} : memref<64x64xf32, #tpu.memory_space<vmem>>, vector<1x16xf32>,
        %swap3A_1246 = vector.shape_cast %swap3A_1245 : vector<1x16xf32> to vector<16xf32>
        %swap3A_1247 = vector.shape_cast %mul3A_1241 : vector<16xf32> to vector<1x16xf32>
        tpu.vector_store %arg7[%swap3A, %swap3A_1244], %swap3A_1247 {strides = array<i32>} : memref<64x64xf32, #tpu.memory_space<vmem>>, vector<1x16xf32>,
        %mul3A_1248 = arith.constant 5.000000e-02 : f32
        %mul3A_1249 = vector.broadcast %mul3A_1248 : f32 to vector<16xf32>
        %mul3A_1250 = arith.mulf %add3A_1216, %mul3A_1249 : vector<16xf32>
        %add3A_1251 = arith.constant 32 : i32
        %add3A_1252 = arith.addi %add3A_1251, %scan3A_352 : i32
        %swap3A_1253 = arith.index_cast %add3A_1252 : i32 to index
        %swap3A_1254 = arith.constant 16 : index
        %swap3A_1255 = tpu.vector_load %arg7[%swap3A_1253, %swap3A_1254] {strides = array<i32>} : memref<64x64xf32, #tpu.memory_space<vmem>>, vector<1x16xf32>,
        %swap3A_1256 = vector.shape_cast %swap3A_1255 : vector<1x16xf32> to vector<16xf32>
        %swap3A_1257 = vector.shape_cast %mul3A_1250 : vector<16xf32> to vector<1x16xf32>
        tpu.vector_store %arg7[%swap3A_1253, %swap3A_1254], %swap3A_1257 {strides = array<i32>} : memref<64x64xf32, #tpu.memory_space<vmem>>, vector<1x16xf32>,
        %mul3A_1258 = arith.constant 5.000000e-02 : f32
        %mul3A_1259 = vector.broadcast %mul3A_1258 : f32 to vector<16xf32>
        %mul3A_1260 = arith.mulf %add3A_1227, %mul3A_1259 : vector<16xf32>
        %add3A_1261 = arith.constant 32 : i32
        %add3A_1262 = arith.addi %add3A_1261, %scan3A_352 : i32
        %swap3A_1263 = arith.index_cast %add3A_1262 : i32 to index
        %swap3A_1264 = arith.constant 32 : index
        %swap3A_1265 = tpu.vector_load %arg7[%swap3A_1263, %swap3A_1264] {strides = array<i32>} : memref<64x64xf32, #tpu.memory_space<vmem>>, vector<1x16xf32>,
        %swap3A_1266 = vector.shape_cast %swap3A_1265 : vector<1x16xf32> to vector<16xf32>
        %swap3A_1267 = vector.shape_cast %mul3A_1260 : vector<16xf32> to vector<1x16xf32>
        tpu.vector_store %arg7[%swap3A_1263, %swap3A_1264], %swap3A_1267 {strides = array<i32>} : memref<64x64xf32, #tpu.memory_space<vmem>>, vector<1x16xf32>,
        %mul3A_1268 = arith.constant 5.000000e-02 : f32
        %mul3A_1269 = vector.broadcast %mul3A_1268 : f32 to vector<16xf32>
        %mul3A_1270 = arith.mulf %add3A_1238, %mul3A_1269 : vector<16xf32>
        %add3A_1271 = arith.constant 32 : i32
        %add3A_1272 = arith.addi %add3A_1271, %scan3A_352 : i32
        %swap3A_1273 = arith.index_cast %add3A_1272 : i32 to index
        %swap3A_1274 = arith.constant 48 : index
        %swap3A_1275 = tpu.vector_load %arg7[%swap3A_1273, %swap3A_1274] {strides = array<i32>} : memref<64x64xf32, #tpu.memory_space<vmem>>, vector<1x16xf32>,
        %swap3A_1276 = vector.shape_cast %swap3A_1275 : vector<1x16xf32> to vector<16xf32>
        %swap3A_1277 = vector.shape_cast %mul3A_1270 : vector<16xf32> to vector<1x16xf32>
        tpu.vector_store %arg7[%swap3A_1273, %swap3A_1274], %swap3A_1277 {strides = array<i32>} : memref<64x64xf32, #tpu.memory_space<vmem>>, vector<1x16xf32>,
      }
      %scan3A_335 = arith.constant 32 : i32
      %add3A_336 = arith.addi %mul3A_2, %min3A_137 : i32
      %mul3A_337 = arith.constant 1280 : i32
      %mul3A_338 = arith.muli %add3A_336, %mul3A_337 : i32
      %add3A_339 = arith.constant 640 : i32
      %add3A_340 = arith.addi %mul3A_338, %add3A_339 : i32
      %dma_start3A_341 = arith.constant 1 : i32
      %dma_start3A_342 = arith.constant 0 : i32
      %dma_start3A_343 = tpu.memref_slice %arg5[%dma_start3A_341, %dma_start3A_342] : memref<2x640xi32, #tpu.memory_space<vmem>> -> memref<1x640xi32, #tpu.memory_space<vmem>>
      %dma_start3A_344 = tpu.memref_squeeze %dma_start3A_343 : memref<1x640xi32, #tpu.memory_space<vmem>> -> memref<640xi32, #tpu.memory_space<vmem>>
      %dma_start3A_345 = tpu.memref_slice %arg2[%add3A_340] : memref<1310720xi32, #tpu.memory_space<hbm>> -> memref<640xi32, #tpu.memory_space<hbm>>
      %dma_start3A_346 = arith.constant 0 : i32
      %dma_start3A_347 = tpu.memref_slice %arg5[%dma_start3A_341, %dma_start3A_346] : memref<2x640xi32, #tpu.memory_space<vmem>> -> memref<1x640xi32, #tpu.memory_space<vmem>>
      %dma_start3A_348 = tpu.memref_squeeze %dma_start3A_347 : memref<1x640xi32, #tpu.memory_space<vmem>> -> memref<640xi32, #tpu.memory_space<vmem>>
      %dma_start3A_349 = tpu.memref_slice %arg2[%add3A_340] : memref<1310720xi32, #tpu.memory_space<hbm>> -> memref<640xi32, #tpu.memory_space<hbm>>
      tpu.enqueue_dma source(%dma_start3A_349 : memref<640xi32, #tpu.memory_space<hbm>>) target(%dma_start3A_348 : memref<640xi32, #tpu.memory_space<vmem>>) target_semaphore(%arg11 : memref<!tpu.dma_semaphore, #tpu.memory_space<semaphore_mem>>)
      %mul3A_350 = arith.constant 64 : i32
      %mul3A_351 = arith.muli %add3A_134, %mul3A_350 : i32
      "tpu.region"() ({
        %run_scoped3A = tpu.sem_alloc : memref<!tpu.dma_semaphore, #tpu.memory_space<semaphore_mem>>
        %dma_start3A_352 = arith.constant 0 : i32
        %dma_start3A_353 = tpu.memref_slice %arg4[%mul3A_351, %dma_start3A_352] : memref<65536x64xf32, #tpu.memory_space<hbm>> -> memref<64x64xf32, #tpu.memory_space<hbm>>
        %dma_start3A_354 = arith.constant 0 : i32
        %dma_start3A_355 = tpu.memref_slice %arg4[%mul3A_351, %dma_start3A_354] : memref<65536x64xf32, #tpu.memory_space<hbm>> -> memref<64x64xf32, #tpu.memory_space<hbm>>
        tpu.enqueue_dma source(%arg7 : memref<64x64xf32, #tpu.memory_space<vmem>>) target(%dma_start3A_355 : memref<64x64xf32, #tpu.memory_space<hbm>>) target_semaphore(%run_scoped3A : memref<!tpu.dma_semaphore, #tpu.memory_space<semaphore_mem>>)
        %dma_wait3A_356 = arith.constant 0 : i32
        %dma_wait3A_357 = tpu.memref_slice %arg4[%mul3A_351, %dma_wait3A_356] : memref<65536x64xf32, #tpu.memory_space<hbm>> -> memref<64x64xf32, #tpu.memory_space<hbm>>
        %dma_wait3A_358 = arith.constant 0 : i32
        %dma_wait3A_359 = tpu.memref_slice %arg4[%mul3A_351, %dma_wait3A_358] : memref<65536x64xf32, #tpu.memory_space<hbm>> -> memref<64x64xf32, #tpu.memory_space<hbm>>
        tpu.wait_dma2 semaphore(%run_scoped3A : memref<!tpu.dma_semaphore, #tpu.memory_space<semaphore_mem>>) src(%arg7 : memref<64x64xf32, #tpu.memory_space<vmem>>) dst(%dma_wait3A_359 : memref<64x64xf32, #tpu.memory_space<hbm>>)
        tpu.yield
      }) : () -> ()
    }
    %scan3A_106 = arith.constant 32 : i32
    %dma_wait3A_107 = arith.constant 0 : i32
    %dma_wait3A_108 = arith.constant 0 : i32
    %dma_wait3A_109 = arith.constant 0 : i32
    %dma_wait3A_110 = tpu.memref_slice %arg6[%dma_wait3A_107, %dma_wait3A_108, %dma_wait3A_109] : memref<2x640x64xf32, #tpu.memory_space<vmem>> -> memref<1x640x64xf32, #tpu.memory_space<vmem>>
    %dma_wait3A_111 = tpu.memref_squeeze %dma_wait3A_110 : memref<1x640x64xf32, #tpu.memory_space<vmem>> -> memref<640x64xf32, #tpu.memory_space<vmem>>
    %dma_wait3A_112 = arith.constant 0 : i32
    %dma_wait3A_113 = arith.constant 0 : i32
    %dma_wait3A_114 = tpu.memref_slice %arg3[%dma_wait3A_112, %dma_wait3A_113] : memref<1000000x64xf32, #tpu.memory_space<hbm>> -> memref<640x64xf32, #tpu.memory_space<hbm>>
    %dma_wait3A_115 = arith.constant 0 : i32
    %dma_wait3A_116 = arith.constant 0 : i32
    %dma_wait3A_117 = tpu.memref_slice %arg6[%dma_wait3A_107, %dma_wait3A_115, %dma_wait3A_116] : memref<2x640x64xf32, #tpu.memory_space<vmem>> -> memref<1x640x64xf32, #tpu.memory_space<vmem>>
    %dma_wait3A_118 = tpu.memref_squeeze %dma_wait3A_117 : memref<1x640x64xf32, #tpu.memory_space<vmem>> -> memref<640x64xf32, #tpu.memory_space<vmem>>
    %dma_wait3A_119 = arith.constant 0 : i32
    %dma_wait3A_120 = arith.constant 0 : i32
    %dma_wait3A_121 = tpu.memref_slice %arg3[%dma_wait3A_119, %dma_wait3A_120] : memref<1000000x64xf32, #tpu.memory_space<hbm>> -> memref<640x64xf32, #tpu.memory_space<hbm>>
    tpu.wait_dma2 semaphore(%arg8 : memref<!tpu.dma_semaphore, #tpu.memory_space<semaphore_mem>>) src(%dma_wait3A_121 : memref<640x64xf32, #tpu.memory_space<hbm>>) dst(%dma_wait3A_118 : memref<640x64xf32, #tpu.memory_space<vmem>>)
    %dma_wait3A_122 = arith.constant 1 : i32
    %dma_wait3A_123 = arith.constant 0 : i32
    %dma_wait3A_124 = tpu.memref_slice %arg5[%dma_wait3A_122, %dma_wait3A_123] : memref<2x640xi32, #tpu.memory_space<vmem>> -> memref<1x640xi32, #tpu.memory_space<vmem>>
    %dma_wait3A_125 = tpu.memref_squeeze %dma_wait3A_124 : memref<1x640xi32, #tpu.memory_space<vmem>> -> memref<640xi32, #tpu.memory_space<vmem>>
    %dma_wait3A_126 = arith.constant 0 : i32
    %dma_wait3A_127 = tpu.memref_slice %arg2[%dma_wait3A_126] : memref<1310720xi32, #tpu.memory_space<hbm>> -> memref<640xi32, #tpu.memory_space<hbm>>
    %dma_wait3A_128 = arith.constant 0 : i32
    %dma_wait3A_129 = tpu.memref_slice %arg5[%dma_wait3A_122, %dma_wait3A_128] : memref<2x640xi32, #tpu.memory_space<vmem>> -> memref<1x640xi32, #tpu.memory_space<vmem>>
    %dma_wait3A_130 = tpu.memref_squeeze %dma_wait3A_129 : memref<1x640xi32, #tpu.memory_space<vmem>> -> memref<640xi32, #tpu.memory_space<vmem>>
    %dma_wait3A_131 = arith.constant 0 : i32
    %dma_wait3A_132 = tpu.memref_slice %arg2[%dma_wait3A_131] : memref<1310720xi32, #tpu.memory_space<hbm>> -> memref<640xi32, #tpu.memory_space<hbm>>
    tpu.wait_dma2 semaphore(%arg11 : memref<!tpu.dma_semaphore, #tpu.memory_space<semaphore_mem>>) src(%dma_wait3A_132 : memref<640xi32, #tpu.memory_space<hbm>>) dst(%dma_wait3A_130 : memref<640xi32, #tpu.memory_space<vmem>>)
    return
  }
}

#map = affine_map<(d0, d1) -> (0)>
#map1 = affine_map<(d0, d1) -> (0, 0)>
module attributes {stable_mosaic.version = 14 : i64} {
  func.func @pool(%arg0: i32, %arg1: i32, %arg2: memref<204800xi32, #tpu.memory_space<hbm>>, %arg3: memref<1000000x64xf32, #tpu.memory_space<hbm>>, %arg4: memref<1024x64xf32, #tpu.memory_space<hbm>>, %arg5: memref<2x200xi32, #tpu.memory_space<vmem>>, %arg6: memref<2x200x64xf32, #tpu.memory_space<vmem>>, %arg7: memref<1x64xf32, #tpu.memory_space<vmem>>, %arg8: memref<!tpu.dma_semaphore, #tpu.memory_space<semaphore_mem>>, %arg9: memref<!tpu.dma_semaphore, #tpu.memory_space<semaphore_mem>>) attributes {dimension_semantics = [#tpu.dimension_semantics<core_parallel>, #tpu.dimension_semantics<subcore_parallel>], iteration_bounds = array<i64: 2, 16>, scalar_prefetch = 0 : i64, scratch_operands = 5 : i64, tpu.core_type = #tpu.core_type<sc_vector_subcore>, window_params = [{transform_indices = #map}, {transform_indices = #map1}, {transform_indices = #map1}]} {
    %mul3A = arith.constant 2 : i32
    %mul3A_0 = arith.muli %arg1, %mul3A : i32
    %add3A = arith.addi %mul3A_0, %arg0 : i32
    %mul3A_1 = arith.constant 32 : i32
    %mul3A_2 = arith.muli %add3A, %mul3A_1 : i32
    %add3A_3 = arith.constant 0 : i32
    %add3A_4 = arith.addi %mul3A_2, %add3A_3 : i32
    %mul3A_5 = arith.constant 200 : i32
    %mul3A_6 = arith.muli %add3A_4, %mul3A_5 : i32
    %run_scoped3A = arith.constant 0 : i32
    "tpu.region"() ({
      %run_scoped3A_49 = tpu.sem_alloc : memref<!tpu.dma_semaphore, #tpu.memory_space<semaphore_mem>>
      %dma_start3A_50 = arith.constant 0 : i32
      %dma_start3A_51 = tpu.memref_slice %arg5[%run_scoped3A, %dma_start3A_50] : memref<2x200xi32, #tpu.memory_space<vmem>> -> memref<1x200xi32, #tpu.memory_space<vmem>>
      %dma_start3A_52 = tpu.memref_squeeze %dma_start3A_51 : memref<1x200xi32, #tpu.memory_space<vmem>> -> memref<200xi32, #tpu.memory_space<vmem>>
      %dma_start3A_53 = tpu.memref_slice %arg2[%mul3A_6] : memref<204800xi32, #tpu.memory_space<hbm>> -> memref<200xi32, #tpu.memory_space<hbm>>
      %dma_start3A_54 = arith.constant 0 : i32
      %dma_start3A_55 = tpu.memref_slice %arg5[%run_scoped3A, %dma_start3A_54] : memref<2x200xi32, #tpu.memory_space<vmem>> -> memref<1x200xi32, #tpu.memory_space<vmem>>
      %dma_start3A_56 = tpu.memref_squeeze %dma_start3A_55 : memref<1x200xi32, #tpu.memory_space<vmem>> -> memref<200xi32, #tpu.memory_space<vmem>>
      %dma_start3A_57 = tpu.memref_slice %arg2[%mul3A_6] : memref<204800xi32, #tpu.memory_space<hbm>> -> memref<200xi32, #tpu.memory_space<hbm>>
      tpu.enqueue_dma source(%dma_start3A_57 : memref<200xi32, #tpu.memory_space<hbm>>) target(%dma_start3A_56 : memref<200xi32, #tpu.memory_space<vmem>>) target_semaphore(%run_scoped3A_49 : memref<!tpu.dma_semaphore, #tpu.memory_space<semaphore_mem>>)
      %dma_wait3A_58 = arith.constant 0 : i32
      %dma_wait3A_59 = tpu.memref_slice %arg5[%run_scoped3A, %dma_wait3A_58] : memref<2x200xi32, #tpu.memory_space<vmem>> -> memref<1x200xi32, #tpu.memory_space<vmem>>
      %dma_wait3A_60 = tpu.memref_squeeze %dma_wait3A_59 : memref<1x200xi32, #tpu.memory_space<vmem>> -> memref<200xi32, #tpu.memory_space<vmem>>
      %dma_wait3A_61 = tpu.memref_slice %arg2[%mul3A_6] : memref<204800xi32, #tpu.memory_space<hbm>> -> memref<200xi32, #tpu.memory_space<hbm>>
      %dma_wait3A_62 = arith.constant 0 : i32
      %dma_wait3A_63 = tpu.memref_slice %arg5[%run_scoped3A, %dma_wait3A_62] : memref<2x200xi32, #tpu.memory_space<vmem>> -> memref<1x200xi32, #tpu.memory_space<vmem>>
      %dma_wait3A_64 = tpu.memref_squeeze %dma_wait3A_63 : memref<1x200xi32, #tpu.memory_space<vmem>> -> memref<200xi32, #tpu.memory_space<vmem>>
      %dma_wait3A_65 = tpu.memref_slice %arg2[%mul3A_6] : memref<204800xi32, #tpu.memory_space<hbm>> -> memref<200xi32, #tpu.memory_space<hbm>>
      tpu.wait_dma2 semaphore(%run_scoped3A_49 : memref<!tpu.dma_semaphore, #tpu.memory_space<semaphore_mem>>) src(%dma_wait3A_65 : memref<200xi32, #tpu.memory_space<hbm>>) dst(%dma_wait3A_64 : memref<200xi32, #tpu.memory_space<vmem>>)
      tpu.yield
    }) : () -> ()
    %dma_start3A = arith.constant 0 : i32
    %dma_start3A_7 = arith.constant 0 : i32
    %dma_start3A_8 = arith.constant 0 : i32
    %dma_start3A_9 = arith.constant 0 : i32
    %dma_start3A_10 = tpu.memref_slice %arg6[%dma_start3A_7, %dma_start3A_8, %dma_start3A_9] : memref<2x200x64xf32, #tpu.memory_space<vmem>> -> memref<1x128x64xf32, #tpu.memory_space<vmem>>
    %dma_start3A_11 = tpu.memref_squeeze %dma_start3A_10 : memref<1x128x64xf32, #tpu.memory_space<vmem>> -> memref<128x64xf32, #tpu.memory_space<vmem>>
    %dma_start3A_12 = arith.constant 0 : i32
    %dma_start3A_13 = tpu.memref_slice %arg5[%dma_start3A, %dma_start3A_12] : memref<2x200xi32, #tpu.memory_space<vmem>> -> memref<1x128xi32, #tpu.memory_space<vmem>>
    %dma_start3A_14 = tpu.memref_squeeze %dma_start3A_13 : memref<1x128xi32, #tpu.memory_space<vmem>> -> memref<128xi32, #tpu.memory_space<vmem>>
    %dma_start3A_15 = arith.constant 0 : i32
    %dma_start3A_16 = arith.constant 0 : i32
    %dma_start3A_17 = tpu.memref_slice %arg3[%dma_start3A_15, %dma_start3A_16] : memref<1000000x64xf32, #tpu.memory_space<hbm>> -> memref<1000000x64xf32, #tpu.memory_space<hbm>>
    tpu.enqueue_indirect_dma source(%dma_start3A_17 : memref<1000000x64xf32, #tpu.memory_space<hbm>>) target(%dma_start3A_11 : memref<128x64xf32, #tpu.memory_space<vmem>>) offsets(%dma_start3A_14 : memref<128xi32, #tpu.memory_space<vmem>>) semaphore(%arg8 : memref<!tpu.dma_semaphore, #tpu.memory_space<semaphore_mem>>)
    %dma_start3A_18 = arith.constant 0 : i32
    %dma_start3A_19 = arith.constant 0 : i32
    %dma_start3A_20 = arith.constant 128 : i32
    %dma_start3A_21 = arith.constant 0 : i32
    %dma_start3A_22 = tpu.memref_slice %arg6[%dma_start3A_19, %dma_start3A_20, %dma_start3A_21] : memref<2x200x64xf32, #tpu.memory_space<vmem>> -> memref<1x72x64xf32, #tpu.memory_space<vmem>>
    %dma_start3A_23 = tpu.memref_squeeze %dma_start3A_22 : memref<1x72x64xf32, #tpu.memory_space<vmem>> -> memref<72x64xf32, #tpu.memory_space<vmem>>
    %dma_start3A_24 = arith.constant 128 : i32
    %dma_start3A_25 = tpu.memref_slice %arg5[%dma_start3A_18, %dma_start3A_24] : memref<2x200xi32, #tpu.memory_space<vmem>> -> memref<1x72xi32, #tpu.memory_space<vmem>>
    %dma_start3A_26 = tpu.memref_squeeze %dma_start3A_25 : memref<1x72xi32, #tpu.memory_space<vmem>> -> memref<72xi32, #tpu.memory_space<vmem>>
    %dma_start3A_27 = arith.constant 0 : i32
    %dma_start3A_28 = arith.constant 0 : i32
    %dma_start3A_29 = tpu.memref_slice %arg3[%dma_start3A_27, %dma_start3A_28] : memref<1000000x64xf32, #tpu.memory_space<hbm>> -> memref<1000000x64xf32, #tpu.memory_space<hbm>>
    tpu.enqueue_indirect_dma source(%dma_start3A_29 : memref<1000000x64xf32, #tpu.memory_space<hbm>>) target(%dma_start3A_23 : memref<72x64xf32, #tpu.memory_space<vmem>>) offsets(%dma_start3A_26 : memref<72xi32, #tpu.memory_space<vmem>>) semaphore(%arg8 : memref<!tpu.dma_semaphore, #tpu.memory_space<semaphore_mem>>)
    %scan3A = arith.constant 0 : i32
    %scan3A_30 = arith.constant 0 : i32
    %scan3A_31 = arith.constant 16 : i32
    %scan3A_32 = arith.addi %scan3A_30, %scan3A_31 : i32
    %scan3A_33 = arith.constant 1 : i32
    scf.for %scan3A_49 = %scan3A_30 to %scan3A_32 step %scan3A_33  : i32 {
      %mul3A_50 = arith.constant 2 : i32
      %mul3A_51 = arith.muli %scan3A_49, %mul3A_50 : i32
      %add3A_52 = arith.constant 0 : i32
      %add3A_53 = arith.addi %mul3A_51, %add3A_52 : i32
      %add3A_54 = arith.addi %mul3A_2, %add3A_53 : i32
      %add3A_55 = arith.constant 1 : i32
      %add3A_56 = arith.addi %add3A_53, %add3A_55 : i32
      %min3A = arith.constant 31 : i32
      %min3A_57 = arith.minsi %add3A_56, %min3A : i32
      %add3A_58 = arith.addi %mul3A_2, %min3A_57 : i32
      %mul3A_59 = arith.constant 200 : i32
      %mul3A_60 = arith.muli %add3A_58, %mul3A_59 : i32
      %run_scoped3A_61 = arith.constant 1 : i32
      "tpu.region"() ({
        %run_scoped3A_251 = tpu.sem_alloc : memref<!tpu.dma_semaphore, #tpu.memory_space<semaphore_mem>>
        %dma_start3A_252 = arith.constant 0 : i32
        %dma_start3A_253 = tpu.memref_slice %arg5[%run_scoped3A_61, %dma_start3A_252] : memref<2x200xi32, #tpu.memory_space<vmem>> -> memref<1x200xi32, #tpu.memory_space<vmem>>
        %dma_start3A_254 = tpu.memref_squeeze %dma_start3A_253 : memref<1x200xi32, #tpu.memory_space<vmem>> -> memref<200xi32, #tpu.memory_space<vmem>>
        %dma_start3A_255 = tpu.memref_slice %arg2[%mul3A_60] : memref<204800xi32, #tpu.memory_space<hbm>> -> memref<200xi32, #tpu.memory_space<hbm>>
        %dma_start3A_256 = arith.constant 0 : i32
        %dma_start3A_257 = tpu.memref_slice %arg5[%run_scoped3A_61, %dma_start3A_256] : memref<2x200xi32, #tpu.memory_space<vmem>> -> memref<1x200xi32, #tpu.memory_space<vmem>>
        %dma_start3A_258 = tpu.memref_squeeze %dma_start3A_257 : memref<1x200xi32, #tpu.memory_space<vmem>> -> memref<200xi32, #tpu.memory_space<vmem>>
        %dma_start3A_259 = tpu.memref_slice %arg2[%mul3A_60] : memref<204800xi32, #tpu.memory_space<hbm>> -> memref<200xi32, #tpu.memory_space<hbm>>
        tpu.enqueue_dma source(%dma_start3A_259 : memref<200xi32, #tpu.memory_space<hbm>>) target(%dma_start3A_258 : memref<200xi32, #tpu.memory_space<vmem>>) target_semaphore(%run_scoped3A_251 : memref<!tpu.dma_semaphore, #tpu.memory_space<semaphore_mem>>)
        %dma_wait3A_260 = arith.constant 0 : i32
        %dma_wait3A_261 = tpu.memref_slice %arg5[%run_scoped3A_61, %dma_wait3A_260] : memref<2x200xi32, #tpu.memory_space<vmem>> -> memref<1x200xi32, #tpu.memory_space<vmem>>
        %dma_wait3A_262 = tpu.memref_squeeze %dma_wait3A_261 : memref<1x200xi32, #tpu.memory_space<vmem>> -> memref<200xi32, #tpu.memory_space<vmem>>
        %dma_wait3A_263 = tpu.memref_slice %arg2[%mul3A_60] : memref<204800xi32, #tpu.memory_space<hbm>> -> memref<200xi32, #tpu.memory_space<hbm>>
        %dma_wait3A_264 = arith.constant 0 : i32
        %dma_wait3A_265 = tpu.memref_slice %arg5[%run_scoped3A_61, %dma_wait3A_264] : memref<2x200xi32, #tpu.memory_space<vmem>> -> memref<1x200xi32, #tpu.memory_space<vmem>>
        %dma_wait3A_266 = tpu.memref_squeeze %dma_wait3A_265 : memref<1x200xi32, #tpu.memory_space<vmem>> -> memref<200xi32, #tpu.memory_space<vmem>>
        %dma_wait3A_267 = tpu.memref_slice %arg2[%mul3A_60] : memref<204800xi32, #tpu.memory_space<hbm>> -> memref<200xi32, #tpu.memory_space<hbm>>
        tpu.wait_dma2 semaphore(%run_scoped3A_251 : memref<!tpu.dma_semaphore, #tpu.memory_space<semaphore_mem>>) src(%dma_wait3A_267 : memref<200xi32, #tpu.memory_space<hbm>>) dst(%dma_wait3A_266 : memref<200xi32, #tpu.memory_space<vmem>>)
        tpu.yield
      }) : () -> ()
      %dma_start3A_62 = arith.constant 1 : i32
      %dma_start3A_63 = arith.constant 1 : i32
      %dma_start3A_64 = arith.constant 0 : i32
      %dma_start3A_65 = arith.constant 0 : i32
      %dma_start3A_66 = tpu.memref_slice %arg6[%dma_start3A_63, %dma_start3A_64, %dma_start3A_65] : memref<2x200x64xf32, #tpu.memory_space<vmem>> -> memref<1x128x64xf32, #tpu.memory_space<vmem>>
      %dma_start3A_67 = tpu.memref_squeeze %dma_start3A_66 : memref<1x128x64xf32, #tpu.memory_space<vmem>> -> memref<128x64xf32, #tpu.memory_space<vmem>>
      %dma_start3A_68 = arith.constant 0 : i32
      %dma_start3A_69 = tpu.memref_slice %arg5[%dma_start3A_62, %dma_start3A_68] : memref<2x200xi32, #tpu.memory_space<vmem>> -> memref<1x128xi32, #tpu.memory_space<vmem>>
      %dma_start3A_70 = tpu.memref_squeeze %dma_start3A_69 : memref<1x128xi32, #tpu.memory_space<vmem>> -> memref<128xi32, #tpu.memory_space<vmem>>
      %dma_start3A_71 = arith.constant 0 : i32
      %dma_start3A_72 = arith.constant 0 : i32
      %dma_start3A_73 = tpu.memref_slice %arg3[%dma_start3A_71, %dma_start3A_72] : memref<1000000x64xf32, #tpu.memory_space<hbm>> -> memref<1000000x64xf32, #tpu.memory_space<hbm>>
      tpu.enqueue_indirect_dma source(%dma_start3A_73 : memref<1000000x64xf32, #tpu.memory_space<hbm>>) target(%dma_start3A_67 : memref<128x64xf32, #tpu.memory_space<vmem>>) offsets(%dma_start3A_70 : memref<128xi32, #tpu.memory_space<vmem>>) semaphore(%arg9 : memref<!tpu.dma_semaphore, #tpu.memory_space<semaphore_mem>>)
      %dma_start3A_74 = arith.constant 1 : i32
      %dma_start3A_75 = arith.constant 1 : i32
      %dma_start3A_76 = arith.constant 128 : i32
      %dma_start3A_77 = arith.constant 0 : i32
      %dma_start3A_78 = tpu.memref_slice %arg6[%dma_start3A_75, %dma_start3A_76, %dma_start3A_77] : memref<2x200x64xf32, #tpu.memory_space<vmem>> -> memref<1x72x64xf32, #tpu.memory_space<vmem>>
      %dma_start3A_79 = tpu.memref_squeeze %dma_start3A_78 : memref<1x72x64xf32, #tpu.memory_space<vmem>> -> memref<72x64xf32, #tpu.memory_space<vmem>>
      %dma_start3A_80 = arith.constant 128 : i32
      %dma_start3A_81 = tpu.memref_slice %arg5[%dma_start3A_74, %dma_start3A_80] : memref<2x200xi32, #tpu.memory_space<vmem>> -> memref<1x72xi32, #tpu.memory_space<vmem>>
      %dma_start3A_82 = tpu.memref_squeeze %dma_start3A_81 : memref<1x72xi32, #tpu.memory_space<vmem>> -> memref<72xi32, #tpu.memory_space<vmem>>
      %dma_start3A_83 = arith.constant 0 : i32
      %dma_start3A_84 = arith.constant 0 : i32
      %dma_start3A_85 = tpu.memref_slice %arg3[%dma_start3A_83, %dma_start3A_84] : memref<1000000x64xf32, #tpu.memory_space<hbm>> -> memref<1000000x64xf32, #tpu.memory_space<hbm>>
      tpu.enqueue_indirect_dma source(%dma_start3A_85 : memref<1000000x64xf32, #tpu.memory_space<hbm>>) target(%dma_start3A_79 : memref<72x64xf32, #tpu.memory_space<vmem>>) offsets(%dma_start3A_82 : memref<72xi32, #tpu.memory_space<vmem>>) semaphore(%arg9 : memref<!tpu.dma_semaphore, #tpu.memory_space<semaphore_mem>>)
      %dma_wait3A_86 = arith.constant 0 : i32
      %dma_wait3A_87 = arith.constant 0 : i32
      %dma_wait3A_88 = arith.constant 0 : i32
      %dma_wait3A_89 = tpu.memref_slice %arg6[%dma_wait3A_86, %dma_wait3A_87, %dma_wait3A_88] : memref<2x200x64xf32, #tpu.memory_space<vmem>> -> memref<1x200x64xf32, #tpu.memory_space<vmem>>
      %dma_wait3A_90 = tpu.memref_squeeze %dma_wait3A_89 : memref<1x200x64xf32, #tpu.memory_space<vmem>> -> memref<200x64xf32, #tpu.memory_space<vmem>>
      %dma_wait3A_91 = arith.constant 0 : i32
      %dma_wait3A_92 = arith.constant 0 : i32
      %dma_wait3A_93 = tpu.memref_slice %arg3[%dma_wait3A_91, %dma_wait3A_92] : memref<1000000x64xf32, #tpu.memory_space<hbm>> -> memref<200x64xf32, #tpu.memory_space<hbm>>
      %dma_wait3A_94 = arith.constant 0 : i32
      %dma_wait3A_95 = arith.constant 0 : i32
      %dma_wait3A_96 = tpu.memref_slice %arg6[%dma_wait3A_86, %dma_wait3A_94, %dma_wait3A_95] : memref<2x200x64xf32, #tpu.memory_space<vmem>> -> memref<1x200x64xf32, #tpu.memory_space<vmem>>
      %dma_wait3A_97 = tpu.memref_squeeze %dma_wait3A_96 : memref<1x200x64xf32, #tpu.memory_space<vmem>> -> memref<200x64xf32, #tpu.memory_space<vmem>>
      %dma_wait3A_98 = arith.constant 0 : i32
      %dma_wait3A_99 = arith.constant 0 : i32
      %dma_wait3A_100 = tpu.memref_slice %arg3[%dma_wait3A_98, %dma_wait3A_99] : memref<1000000x64xf32, #tpu.memory_space<hbm>> -> memref<200x64xf32, #tpu.memory_space<hbm>>
      tpu.wait_dma2 semaphore(%arg8 : memref<!tpu.dma_semaphore, #tpu.memory_space<semaphore_mem>>) src(%dma_wait3A_100 : memref<200x64xf32, #tpu.memory_space<hbm>>) dst(%dma_wait3A_97 : memref<200x64xf32, #tpu.memory_space<vmem>>)
      %broadcast_in_dim3A = arith.constant 0.000000e+00 : f32
      %broadcast_in_dim3A_101 = vector.broadcast %broadcast_in_dim3A : f32 to vector<16xf32>
      %broadcast_in_dim3A_102 = arith.constant 0.000000e+00 : f32
      %broadcast_in_dim3A_103 = vector.broadcast %broadcast_in_dim3A_102 : f32 to vector<16xf32>
      %broadcast_in_dim3A_104 = arith.constant 0.000000e+00 : f32
      %broadcast_in_dim3A_105 = vector.broadcast %broadcast_in_dim3A_104 : f32 to vector<16xf32>
      %broadcast_in_dim3A_106 = arith.constant 0.000000e+00 : f32
      %broadcast_in_dim3A_107 = vector.broadcast %broadcast_in_dim3A_106 : f32 to vector<16xf32>
      %scan3A_108 = arith.constant 0 : i32
      %scan3A_109 = arith.constant 200 : i32
      %scan3A_110 = arith.addi %scan3A_108, %scan3A_109 : i32
      %scan3A_111 = arith.constant 1 : i32
      %scan3A_112:4 = scf.for %scan3A_251 = %scan3A_108 to %scan3A_110 step %scan3A_111 iter_args(%scan3A_252 = %broadcast_in_dim3A_101, %scan3A_253 = %broadcast_in_dim3A_103, %scan3A_254 = %broadcast_in_dim3A_105, %scan3A_255 = %broadcast_in_dim3A_107) -> (vector<16xf32>, vector<16xf32>, vector<16xf32>, vector<16xf32>)  : i32 {
        %get3A = arith.constant 0 : i32
        %get3A_256 = arith.index_cast %get3A : i32 to index
        %get3A_257 = arith.index_cast %scan3A_251 : i32 to index
        %get3A_258 = arith.constant 0 : index
        %get3A_259 = tpu.vector_load %arg6[%get3A_256, %get3A_257, %get3A_258] {strides = array<i32>} : memref<2x200x64xf32, #tpu.memory_space<vmem>>, vector<1x1x16xf32>,
        %get3A_260 = vector.shape_cast %get3A_259 : vector<1x1x16xf32> to vector<16xf32>
        %add3A_261 = arith.addf %scan3A_252, %get3A_260 : vector<16xf32>
        %get3A_262 = arith.constant 0 : i32
        %get3A_263 = arith.index_cast %get3A_262 : i32 to index
        %get3A_264 = arith.index_cast %scan3A_251 : i32 to index
        %get3A_265 = arith.constant 16 : index
        %get3A_266 = tpu.vector_load %arg6[%get3A_263, %get3A_264, %get3A_265] {strides = array<i32>} : memref<2x200x64xf32, #tpu.memory_space<vmem>>, vector<1x1x16xf32>,
        %get3A_267 = vector.shape_cast %get3A_266 : vector<1x1x16xf32> to vector<16xf32>
        %add3A_268 = arith.addf %scan3A_253, %get3A_267 : vector<16xf32>
        %get3A_269 = arith.constant 0 : i32
        %get3A_270 = arith.index_cast %get3A_269 : i32 to index
        %get3A_271 = arith.index_cast %scan3A_251 : i32 to index
        %get3A_272 = arith.constant 32 : index
        %get3A_273 = tpu.vector_load %arg6[%get3A_270, %get3A_271, %get3A_272] {strides = array<i32>} : memref<2x200x64xf32, #tpu.memory_space<vmem>>, vector<1x1x16xf32>,
        %get3A_274 = vector.shape_cast %get3A_273 : vector<1x1x16xf32> to vector<16xf32>
        %add3A_275 = arith.addf %scan3A_254, %get3A_274 : vector<16xf32>
        %get3A_276 = arith.constant 0 : i32
        %get3A_277 = arith.index_cast %get3A_276 : i32 to index
        %get3A_278 = arith.index_cast %scan3A_251 : i32 to index
        %get3A_279 = arith.constant 48 : index
        %get3A_280 = tpu.vector_load %arg6[%get3A_277, %get3A_278, %get3A_279] {strides = array<i32>} : memref<2x200x64xf32, #tpu.memory_space<vmem>>, vector<1x1x16xf32>,
        %get3A_281 = vector.shape_cast %get3A_280 : vector<1x1x16xf32> to vector<16xf32>
        %add3A_282 = arith.addf %scan3A_255, %get3A_281 : vector<16xf32>
        scf.yield %add3A_261, %add3A_268, %add3A_275, %add3A_282 : vector<16xf32>, vector<16xf32>, vector<16xf32>, vector<16xf32>
      }
      %scan3A_113 = arith.constant 200 : i32
      %mul3A_114 = arith.constant 5.000000e-03 : f32
      %mul3A_115 = vector.broadcast %mul3A_114 : f32 to vector<16xf32>
      %mul3A_116 = arith.mulf %scan3A_112#0, %mul3A_115 : vector<16xf32>
      %swap3A = arith.constant 0 : i32
      %swap3A_117 = arith.index_cast %swap3A : i32 to index
      %swap3A_118 = arith.constant 0 : index
      %swap3A_119 = tpu.vector_load %arg7[%swap3A_117, %swap3A_118] {strides = array<i32>} : memref<1x64xf32, #tpu.memory_space<vmem>>, vector<1x16xf32>,
      %swap3A_120 = vector.shape_cast %swap3A_119 : vector<1x16xf32> to vector<16xf32>
      %swap3A_121 = vector.shape_cast %mul3A_116 : vector<16xf32> to vector<1x16xf32>
      tpu.vector_store %arg7[%swap3A_117, %swap3A_118], %swap3A_121 {strides = array<i32>} : memref<1x64xf32, #tpu.memory_space<vmem>>, vector<1x16xf32>,
      %mul3A_122 = arith.constant 5.000000e-03 : f32
      %mul3A_123 = vector.broadcast %mul3A_122 : f32 to vector<16xf32>
      %mul3A_124 = arith.mulf %scan3A_112#1, %mul3A_123 : vector<16xf32>
      %swap3A_125 = arith.constant 0 : i32
      %swap3A_126 = arith.index_cast %swap3A_125 : i32 to index
      %swap3A_127 = arith.constant 16 : index
      %swap3A_128 = tpu.vector_load %arg7[%swap3A_126, %swap3A_127] {strides = array<i32>} : memref<1x64xf32, #tpu.memory_space<vmem>>, vector<1x16xf32>,
      %swap3A_129 = vector.shape_cast %swap3A_128 : vector<1x16xf32> to vector<16xf32>
      %swap3A_130 = vector.shape_cast %mul3A_124 : vector<16xf32> to vector<1x16xf32>
      tpu.vector_store %arg7[%swap3A_126, %swap3A_127], %swap3A_130 {strides = array<i32>} : memref<1x64xf32, #tpu.memory_space<vmem>>, vector<1x16xf32>,
      %mul3A_131 = arith.constant 5.000000e-03 : f32
      %mul3A_132 = vector.broadcast %mul3A_131 : f32 to vector<16xf32>
      %mul3A_133 = arith.mulf %scan3A_112#2, %mul3A_132 : vector<16xf32>
      %swap3A_134 = arith.constant 0 : i32
      %swap3A_135 = arith.index_cast %swap3A_134 : i32 to index
      %swap3A_136 = arith.constant 32 : index
      %swap3A_137 = tpu.vector_load %arg7[%swap3A_135, %swap3A_136] {strides = array<i32>} : memref<1x64xf32, #tpu.memory_space<vmem>>, vector<1x16xf32>,
      %swap3A_138 = vector.shape_cast %swap3A_137 : vector<1x16xf32> to vector<16xf32>
      %swap3A_139 = vector.shape_cast %mul3A_133 : vector<16xf32> to vector<1x16xf32>
      tpu.vector_store %arg7[%swap3A_135, %swap3A_136], %swap3A_139 {strides = array<i32>} : memref<1x64xf32, #tpu.memory_space<vmem>>, vector<1x16xf32>,
      %mul3A_140 = arith.constant 5.000000e-03 : f32
      %mul3A_141 = vector.broadcast %mul3A_140 : f32 to vector<16xf32>
      %mul3A_142 = arith.mulf %scan3A_112#3, %mul3A_141 : vector<16xf32>
      %swap3A_143 = arith.constant 0 : i32
      %swap3A_144 = arith.index_cast %swap3A_143 : i32 to index
      %swap3A_145 = arith.constant 48 : index
      %swap3A_146 = tpu.vector_load %arg7[%swap3A_144, %swap3A_145] {strides = array<i32>} : memref<1x64xf32, #tpu.memory_space<vmem>>, vector<1x16xf32>,
      %swap3A_147 = vector.shape_cast %swap3A_146 : vector<1x16xf32> to vector<16xf32>
      %swap3A_148 = vector.shape_cast %mul3A_142 : vector<16xf32> to vector<1x16xf32>
      tpu.vector_store %arg7[%swap3A_144, %swap3A_145], %swap3A_148 {strides = array<i32>} : memref<1x64xf32, #tpu.memory_space<vmem>>, vector<1x16xf32>,
      "tpu.region"() ({
        %run_scoped3A_251 = tpu.sem_alloc : memref<!tpu.dma_semaphore, #tpu.memory_space<semaphore_mem>>
        %dma_start3A_252 = arith.constant 0 : i32
        %dma_start3A_253 = tpu.memref_slice %arg4[%add3A_54, %dma_start3A_252] : memref<1024x64xf32, #tpu.memory_space<hbm>> -> memref<1x64xf32, #tpu.memory_space<hbm>>
        %dma_start3A_254 = arith.constant 0 : i32
        %dma_start3A_255 = tpu.memref_slice %arg4[%add3A_54, %dma_start3A_254] : memref<1024x64xf32, #tpu.memory_space<hbm>> -> memref<1x64xf32, #tpu.memory_space<hbm>>
        tpu.enqueue_dma source(%arg7 : memref<1x64xf32, #tpu.memory_space<vmem>>) target(%dma_start3A_255 : memref<1x64xf32, #tpu.memory_space<hbm>>) target_semaphore(%run_scoped3A_251 : memref<!tpu.dma_semaphore, #tpu.memory_space<semaphore_mem>>)
        %dma_wait3A_256 = arith.constant 0 : i32
        %dma_wait3A_257 = tpu.memref_slice %arg4[%add3A_54, %dma_wait3A_256] : memref<1024x64xf32, #tpu.memory_space<hbm>> -> memref<1x64xf32, #tpu.memory_space<hbm>>
        %dma_wait3A_258 = arith.constant 0 : i32
        %dma_wait3A_259 = tpu.memref_slice %arg4[%add3A_54, %dma_wait3A_258] : memref<1024x64xf32, #tpu.memory_space<hbm>> -> memref<1x64xf32, #tpu.memory_space<hbm>>
        tpu.wait_dma2 semaphore(%run_scoped3A_251 : memref<!tpu.dma_semaphore, #tpu.memory_space<semaphore_mem>>) src(%arg7 : memref<1x64xf32, #tpu.memory_space<vmem>>) dst(%dma_wait3A_259 : memref<1x64xf32, #tpu.memory_space<hbm>>)
        tpu.yield
      }) : () -> ()
      %mul3A_149 = arith.constant 2 : i32
      %mul3A_150 = arith.muli %scan3A_49, %mul3A_149 : i32
      %add3A_151 = arith.constant 1 : i32
      %add3A_152 = arith.addi %mul3A_150, %add3A_151 : i32
      %add3A_153 = arith.addi %mul3A_2, %add3A_152 : i32
      %add3A_154 = arith.constant 1 : i32
      %add3A_155 = arith.addi %add3A_152, %add3A_154 : i32
      %min3A_156 = arith.constant 31 : i32
      %min3A_157 = arith.minsi %add3A_155, %min3A_156 : i32
      %add3A_158 = arith.addi %mul3A_2, %min3A_157 : i32
      %mul3A_159 = arith.constant 200 : i32
      %mul3A_160 = arith.muli %add3A_158, %mul3A_159 : i32
      %run_scoped3A_161 = arith.constant 0 : i32
      "tpu.region"() ({
        %run_scoped3A_251 = tpu.sem_alloc : memref<!tpu.dma_semaphore, #tpu.memory_space<semaphore_mem>>
        %dma_start3A_252 = arith.constant 0 : i32
        %dma_start3A_253 = tpu.memref_slice %arg5[%run_scoped3A_161, %dma_start3A_252] : memref<2x200xi32, #tpu.memory_space<vmem>> -> memref<1x200xi32, #tpu.memory_space<vmem>>
        %dma_start3A_254 = tpu.memref_squeeze %dma_start3A_253 : memref<1x200xi32, #tpu.memory_space<vmem>> -> memref<200xi32, #tpu.memory_space<vmem>>
        %dma_start3A_255 = tpu.memref_slice %arg2[%mul3A_160] : memref<204800xi32, #tpu.memory_space<hbm>> -> memref<200xi32, #tpu.memory_space<hbm>>
        %dma_start3A_256 = arith.constant 0 : i32
        %dma_start3A_257 = tpu.memref_slice %arg5[%run_scoped3A_161, %dma_start3A_256] : memref<2x200xi32, #tpu.memory_space<vmem>> -> memref<1x200xi32, #tpu.memory_space<vmem>>
        %dma_start3A_258 = tpu.memref_squeeze %dma_start3A_257 : memref<1x200xi32, #tpu.memory_space<vmem>> -> memref<200xi32, #tpu.memory_space<vmem>>
        %dma_start3A_259 = tpu.memref_slice %arg2[%mul3A_160] : memref<204800xi32, #tpu.memory_space<hbm>> -> memref<200xi32, #tpu.memory_space<hbm>>
        tpu.enqueue_dma source(%dma_start3A_259 : memref<200xi32, #tpu.memory_space<hbm>>) target(%dma_start3A_258 : memref<200xi32, #tpu.memory_space<vmem>>) target_semaphore(%run_scoped3A_251 : memref<!tpu.dma_semaphore, #tpu.memory_space<semaphore_mem>>)
        %dma_wait3A_260 = arith.constant 0 : i32
        %dma_wait3A_261 = tpu.memref_slice %arg5[%run_scoped3A_161, %dma_wait3A_260] : memref<2x200xi32, #tpu.memory_space<vmem>> -> memref<1x200xi32, #tpu.memory_space<vmem>>
        %dma_wait3A_262 = tpu.memref_squeeze %dma_wait3A_261 : memref<1x200xi32, #tpu.memory_space<vmem>> -> memref<200xi32, #tpu.memory_space<vmem>>
        %dma_wait3A_263 = tpu.memref_slice %arg2[%mul3A_160] : memref<204800xi32, #tpu.memory_space<hbm>> -> memref<200xi32, #tpu.memory_space<hbm>>
        %dma_wait3A_264 = arith.constant 0 : i32
        %dma_wait3A_265 = tpu.memref_slice %arg5[%run_scoped3A_161, %dma_wait3A_264] : memref<2x200xi32, #tpu.memory_space<vmem>> -> memref<1x200xi32, #tpu.memory_space<vmem>>
        %dma_wait3A_266 = tpu.memref_squeeze %dma_wait3A_265 : memref<1x200xi32, #tpu.memory_space<vmem>> -> memref<200xi32, #tpu.memory_space<vmem>>
        %dma_wait3A_267 = tpu.memref_slice %arg2[%mul3A_160] : memref<204800xi32, #tpu.memory_space<hbm>> -> memref<200xi32, #tpu.memory_space<hbm>>
        tpu.wait_dma2 semaphore(%run_scoped3A_251 : memref<!tpu.dma_semaphore, #tpu.memory_space<semaphore_mem>>) src(%dma_wait3A_267 : memref<200xi32, #tpu.memory_space<hbm>>) dst(%dma_wait3A_266 : memref<200xi32, #tpu.memory_space<vmem>>)
        tpu.yield
      }) : () -> ()
      %dma_start3A_162 = arith.constant 0 : i32
      %dma_start3A_163 = arith.constant 0 : i32
      %dma_start3A_164 = arith.constant 0 : i32
      %dma_start3A_165 = arith.constant 0 : i32
      %dma_start3A_166 = tpu.memref_slice %arg6[%dma_start3A_163, %dma_start3A_164, %dma_start3A_165] : memref<2x200x64xf32, #tpu.memory_space<vmem>> -> memref<1x128x64xf32, #tpu.memory_space<vmem>>
      %dma_start3A_167 = tpu.memref_squeeze %dma_start3A_166 : memref<1x128x64xf32, #tpu.memory_space<vmem>> -> memref<128x64xf32, #tpu.memory_space<vmem>>
      %dma_start3A_168 = arith.constant 0 : i32
      %dma_start3A_169 = tpu.memref_slice %arg5[%dma_start3A_162, %dma_start3A_168] : memref<2x200xi32, #tpu.memory_space<vmem>> -> memref<1x128xi32, #tpu.memory_space<vmem>>
      %dma_start3A_170 = tpu.memref_squeeze %dma_start3A_169 : memref<1x128xi32, #tpu.memory_space<vmem>> -> memref<128xi32, #tpu.memory_space<vmem>>
      %dma_start3A_171 = arith.constant 0 : i32
      %dma_start3A_172 = arith.constant 0 : i32
      %dma_start3A_173 = tpu.memref_slice %arg3[%dma_start3A_171, %dma_start3A_172] : memref<1000000x64xf32, #tpu.memory_space<hbm>> -> memref<1000000x64xf32, #tpu.memory_space<hbm>>
      tpu.enqueue_indirect_dma source(%dma_start3A_173 : memref<1000000x64xf32, #tpu.memory_space<hbm>>) target(%dma_start3A_167 : memref<128x64xf32, #tpu.memory_space<vmem>>) offsets(%dma_start3A_170 : memref<128xi32, #tpu.memory_space<vmem>>) semaphore(%arg8 : memref<!tpu.dma_semaphore, #tpu.memory_space<semaphore_mem>>)
      %dma_start3A_174 = arith.constant 0 : i32
      %dma_start3A_175 = arith.constant 0 : i32
      %dma_start3A_176 = arith.constant 128 : i32
      %dma_start3A_177 = arith.constant 0 : i32
      %dma_start3A_178 = tpu.memref_slice %arg6[%dma_start3A_175, %dma_start3A_176, %dma_start3A_177] : memref<2x200x64xf32, #tpu.memory_space<vmem>> -> memref<1x72x64xf32, #tpu.memory_space<vmem>>
      %dma_start3A_179 = tpu.memref_squeeze %dma_start3A_178 : memref<1x72x64xf32, #tpu.memory_space<vmem>> -> memref<72x64xf32, #tpu.memory_space<vmem>>
      %dma_start3A_180 = arith.constant 128 : i32
      %dma_start3A_181 = tpu.memref_slice %arg5[%dma_start3A_174, %dma_start3A_180] : memref<2x200xi32, #tpu.memory_space<vmem>> -> memref<1x72xi32, #tpu.memory_space<vmem>>
      %dma_start3A_182 = tpu.memref_squeeze %dma_start3A_181 : memref<1x72xi32, #tpu.memory_space<vmem>> -> memref<72xi32, #tpu.memory_space<vmem>>
      %dma_start3A_183 = arith.constant 0 : i32
      %dma_start3A_184 = arith.constant 0 : i32
      %dma_start3A_185 = tpu.memref_slice %arg3[%dma_start3A_183, %dma_start3A_184] : memref<1000000x64xf32, #tpu.memory_space<hbm>> -> memref<1000000x64xf32, #tpu.memory_space<hbm>>
      tpu.enqueue_indirect_dma source(%dma_start3A_185 : memref<1000000x64xf32, #tpu.memory_space<hbm>>) target(%dma_start3A_179 : memref<72x64xf32, #tpu.memory_space<vmem>>) offsets(%dma_start3A_182 : memref<72xi32, #tpu.memory_space<vmem>>) semaphore(%arg8 : memref<!tpu.dma_semaphore, #tpu.memory_space<semaphore_mem>>)
      %dma_wait3A_186 = arith.constant 1 : i32
      %dma_wait3A_187 = arith.constant 0 : i32
      %dma_wait3A_188 = arith.constant 0 : i32
      %dma_wait3A_189 = tpu.memref_slice %arg6[%dma_wait3A_186, %dma_wait3A_187, %dma_wait3A_188] : memref<2x200x64xf32, #tpu.memory_space<vmem>> -> memref<1x200x64xf32, #tpu.memory_space<vmem>>
      %dma_wait3A_190 = tpu.memref_squeeze %dma_wait3A_189 : memref<1x200x64xf32, #tpu.memory_space<vmem>> -> memref<200x64xf32, #tpu.memory_space<vmem>>
      %dma_wait3A_191 = arith.constant 0 : i32
      %dma_wait3A_192 = arith.constant 0 : i32
      %dma_wait3A_193 = tpu.memref_slice %arg3[%dma_wait3A_191, %dma_wait3A_192] : memref<1000000x64xf32, #tpu.memory_space<hbm>> -> memref<200x64xf32, #tpu.memory_space<hbm>>
      %dma_wait3A_194 = arith.constant 0 : i32
      %dma_wait3A_195 = arith.constant 0 : i32
      %dma_wait3A_196 = tpu.memref_slice %arg6[%dma_wait3A_186, %dma_wait3A_194, %dma_wait3A_195] : memref<2x200x64xf32, #tpu.memory_space<vmem>> -> memref<1x200x64xf32, #tpu.memory_space<vmem>>
      %dma_wait3A_197 = tpu.memref_squeeze %dma_wait3A_196 : memref<1x200x64xf32, #tpu.memory_space<vmem>> -> memref<200x64xf32, #tpu.memory_space<vmem>>
      %dma_wait3A_198 = arith.constant 0 : i32
      %dma_wait3A_199 = arith.constant 0 : i32
      %dma_wait3A_200 = tpu.memref_slice %arg3[%dma_wait3A_198, %dma_wait3A_199] : memref<1000000x64xf32, #tpu.memory_space<hbm>> -> memref<200x64xf32, #tpu.memory_space<hbm>>
      tpu.wait_dma2 semaphore(%arg9 : memref<!tpu.dma_semaphore, #tpu.memory_space<semaphore_mem>>) src(%dma_wait3A_200 : memref<200x64xf32, #tpu.memory_space<hbm>>) dst(%dma_wait3A_197 : memref<200x64xf32, #tpu.memory_space<vmem>>)
      %broadcast_in_dim3A_201 = arith.constant 0.000000e+00 : f32
      %broadcast_in_dim3A_202 = vector.broadcast %broadcast_in_dim3A_201 : f32 to vector<16xf32>
      %broadcast_in_dim3A_203 = arith.constant 0.000000e+00 : f32
      %broadcast_in_dim3A_204 = vector.broadcast %broadcast_in_dim3A_203 : f32 to vector<16xf32>
      %broadcast_in_dim3A_205 = arith.constant 0.000000e+00 : f32
      %broadcast_in_dim3A_206 = vector.broadcast %broadcast_in_dim3A_205 : f32 to vector<16xf32>
      %broadcast_in_dim3A_207 = arith.constant 0.000000e+00 : f32
      %broadcast_in_dim3A_208 = vector.broadcast %broadcast_in_dim3A_207 : f32 to vector<16xf32>
      %scan3A_209 = arith.constant 0 : i32
      %scan3A_210 = arith.constant 200 : i32
      %scan3A_211 = arith.addi %scan3A_209, %scan3A_210 : i32
      %scan3A_212 = arith.constant 1 : i32
      %scan3A_213:4 = scf.for %scan3A_251 = %scan3A_209 to %scan3A_211 step %scan3A_212 iter_args(%scan3A_252 = %broadcast_in_dim3A_202, %scan3A_253 = %broadcast_in_dim3A_204, %scan3A_254 = %broadcast_in_dim3A_206, %scan3A_255 = %broadcast_in_dim3A_208) -> (vector<16xf32>, vector<16xf32>, vector<16xf32>, vector<16xf32>)  : i32 {
        %get3A = arith.constant 1 : i32
        %get3A_256 = arith.index_cast %get3A : i32 to index
        %get3A_257 = arith.index_cast %scan3A_251 : i32 to index
        %get3A_258 = arith.constant 0 : index
        %get3A_259 = tpu.vector_load %arg6[%get3A_256, %get3A_257, %get3A_258] {strides = array<i32>} : memref<2x200x64xf32, #tpu.memory_space<vmem>>, vector<1x1x16xf32>,
        %get3A_260 = vector.shape_cast %get3A_259 : vector<1x1x16xf32> to vector<16xf32>
        %add3A_261 = arith.addf %scan3A_252, %get3A_260 : vector<16xf32>
        %get3A_262 = arith.constant 1 : i32
        %get3A_263 = arith.index_cast %get3A_262 : i32 to index
        %get3A_264 = arith.index_cast %scan3A_251 : i32 to index
        %get3A_265 = arith.constant 16 : index
        %get3A_266 = tpu.vector_load %arg6[%get3A_263, %get3A_264, %get3A_265] {strides = array<i32>} : memref<2x200x64xf32, #tpu.memory_space<vmem>>, vector<1x1x16xf32>,
        %get3A_267 = vector.shape_cast %get3A_266 : vector<1x1x16xf32> to vector<16xf32>
        %add3A_268 = arith.addf %scan3A_253, %get3A_267 : vector<16xf32>
        %get3A_269 = arith.constant 1 : i32
        %get3A_270 = arith.index_cast %get3A_269 : i32 to index
        %get3A_271 = arith.index_cast %scan3A_251 : i32 to index
        %get3A_272 = arith.constant 32 : index
        %get3A_273 = tpu.vector_load %arg6[%get3A_270, %get3A_271, %get3A_272] {strides = array<i32>} : memref<2x200x64xf32, #tpu.memory_space<vmem>>, vector<1x1x16xf32>,
        %get3A_274 = vector.shape_cast %get3A_273 : vector<1x1x16xf32> to vector<16xf32>
        %add3A_275 = arith.addf %scan3A_254, %get3A_274 : vector<16xf32>
        %get3A_276 = arith.constant 1 : i32
        %get3A_277 = arith.index_cast %get3A_276 : i32 to index
        %get3A_278 = arith.index_cast %scan3A_251 : i32 to index
        %get3A_279 = arith.constant 48 : index
        %get3A_280 = tpu.vector_load %arg6[%get3A_277, %get3A_278, %get3A_279] {strides = array<i32>} : memref<2x200x64xf32, #tpu.memory_space<vmem>>, vector<1x1x16xf32>,
        %get3A_281 = vector.shape_cast %get3A_280 : vector<1x1x16xf32> to vector<16xf32>
        %add3A_282 = arith.addf %scan3A_255, %get3A_281 : vector<16xf32>
        scf.yield %add3A_261, %add3A_268, %add3A_275, %add3A_282 : vector<16xf32>, vector<16xf32>, vector<16xf32>, vector<16xf32>
      }
      %scan3A_214 = arith.constant 200 : i32
      %mul3A_215 = arith.constant 5.000000e-03 : f32
      %mul3A_216 = vector.broadcast %mul3A_215 : f32 to vector<16xf32>
      %mul3A_217 = arith.mulf %scan3A_213#0, %mul3A_216 : vector<16xf32>
      %swap3A_218 = arith.constant 0 : i32
      %swap3A_219 = arith.index_cast %swap3A_218 : i32 to index
      %swap3A_220 = arith.constant 0 : index
      %swap3A_221 = tpu.vector_load %arg7[%swap3A_219, %swap3A_220] {strides = array<i32>} : memref<1x64xf32, #tpu.memory_space<vmem>>, vector<1x16xf32>,
      %swap3A_222 = vector.shape_cast %swap3A_221 : vector<1x16xf32> to vector<16xf32>
      %swap3A_223 = vector.shape_cast %mul3A_217 : vector<16xf32> to vector<1x16xf32>
      tpu.vector_store %arg7[%swap3A_219, %swap3A_220], %swap3A_223 {strides = array<i32>} : memref<1x64xf32, #tpu.memory_space<vmem>>, vector<1x16xf32>,
      %mul3A_224 = arith.constant 5.000000e-03 : f32
      %mul3A_225 = vector.broadcast %mul3A_224 : f32 to vector<16xf32>
      %mul3A_226 = arith.mulf %scan3A_213#1, %mul3A_225 : vector<16xf32>
      %swap3A_227 = arith.constant 0 : i32
      %swap3A_228 = arith.index_cast %swap3A_227 : i32 to index
      %swap3A_229 = arith.constant 16 : index
      %swap3A_230 = tpu.vector_load %arg7[%swap3A_228, %swap3A_229] {strides = array<i32>} : memref<1x64xf32, #tpu.memory_space<vmem>>, vector<1x16xf32>,
      %swap3A_231 = vector.shape_cast %swap3A_230 : vector<1x16xf32> to vector<16xf32>
      %swap3A_232 = vector.shape_cast %mul3A_226 : vector<16xf32> to vector<1x16xf32>
      tpu.vector_store %arg7[%swap3A_228, %swap3A_229], %swap3A_232 {strides = array<i32>} : memref<1x64xf32, #tpu.memory_space<vmem>>, vector<1x16xf32>,
      %mul3A_233 = arith.constant 5.000000e-03 : f32
      %mul3A_234 = vector.broadcast %mul3A_233 : f32 to vector<16xf32>
      %mul3A_235 = arith.mulf %scan3A_213#2, %mul3A_234 : vector<16xf32>
      %swap3A_236 = arith.constant 0 : i32
      %swap3A_237 = arith.index_cast %swap3A_236 : i32 to index
      %swap3A_238 = arith.constant 32 : index
      %swap3A_239 = tpu.vector_load %arg7[%swap3A_237, %swap3A_238] {strides = array<i32>} : memref<1x64xf32, #tpu.memory_space<vmem>>, vector<1x16xf32>,
      %swap3A_240 = vector.shape_cast %swap3A_239 : vector<1x16xf32> to vector<16xf32>
      %swap3A_241 = vector.shape_cast %mul3A_235 : vector<16xf32> to vector<1x16xf32>
      tpu.vector_store %arg7[%swap3A_237, %swap3A_238], %swap3A_241 {strides = array<i32>} : memref<1x64xf32, #tpu.memory_space<vmem>>, vector<1x16xf32>,
      %mul3A_242 = arith.constant 5.000000e-03 : f32
      %mul3A_243 = vector.broadcast %mul3A_242 : f32 to vector<16xf32>
      %mul3A_244 = arith.mulf %scan3A_213#3, %mul3A_243 : vector<16xf32>
      %swap3A_245 = arith.constant 0 : i32
      %swap3A_246 = arith.index_cast %swap3A_245 : i32 to index
      %swap3A_247 = arith.constant 48 : index
      %swap3A_248 = tpu.vector_load %arg7[%swap3A_246, %swap3A_247] {strides = array<i32>} : memref<1x64xf32, #tpu.memory_space<vmem>>, vector<1x16xf32>,
      %swap3A_249 = vector.shape_cast %swap3A_248 : vector<1x16xf32> to vector<16xf32>
      %swap3A_250 = vector.shape_cast %mul3A_244 : vector<16xf32> to vector<1x16xf32>
      tpu.vector_store %arg7[%swap3A_246, %swap3A_247], %swap3A_250 {strides = array<i32>} : memref<1x64xf32, #tpu.memory_space<vmem>>, vector<1x16xf32>,
      "tpu.region"() ({
        %run_scoped3A_251 = tpu.sem_alloc : memref<!tpu.dma_semaphore, #tpu.memory_space<semaphore_mem>>
        %dma_start3A_252 = arith.constant 0 : i32
        %dma_start3A_253 = tpu.memref_slice %arg4[%add3A_153, %dma_start3A_252] : memref<1024x64xf32, #tpu.memory_space<hbm>> -> memref<1x64xf32, #tpu.memory_space<hbm>>
        %dma_start3A_254 = arith.constant 0 : i32
        %dma_start3A_255 = tpu.memref_slice %arg4[%add3A_153, %dma_start3A_254] : memref<1024x64xf32, #tpu.memory_space<hbm>> -> memref<1x64xf32, #tpu.memory_space<hbm>>
        tpu.enqueue_dma source(%arg7 : memref<1x64xf32, #tpu.memory_space<vmem>>) target(%dma_start3A_255 : memref<1x64xf32, #tpu.memory_space<hbm>>) target_semaphore(%run_scoped3A_251 : memref<!tpu.dma_semaphore, #tpu.memory_space<semaphore_mem>>)
        %dma_wait3A_256 = arith.constant 0 : i32
        %dma_wait3A_257 = tpu.memref_slice %arg4[%add3A_153, %dma_wait3A_256] : memref<1024x64xf32, #tpu.memory_space<hbm>> -> memref<1x64xf32, #tpu.memory_space<hbm>>
        %dma_wait3A_258 = arith.constant 0 : i32
        %dma_wait3A_259 = tpu.memref_slice %arg4[%add3A_153, %dma_wait3A_258] : memref<1024x64xf32, #tpu.memory_space<hbm>> -> memref<1x64xf32, #tpu.memory_space<hbm>>
        tpu.wait_dma2 semaphore(%run_scoped3A_251 : memref<!tpu.dma_semaphore, #tpu.memory_space<semaphore_mem>>) src(%arg7 : memref<1x64xf32, #tpu.memory_space<vmem>>) dst(%dma_wait3A_259 : memref<1x64xf32, #tpu.memory_space<hbm>>)
        tpu.yield
      }) : () -> ()
    }
    %scan3A_34 = arith.constant 16 : i32
    %dma_wait3A = arith.constant 0 : i32
    %dma_wait3A_35 = arith.constant 0 : i32
    %dma_wait3A_36 = arith.constant 0 : i32
    %dma_wait3A_37 = tpu.memref_slice %arg6[%dma_wait3A, %dma_wait3A_35, %dma_wait3A_36] : memref<2x200x64xf32, #tpu.memory_space<vmem>> -> memref<1x200x64xf32, #tpu.memory_space<vmem>>
    %dma_wait3A_38 = tpu.memref_squeeze %dma_wait3A_37 : memref<1x200x64xf32, #tpu.memory_space<vmem>> -> memref<200x64xf32, #tpu.memory_space<vmem>>
    %dma_wait3A_39 = arith.constant 0 : i32
    %dma_wait3A_40 = arith.constant 0 : i32
    %dma_wait3A_41 = tpu.memref_slice %arg3[%dma_wait3A_39, %dma_wait3A_40] : memref<1000000x64xf32, #tpu.memory_space<hbm>> -> memref<200x64xf32, #tpu.memory_space<hbm>>
    %dma_wait3A_42 = arith.constant 0 : i32
    %dma_wait3A_43 = arith.constant 0 : i32
    %dma_wait3A_44 = tpu.memref_slice %arg6[%dma_wait3A, %dma_wait3A_42, %dma_wait3A_43] : memref<2x200x64xf32, #tpu.memory_space<vmem>> -> memref<1x200x64xf32, #tpu.memory_space<vmem>>
    %dma_wait3A_45 = tpu.memref_squeeze %dma_wait3A_44 : memref<1x200x64xf32, #tpu.memory_space<vmem>> -> memref<200x64xf32, #tpu.memory_space<vmem>>
    %dma_wait3A_46 = arith.constant 0 : i32
    %dma_wait3A_47 = arith.constant 0 : i32
    %dma_wait3A_48 = tpu.memref_slice %arg3[%dma_wait3A_46, %dma_wait3A_47] : memref<1000000x64xf32, #tpu.memory_space<hbm>> -> memref<200x64xf32, #tpu.memory_space<hbm>>
    tpu.wait_dma2 semaphore(%arg8 : memref<!tpu.dma_semaphore, #tpu.memory_space<semaphore_mem>>) src(%dma_wait3A_48 : memref<200x64xf32, #tpu.memory_space<hbm>>) dst(%dma_wait3A_45 : memref<200x64xf32, #tpu.memory_space<vmem>>)
    return
  }
}

module attributes {stable_mosaic.version = 14 : i64} {
  func.func @body(%arg0: i32, %arg1: memref<256x4096xf32, #tpu.memory_space<vmem>>, %arg2: memref<256x64xf32, #tpu.memory_space<vmem>>, %arg3: memref<4096x64xf32, #tpu.memory_space<vmem>>, %arg4: memref<1x64xf32, #tpu.memory_space<vmem>>, %arg5: memref<64x64xf32, #tpu.memory_space<vmem>>, %arg6: memref<64x64xf32, #tpu.memory_space<vmem>>, %arg7: memref<1x64xf32, #tpu.memory_space<vmem>>, %arg8: memref<64x2xf32, #tpu.memory_space<vmem>>, %arg9: memref<1x2xf32, #tpu.memory_space<vmem>>, %arg10: memref<256x2xf32, #tpu.memory_space<vmem>>) attributes {dimension_semantics = [#tpu.dimension_semantics<arbitrary>], iteration_bounds = array<i64: 4>, scalar_prefetch = 0 : i64, scratch_operands = 0 : i64, tpu.core_type = #tpu.core_type<tc>, window_params = [{transform_indices = @transform_0, window_bounds = array<i64: 256, 4096>}, {transform_indices = @transform_1, window_bounds = array<i64: 256, 64>}, {pipeline_mode = #tpu.pipeline_mode<synchronous>, transform_indices = @transform_2, window_bounds = array<i64: 4096, 64>}, {pipeline_mode = #tpu.pipeline_mode<synchronous>, transform_indices = @transform_3, window_bounds = array<i64: 1, 64>}, {pipeline_mode = #tpu.pipeline_mode<synchronous>, transform_indices = @transform_4, window_bounds = array<i64: 64, 64>}, {pipeline_mode = #tpu.pipeline_mode<synchronous>, transform_indices = @transform_5, window_bounds = array<i64: 64, 64>}, {pipeline_mode = #tpu.pipeline_mode<synchronous>, transform_indices = @transform_6, window_bounds = array<i64: 1, 64>}, {pipeline_mode = #tpu.pipeline_mode<synchronous>, transform_indices = @transform_7, window_bounds = array<i64: 64, 2>}, {pipeline_mode = #tpu.pipeline_mode<synchronous>, transform_indices = @transform_8, window_bounds = array<i64: 1, 2>}, {transform_indices = @transform_9, window_bounds = array<i64: 256, 2>}]} {
    %get3A = arith.constant 0 : index
    %get3A_0 = arith.constant 0 : index
    %get3A_1 = vector.load %arg1[%get3A, %get3A_0] : memref<256x4096xf32, #tpu.memory_space<vmem>>, vector<256x4096xf32>
    %get3A_2 = arith.constant 0 : index
    %get3A_3 = arith.constant 0 : index
    %get3A_4 = vector.load %arg3[%get3A_2, %get3A_3] : memref<4096x64xf32, #tpu.memory_space<vmem>>, vector<4096x64xf32>
    %dot_general3A = arith.constant dense<0.000000e+00> : vector<256x64xf32>
    %dot_general3A_5 = tpu.matmul %get3A_1, %get3A_4, %dot_general3A {dimension_numbers = #tpu.dot_dimension_numbers<[1], [0], [0], [1], [0, 0, 1, 1], [], []>, transpose_lhs_hint = false} : vector<256x4096xf32>, vector<4096x64xf32>, vector<256x64xf32> -> vector<256x64xf32>
    %get3A_6 = arith.constant 0 : index
    %get3A_7 = arith.constant 0 : index
    %get3A_8 = vector.load %arg4[%get3A_6, %get3A_7] : memref<1x64xf32, #tpu.memory_space<vmem>>, vector<1x64xf32>
    %add3A = vector.broadcast %get3A_8 : vector<1x64xf32> to vector<256x64xf32>
    %add3A_9 = arith.addf %dot_general3A_5, %add3A : vector<256x64xf32>
    %max3A = arith.constant 0.000000e+00 : f32
    %max3A_10 = vector.broadcast %max3A : f32 to vector<256x64xf32>
    %max3A_11 = arith.maximumf %add3A_9, %max3A_10 : vector<256x64xf32>
    %get3A_12 = arith.constant 0 : index
    %get3A_13 = arith.constant 0 : index
    %get3A_14 = vector.load %arg2[%get3A_12, %get3A_13] : memref<256x64xf32, #tpu.memory_space<vmem>>, vector<256x64xf32>
    %get3A_15 = arith.constant 0 : index
    %get3A_16 = arith.constant 0 : index
    %get3A_17 = vector.load %arg5[%get3A_15, %get3A_16] : memref<64x64xf32, #tpu.memory_space<vmem>>, vector<64x64xf32>
    %dot_general3A_18 = arith.constant dense<0.000000e+00> : vector<256x64xf32>
    %dot_general3A_19 = tpu.matmul %get3A_14, %get3A_17, %dot_general3A_18 {dimension_numbers = #tpu.dot_dimension_numbers<[1], [0], [0], [1], [0, 0, 1, 1], [], []>, transpose_lhs_hint = false} : vector<256x64xf32>, vector<64x64xf32>, vector<256x64xf32> -> vector<256x64xf32>
    %get3A_20 = arith.constant 0 : index
    %get3A_21 = arith.constant 0 : index
    %get3A_22 = vector.load %arg6[%get3A_20, %get3A_21] : memref<64x64xf32, #tpu.memory_space<vmem>>, vector<64x64xf32>
    %dot_general3A_23 = arith.constant dense<0.000000e+00> : vector<256x64xf32>
    %dot_general3A_24 = tpu.matmul %max3A_11, %get3A_22, %dot_general3A_23 {dimension_numbers = #tpu.dot_dimension_numbers<[1], [0], [0], [1], [0, 0, 1, 1], [], []>, transpose_lhs_hint = false} : vector<256x64xf32>, vector<64x64xf32>, vector<256x64xf32> -> vector<256x64xf32>
    %add3A_25 = arith.addf %dot_general3A_19, %dot_general3A_24 : vector<256x64xf32>
    %get3A_26 = arith.constant 0 : index
    %get3A_27 = arith.constant 0 : index
    %get3A_28 = vector.load %arg7[%get3A_26, %get3A_27] : memref<1x64xf32, #tpu.memory_space<vmem>>, vector<1x64xf32>
    %add3A_29 = vector.broadcast %get3A_28 : vector<1x64xf32> to vector<256x64xf32>
    %add3A_30 = arith.addf %add3A_25, %add3A_29 : vector<256x64xf32>
    %max3A_31 = arith.constant 0.000000e+00 : f32
    %max3A_32 = vector.broadcast %max3A_31 : f32 to vector<256x64xf32>
    %max3A_33 = arith.maximumf %add3A_30, %max3A_32 : vector<256x64xf32>
    %get3A_34 = arith.constant 0 : index
    %get3A_35 = arith.constant 0 : index
    %get3A_36 = vector.load %arg8[%get3A_34, %get3A_35] : memref<64x2xf32, #tpu.memory_space<vmem>>, vector<64x2xf32>
    %dot_general3A_37 = arith.constant dense<0.000000e+00> : vector<256x2xf32>
    %dot_general3A_38 = tpu.matmul %max3A_33, %get3A_36, %dot_general3A_37 {dimension_numbers = #tpu.dot_dimension_numbers<[1], [0], [0], [1], [0, 0, 1, 1], [], []>, transpose_lhs_hint = false} : vector<256x64xf32>, vector<64x2xf32>, vector<256x2xf32> -> vector<256x2xf32>
    %get3A_39 = arith.constant 0 : index
    %get3A_40 = arith.constant 0 : index
    %get3A_41 = vector.load %arg9[%get3A_39, %get3A_40] : memref<1x2xf32, #tpu.memory_space<vmem>>, vector<1x2xf32>
    %add3A_42 = vector.broadcast %get3A_41 : vector<1x2xf32> to vector<256x2xf32>
    %add3A_43 = arith.addf %dot_general3A_38, %add3A_42 : vector<256x2xf32>
    %swap3A = arith.constant 0 : index
    %swap3A_44 = arith.constant 0 : index
    %swap3A_45 = vector.load %arg10[%swap3A, %swap3A_44] : memref<256x2xf32, #tpu.memory_space<vmem>>, vector<256x2xf32>
    tpu.vector_store %arg10[%swap3A, %swap3A_44], %add3A_43 {strides = array<i32>} : memref<256x2xf32, #tpu.memory_space<vmem>>, vector<256x2xf32>,
    return
  }
  func.func @transform_0(%arg0: i32) -> (i32, i32) {
    %c0_i32 = arith.constant 0 : i32
    %c0_i32_0 = arith.constant 0 : i32
    return %arg0, %c0_i32 : i32, i32
  }
  func.func @transform_1(%arg0: i32) -> (i32, i32) {
    %c0_i32 = arith.constant 0 : i32
    %c0_i32_0 = arith.constant 0 : i32
    return %arg0, %c0_i32 : i32, i32
  }
  func.func @transform_2(%arg0: i32) -> (i32, i32) {
    %c0_i32 = arith.constant 0 : i32
    %c0_i32_0 = arith.constant 0 : i32
    %c0_i32_1 = arith.constant 0 : i32
    return %c0_i32, %c0_i32_0 : i32, i32
  }
  func.func @transform_3(%arg0: i32) -> (i32, i32) {
    %c0_i32 = arith.constant 0 : i32
    %c0_i32_0 = arith.constant 0 : i32
    %c0_i32_1 = arith.constant 0 : i32
    return %c0_i32, %c0_i32_0 : i32, i32
  }
  func.func @transform_4(%arg0: i32) -> (i32, i32) {
    %c0_i32 = arith.constant 0 : i32
    %c0_i32_0 = arith.constant 0 : i32
    %c0_i32_1 = arith.constant 0 : i32
    return %c0_i32, %c0_i32_0 : i32, i32
  }
  func.func @transform_5(%arg0: i32) -> (i32, i32) {
    %c0_i32 = arith.constant 0 : i32
    %c0_i32_0 = arith.constant 0 : i32
    %c0_i32_1 = arith.constant 0 : i32
    return %c0_i32, %c0_i32_0 : i32, i32
  }
  func.func @transform_6(%arg0: i32) -> (i32, i32) {
    %c0_i32 = arith.constant 0 : i32
    %c0_i32_0 = arith.constant 0 : i32
    %c0_i32_1 = arith.constant 0 : i32
    return %c0_i32, %c0_i32_0 : i32, i32
  }
  func.func @transform_7(%arg0: i32) -> (i32, i32) {
    %c0_i32 = arith.constant 0 : i32
    %c0_i32_0 = arith.constant 0 : i32
    %c0_i32_1 = arith.constant 0 : i32
    return %c0_i32, %c0_i32_0 : i32, i32
  }
  func.func @transform_8(%arg0: i32) -> (i32, i32) {
    %c0_i32 = arith.constant 0 : i32
    %c0_i32_0 = arith.constant 0 : i32
    %c0_i32_1 = arith.constant 0 : i32
    return %c0_i32, %c0_i32_0 : i32, i32
  }
  func.func @transform_9(%arg0: i32) -> (i32, i32) {
    %c0_i32 = arith.constant 0 : i32
    %c0_i32_0 = arith.constant 0 : i32
    return %arg0, %c0_i32 : i32, i32
  }
}

</mosaic_0001>

<sc_bundles>
// kernel: kernel.5.cloned.1.call-start
scs
__scs_entry_jumppad:
0x0: {  	(pc) =	sbr.rel $0x88, $3  }
0x1: {  	(tag) =	ssettag $0x0;
	lr =	simm.s32 $0x1  }
0x2: {  	[smem:$0x3F97] =	sst lr;
	_ =	strace $0xD0000000  }
0x3: {  	_ = 	snop  }
0x4: {  	_ = 	snop  }
0x5: {  	_ = 	snop  }
0x6: {  	_ = 	snop  }
0x7: {  	_ = 	snop  }
__scs_overlays_trampoline_lowered:
0x8: {  	[smem:$0x3FA6] =	sst s0  }
0x9: {  	[smem:$0x3FA7] =	sst s1  }
0xa: {  	[smem:$0x3FA8] =	sst s2  }
0xb: {  	[smem:$0x3FA9] =	sst s3  }
0xc: {  	[smem:$0x3FAA] =	sst s4  }
0xd: {  	[smem:$0x3FAB] =	sst s5  }
0xe: {  	[smem:$0x3FAC] =	sst s6  }
0xf: {  	[smem:$0x3FAD] =	sst s7  }
0x10: {  	[smem:$0x3FAE] =	sst s8  }
0x11: {  	[smem:$0x3FAF] =	sst s9;
	s0 =	simm.s32 @!p0 $0x0  }
0x12: {  	s1 =	sld [smem:$0x3F95];
	s0 =	simm.s32 @p0 $0x1  }
0x13: {  	[smem:$0x3FB0] =	sst s0;
	s0 =	simm.s32 @!p1 $0x0  }
0x14: {  	s2 =	sld [smem:$0x3F94];
	s0 =	simm.s32 @p1 $0x1  }
0x15: {  	[smem:$0x3FB1] =	sst s0;
	s0 =	simm.s32 @!p2 $0x0  }
0x16: {  	s3 =	sld [smem:$0x3FDB];
	s0 =	simm.s32 @p2 $0x1  }
0x17: {  	s4 =	simm.s32 $0x1BF5;
	[smem:$0x3FB3] =	sst s0  }
0x18: {  	s0 =	sld [smem:$0x3F96];
	_ =	swait.ge [sflag:s4], $0x0  }
0x19: {  	s7 =	sld [smem:$0x3F97]  }
0x1a: {  	s8 =	sadd.s32 $0xFFFFE003, lr  }
0x1b: {  	s9 =	sadd.s32 $0xFFFFFEF7, lr;
	s5 =	simm.s32 $0xFFFFFFFF;
	p2 =	slt.u32 s8, $0xFFFFF086  }
0x1c: {  	p1 =	slt.u32 s9, $0xF7A;
	s5 =	simm.s32 @!p2 $0x0  }
0x1d: {  	s5 =	simm.s32 @p1 $0x1;
	p0 =	seq.s32 s7, s2  }
0x1e: {  	s7 =	smul.u32 @!p0 $0xF7A, s2;
	p2 =	seq.s32 @!p0 s5, $0x0  }
0x1f: {  	s9 =	smul.u32 $0xF7A, s1;
	s8 =	simm.s32 @!p0 $0x1BF5;
	p2 =	por !p2, p0  }
0x20: {  	[sflag:s8] =	ssyncset.s32 @!p0 $0xFFFFF086;
	s6 =	sadd.s32 @!p0 s3, s7;
	s7 =	simm.s32 @!p0 $0x108  }
0x21: {  	s3 =	sadd.s32 s3, s9;
	s6 =	sadd.s32 @!p0 $0x88, s6;
	s7 =	simm.s32 @p2 $0x1082  }
0x22: {  	[simem:s7], [sflag:s8] =	dma.local @!p0 [hbm:s6], $0xF7A  }
0x23: {  	s9 =	sor.u32 $0xD0000000, s2;
	s6 =	simm.s32 $0x108;
	_ =	swait.ge @!p0 [sflag:s8], $0x0  }
0x24: {  	s3 =	sadd.s32 $0x88, s3;
	s6 =	simm.s32 @!p1 $0x1082;
	[sflag:s4] =	ssyncset.s32 $0xFFFFF086  }
0x25: {  	[simem:s6], [sflag:s4] =	dma.local [hbm:s3], $0xF7A  }
0x26: {  	[smem:$0x3F97] =	sst s1;
	(tag) =	ssettag s2;
	_ =	strace s9  }
0x27: {  	s1 =	sld [smem:$0x3FA7]  }
0x28: {  	s2 =	sld [smem:$0x3FA8]  }
0x29: {  	s4 =	sld [smem:$0x3FAA]  }
0x2a: {  	p0 =	seq.s32 s5, $0x0;
	s5 =	sld [smem:$0x3FAB]  }
0x2b: {  	s6 =	sld [smem:$0x3FAC]  }
0x2c: {  	s7 =	sld [smem:$0x3FAD]  }
0x2d: {  	s3 =	simm.s32 $0x108;
	s8 =	sld [smem:$0x3FAE]  }
0x2e: {  	s3 =	simm.s32 @!p0 $0x1082;
	s9 =	sld [smem:$0x3FAF]  }
0x2f: {  	lr =	sadd.s32 s0, s3;
	s0 =	sld [smem:$0x3FA6]  }
0x30: {  	s3 =	sld [smem:$0x3FA9]  }
0x31: {  	[smem:$0x3FB2] =	sst s10  }
0x32: {  	s10 =	sld [smem:$0x3FB0];
	_ =	sdelay $0x3  }
0x33: {  	p0 =	seq.s32 s10, $0x1;
	s10 =	sld [smem:$0x3FB2];
	_ =	sdelay $0x3  }
0x34: {  	[smem:$0x3FB2] =	sst s10  }
0x35: {  	s10 =	sld [smem:$0x3FB1];
	_ =	sdelay $0x3  }
0x36: {  	p1 =	seq.s32 s10, $0x1;
	s10 =	sld [smem:$0x3FB2];
	_ =	sdelay $0x3  }
0x37: {  	[smem:$0x3FB2] =	sst s10  }
0x38: {  	s10 =	sld [smem:$0x3FB3]  }
0x39: {  	_ = 	snop;
	(pc) =	sbr.ind lr, $3  }
0x3a: {  	_ = 	snop  }
0x3b: {  	_ = 	snop  }
0x3c: {  	p2 =	seq.s32 s10, $0x1;
	s10 =	sld [smem:$0x3FB2]  }
0x3d: {  	_ =	shalt  }
0x3e: {  	_ =	shalt  }
0x3f: {  	_ =	shalt  }
0x40: {  	_ =	shalt  }
0x41: {  	_ =	shalt  }
0x42: {  	_ =	shalt  }
0x43: {  	_ =	shalt  }
0x44: {  	_ =	shalt  }
0x45: {  	_ =	shalt  }
0x46: {  	_ =	shalt  }
0x47: {  	_ =	shalt  }
0x48: {  	_ =	shalt  }
0x49: {  	_ =	shalt  }
0x4a: {  	_ =	shalt  }
0x4b: {  	_ =	shalt  }
0x4c: {  	_ =	shalt  }
0x4d: {  	_ =	shalt  }
0x4e: {  	_ =	shalt  }
0x4f: {  	_ =	shalt  }
0x50: {  	_ =	shalt  }
0x51: {  	_ =	shalt  }
0x52: {  	_ =	shalt  }
0x53: {  	_ =	shalt  }
0x54: {  	_ =	shalt  }
0x55: {  	_ =	shalt  }
0x56: {  	_ =	shalt  }
0x57: {  	_ =	shalt  }
0x58: {  	_ =	shalt  }
0x59: {  	_ =	shalt  }
0x5a: {  	_ =	shalt  }
0x5b: {  	_ =	shalt  }
0x5c: {  	_ =	shalt  }
0x5d: {  	_ =	shalt  }
0x5e: {  	_ =	shalt  }
0x5f: {  	_ =	shalt  }
0x60: {  	_ =	shalt  }
0x61: {  	_ =	shalt  }
0x62: {  	_ =	shalt  }
0x63: {  	_ =	shalt  }
0x64: {  	_ =	shalt  }
0x65: {  	_ =	shalt  }
0x66: {  	_ =	shalt  }
0x67: {  	_ =	shalt  }
0x68: {  	_ =	shalt  }
0x69: {  	_ =	shalt  }
0x6a: {  	_ =	shalt  }
0x6b: {  	_ =	shalt  }
0x6c: {  	_ =	shalt  }
0x6d: {  	_ =	shalt  }
0x6e: {  	_ =	shalt  }
0x6f: {  	_ =	shalt  }
0x70: {  	_ =	shalt  }
0x71: {  	_ =	shalt  }
0x72: {  	_ =	shalt  }
0x73: {  	_ =	shalt  }
0x74: {  	_ =	shalt  }
0x75: {  	_ =	shalt  }
0x76: {  	_ =	shalt  }
0x77: {  	_ =	shalt  }
0x78: {  	_ =	shalt  }
0x79: {  	_ =	shalt  }
0x7a: {  	_ =	shalt  }
0x7b: {  	_ =	shalt  }
0x7c: {  	_ =	shalt  }
0x7d: {  	_ =	shalt  }
0x7e: {  	_ =	shalt  }
0x7f: {  	_ =	shalt  }
0x80: {  	_ =	shalt  }
0x81: {  	_ =	shalt  }
0x82: {  	_ =	shalt  }
0x83: {  	_ =	shalt  }
0x84: {  	_ =	shalt  }
0x85: {  	_ =	shalt  }
0x86: {  	_ =	shalt  }
0x87: {  	_ =	shalt  }
.Lfunc_end0:
.L_simem_size_0:
called_computation_lowered:
.L_overlay_start_0:
0x88: {  	s2 =	sld [smem:$0x3FD9]  }
0x89: {  	s3 =	sld [smem:$0x3FFE];
	_ =	sdelay $0x1  }
0x8a: {  	s1 =	srdreg.scid  }
0x8b: {  	s0 =	sand.u32 $0x1, s1  }
0x8c: {  	s17 =	sshll.u32 s0, $0xA;
	s2 =	sadd.s32 s3, s2  }
0x8d: {  	s2 =	sadd.s32 s2, s17  }
0x8e: {  	[smem:$0x3FBE] =	sst s2  }
0x8f: {  	_ = 	snop  }
0x90: {  	(tm) =	ssettm $0x1  }
0x91: {  	s18 =	sld [smem:$0x3FFB];
	_ =	sdelay $0x3  }
0x92: {  	_ =	strace s18  }
0x93: {  	s2 =	sld [smem:$0x3FFC];
	_ =	sdelay $0x3  }
0x94: {  	_ =	strace s2  }
0x95: {  	s2 =	sld [smem:$0x3FFD];
	_ =	sdelay $0x3  }
0x96: {  	_ =	strace s2  }
0x97: {  	_ =	strace $0x8FFFFFFF  }
0x98: {  	s19 =	sld [smem:$0x3FDB];
	_ =	sdelay $0x1  }
0x99: {  	s20 =	simm.s32 $_scs_section_size  }
0x9a: {  	s4 =	simm.s32 $_size__tile_overlayer_lowered;
	s5 =	simm.s32 $_tile_overlayer_lowered  }
0x9b: {  	s6 =	simm.s32 $0x1BFF;
	s21 =	sshll.u32 s5, $0x1;
	s3 =	sadd.s32 s20, s19  }
0x9c: {  	s22 =	simm.s32 $0x0;
	s4 =	sshll.u32 s4, $0x1;
	s5 =	sadd.s32 s21, s3  }
0x9d: {  	[timem:s22], [sflag:s6] =	dma.local [hbm:s5], s4  }
0x9e: {  	_ =	swait.ge [sflag:s6], s4  }
0x9f: {  	s4 =	ssub.s32 $0x0, s4;
	[sflag:s6] =	ssyncset.done $0x0  }
0xa0: {  	[sflag:s6] =	ssyncadd.s32 s4;
	_ =	sdelay $0x1  }
0xa1: {  	s23 =	simm.s32 $0x1B8B  }
0xa2: {  	_ =	swait.ge [sflag:s23], $0x1  }
0xa3: {  	[sflag:s23] =	ssyncset.done $0x0  }
0xa4: {  	[sflag:s23] =	ssyncadd.s32 $0xFFFFFFFF  }
0xa5: {  	s4 =	sld [smem:$0x0]  }
0xa6: {  	s5 =	sand.u32 $0xFFFFFFFE, s1  }
0xa7: {  	p0 =	sne.s32 s1, s5  }
0xa8: {  	s5 =	sshll.u32 @p0 s5, $0xE  }
0xa9: {  	s5 =	sadd.s32 @p0 $0x11B8D, s5;
	s6 =	sshll.u32 @p0 s4, $0x11  }
0xaa: {  	s5 =	sor.u32 @p0 s6, s5  }
0xab: {  	[sflag:s5] =	ssyncadd.remote.s32 @p0 $0x1;
	_ =	sdelay $0x1  }
0xac: {  	s5 =	simm.s32 @p0 $0x1B8D  }
0xad: {  	_ =	swait.eq @p0 [sflag:s5], $0x1  }
0xae: {  	[sflag:s5] =	ssyncadd.s32 @p0 $0xFFFFFFFF  }
0xaf: {  	s6 =	sshll.u32 @!p0 s1, $0xE  }
0xb0: {  	s6 =	sor.u32 @!p0 $0x4000, s6;
	s5 =	simm.s32 @!p0 $0x1B8D  }
0xb1: {  	s4 =	sshll.u32 @!p0 s4, $0x11;
	s6 =	sadd.s32 @!p0 $0x11B8D, s6;
	_ =	swait.eq @!p0 [sflag:s5], $0x1  }
0xb2: {  	s4 =	sor.u32 @!p0 s4, s6;
	[sflag:s5] =	ssyncadd.s32 @!p0 $0xFFFFFFFF  }
0xb3: {  	s25 =	simm.s32 $0x1B8E;
	s24 =	sld [smem:$0x3FFE];
	[sflag:s4] =	ssyncadd.remote.s32 @!p0 $0x1  }
0xb4: {  	s26 =	simm.s32 $execute0_lowered;
	[smem:$0x3FD2] =	sst s25  }
0xb5: {  	s5 =	sshll.u32 s26, $0x1;
	_ =	strace $0x80000049;
	[dreg:$0x1] =	wrdreg $0xFFFFFFFF  }
0xb6: {  	s28 =	simm.s32 $_size_execute0_lowered;
	s3 =	sadd.s32 s3, s5;
	[dreg:$0x0] =	wrdreg $0x0  }
0xb7: {  	s5 =	sshll.u32 s28, $0x1;
	[dreg:$0x2] =	wrdreg s3  }
0xb8: {  	[dreg:$0x3] =	wrdreg s5  }
0xb9: {  	[dreg:$0x4] =	wrdreg $0xC0  }
0xba: {  	_ =	task [dreg:s22], $0x5FFFF  }
0xbb: {  	[dreg:$0x1] =	wrdreg $0xFFFFFFFF  }
0xbc: {  	[dreg:$0x0] =	wrdreg $0x60  }
0xbd: {  	[dreg:$0x2] =	wrdreg s24  }
0xbe: {  	[dreg:$0x3] =	wrdreg $0x9  }
0xbf: {  	_ =	task.clear_ibuf [dreg:s22], $0x4FFFF;
	_ =	strace $0x90000049  }
0xc0: {  	s29 =	simm.s32 $0x9;
	_ =	strace $0x8000004B  }
0xc1: {  	_ =	swait.ge [sflag:s29], $0x1  }
0xc2: {  	[sflag:s29] =	ssyncadd.s32 $0xFFFFFFFF  }
0xc3: {  	_ =	strace $0x9000004B  }
0xc4: {  	_ =	sfence  }
0xc5: {  	s30 =	sld [smem:$0x0];
	_ =	sdelay $0x2  }
0xc6: {  	s31 =	sshll.u32 s1, $0xD;
	s1 =	sshrl.u32 s1, $0x2  }
0xc7: {  	s4 =	sand.u32 $0x4000, s31;
	s1 =	sadd.s32 s1, s30  }
0xc8: {  	s0 =	sor.u32 s4, s0;
	s1 =	sshll.u32 s1, $0x11  }
0xc9: {  	s0 =	sor.u32 s1, s0  }
0xca: {  	s0 =	sadd.s32 $0x8F2B, s0  }
0xcb: {  	[sflag:s0] =	ssyncadd.remote.s32 $0x1  }
0xcc: {  	_ =	sfence.sel $0xFFFF  }
0xcd: {  	[dreg:$0x0] =	wrdreg $0xFFFFFFFF;
	(pc) =	sbr.abs _section_cstart, $3  }
0xce: {  	[dreg:$0x1] =	wrdreg $0xFFFFFFFF  }
0xcf: {  	_ =	task.clear_ibuf [dreg:s22], $0x2FFFF;
	_ =	strace $0x9FFFFFFF  }
0xd0: {  	(tm) =	ssettm $0x7FFFFFFF  }
0xd1: {  	_ =	shalt  }
tec
execute0_lowered:
.L_overlay_start_1:
0x0: {  	(tag) =	ssettag $0x1  }
0x1: {  	s5 =	rddreg [dreg:$0x0]  }
0x2: {  	s0 =	rddreg [dreg:$0x1]  }
0x3: {  	s2 =	simm.s32 $0x0;
	s3 =	srdreg.scid;
	s1 =	stileid.u32  }
0x4: {  	s11 =	simm.s32 $0x3;
	s12 =	simm.s32 $0x80;
	s13 =	simm.s32 $0x190  }
0x5: {  	s14 =	simm.s32 $0x48;
	s15 =	simm.s32 $0x2190;
	s16 =	simm.s32 $0xC8  }
0x6: {  	s17 =	simm.s32 $0x3390;
	s18 =	simm.s32 $0x148;
	s19 =	simm.s32 $0x5390  }
0x7: {  	s20 =	simm.s32 $0x1;
	s21 =	simm.s32 $0x6590;
	s22 =	simm.s32 $0x2  }
0x8: {  	s23 =	simm.s32 $0x0;
	[smem:$0x7FF] =	sst s2;
	s6 =	sand.u32 $0x1, s3  }
0x9: {  	s4 =	sshll.u32 s1, $0x1;
	s3 =	sadd.s32 $0x81A00, s5;
	_ =	strace $0x8000004A  }
0xa: {  	s7 =	sor.u32 s6, s4;
	s4 =	sadd.s32 $0x129A00, s5;
	s8 =	ssub.s32 $0x2, s6  }
0xb: {  	s9 =	smul.u32 $0x320, s7;
	s10 =	sshrl.u32 s8, $0x1;
	s6 =	sshll.u32 s7, $0x5  }
0xc: {  	s5 =	sadd.s32 $0x87E00, s5;
	s10 =	ssub.s32 s8, s10;
	s8 =	sor.u32 $0x2, s6  }
0xd: {  	s7 =	sadd.s32 s3, s9;
	s9 =	smax.u32 s10, $0x1;
	s10 =	sor.u32 $0x1, s6  }
.LBB2_1:
0xe: {  	[tilespmem:s2], [sflag:$0x3] =	stream.linear.gather [hbm4b:s7+s2], $0xC8, $0x38;
	[tilespmem:$0x65D0] =	vst v63  }
0xf: {  	_ =	swait.ge [sflag:s11], $0xC8  }
0x10: {  	[sflag:s11] =	ssyncset.done $0x0  }
0x11: {  	[sflag:s11] =	ssyncadd.s32 $0xFFFFFF38  }
0x12: {  	[tilespmem:s13], [sflag:$0x1] =	stream.indirect.gather [hbm4b:s4+s12], $0x40, s2, s12, $0xb8;
	[tilespmem:$0x65D0] =	vst v63  }
0x13: {  	s24 =	simm.s32 $0x0  }
0x14: {  	[tilespmem:s15], [sflag:$0x1] =	stream.indirect.gather [hbm4b:s4+s14], $0x40, s12, s14, $0xb8;
	[tilespmem:$0x65D0] =	vst v63  }
.LBB2_2:
0x15: {  	s26 =	sshll.u32 s24, $0x1  }
0x16: {  	s25 =	sor.u32 s10, s26  }
0x17: {  	s28 =	smul.u32 $0x19, s25;
	_ =	sdelay $0x1  }
0x18: {  	s29 =	simm.s32 $0x0;
	s28 =	sadd.s32 s3, s28  }
0x19: {  	[tilespmem:s16], [sflag:$0x3] =	stream.linear.gather [hbm4b:s28+s29], $0xC8, $0x38;
	[tilespmem:$0x65D0] =	vst v63  }
0x1a: {  	_ =	swait.ge [sflag:s11], $0xC8  }
0x1b: {  	[sflag:s11] =	ssyncset.done $0x0  }
0x1c: {  	[sflag:s11] =	ssyncadd.s32 $0xFFFFFF38  }
0x1d: {  	[tilespmem:s17], [sflag:$0x2] =	stream.indirect.gather [hbm4b:s4+s12], $0x40, s16, s12, $0xb8;
	[tilespmem:$0x65D0] =	vst v63  }
0x1e: {  	_ = 	snop  }
0x1f: {  	[tilespmem:s19], [sflag:$0x2] =	stream.indirect.gather [hbm4b:s4+s14], $0x40, s18, s14, $0xb8;
	[tilespmem:$0x65D0] =	vst v63  }
0x20: {  	_ =	swait.ge [sflag:s20], $0x3200  }
0x21: {  	[sflag:s20] =	ssyncset.done $0x0  }
0x22: {  	s31 =	simm.s32 $0x0;
	[sflag:s20] =	ssyncadd.s32 $0xFFFFCE00  }
0x23: {  	v1 =	vld [tilespmem:s31+$0x1C0]  }
0x24: {  	v2 =	vld [tilespmem:s31+$0x190]  }
0x25: {  	v0 =	vimm.f32 $0.0e+00;
	v3 =	vld [tilespmem:s31+$0x1A0]  }
0x26: {  	v5 =	vimm.f32 $0.0e+00;
	v6 =	vimm.f32 $0.0e+00;
	v7 =	vimm.f32 $0.0e+00;
	s28 =	simm.s32 $0x100;
	v4 =	vld [tilespmem:s31+$0x1B0]  }
.LBB2_3:
0x27: {  	p0 =	sne.s32 s28, $0xC700  }
.Ltmp0:
0x28: {  	s29 =	sshra.s32 s28, $0x2;
	s28 =	sadd.s32 $0x100, s28;
	v0 =	vadd.f32 v1, v0;
	(pc) =	sbr.rel @p0 .LBB2_3-.Ltmp0, $4  }
0x29: {  	v1 =	vld [tilespmem:s29+$0x1C0];
	v5 =	vadd.f32 v2, v5  }
0x2a: {  	v2 =	vld [tilespmem:s29+$0x190];
	v6 =	vadd.f32 v3, v6  }
0x2b: {  	v3 =	vld [tilespmem:s29+$0x1A0];
	v7 =	vadd.f32 v4, v7  }
0x2c: {  	v4 =	vld [tilespmem:s29+$0x1B0]  }
0x2d: {  	_ = 	snop  }
0x2e: {  	v0 =	vadd.f32 v1, v0  }
0x2f: {  	v2 =	vadd.f32 v2, v5  }
0x30: {  	v3 =	vadd.f32 v3, v6;
	v0 =	vmul.f32 $4.999999890e-03, v0  }
0x31: {  	v4 =	vadd.f32 v4, v7;
	v2 =	vmul.f32 $4.999999890e-03, v2  }
0x32: {  	v1 =	vmul.f32 $4.999999890e-03, v3;
	[tilespmem:$0x65C0] =	vst v0  }
0x33: {  	s28 =	sadd.s32 s6, s26;
	[tilespmem:$0x6590] =	vst v2;
	v2 =	vmul.f32 $4.999999890e-03, v4  }
0x34: {  	s30 =	smin.u32 s26, $0x1D;
	s28 =	sshll.u32 s28, $0x3;
	[tilespmem:$0x65A0] =	vst v1  }
0x35: {  	s29 =	simm.s32 $0x0;
	s26 =	sadd.s32 s30, s8;
	s28 =	sadd.s32 s5, s28;
	[tilespmem:$0x65B0] =	vst v2  }
0x36: {  	[hbm4b:s28+s29] =	stream.linear.scatter [tilespmem:s21], [sflag:$0x3], $0x40, $0x38;
	[tilespmem:$0x65D0] =	vst v63  }
0x37: {  	s26 =	smul.u32 $0x19, s26;
	_ =	swait.ge [sflag:s11], $0x40  }
0x38: {  	[sflag:s11] =	ssyncset.done $0x0  }
0x39: {  	s26 =	sadd.s32 s3, s26;
	[sflag:s11] =	ssyncadd.s32 $0xFFFFFFC0  }
0x3a: {  	[tilespmem:s29], [sflag:$0x3] =	stream.linear.gather [hbm4b:s26+s29], $0xC8, $0x38;
	[tilespmem:$0x65D0] =	vst v63  }
0x3b: {  	_ =	swait.ge [sflag:s11], $0xC8  }
0x3c: {  	[sflag:s11] =	ssyncset.done $0x0  }
0x3d: {  	[sflag:s11] =	ssyncadd.s32 $0xFFFFFF38  }
0x3e: {  	[tilespmem:s13], [sflag:$0x1] =	stream.indirect.gather [hbm4b:s4+s12], $0x40, s29, s12, $0xb8;
	[tilespmem:$0x65D0] =	vst v63  }
0x3f: {  	_ = 	snop  }
0x40: {  	[tilespmem:s15], [sflag:$0x1] =	stream.indirect.gather [hbm4b:s4+s14], $0x40, s12, s14, $0xb8;
	[tilespmem:$0x65D0] =	vst v63  }
0x41: {  	_ =	swait.ge [sflag:s22], $0x3200  }
0x42: {  	[sflag:s22] =	ssyncset.done $0x0  }
0x43: {  	s31 =	simm.s32 $0x0;
	[sflag:s22] =	ssyncadd.s32 $0xFFFFCE00  }
0x44: {  	v1 =	vld [tilespmem:s31+$0x33C0]  }
0x45: {  	v2 =	vld [tilespmem:s31+$0x3390]  }
0x46: {  	v5 =	vimm.f32 $0.0e+00;
	v3 =	vld [tilespmem:s31+$0x33A0]  }
0x47: {  	v6 =	vimm.f32 $0.0e+00;
	v7 =	vimm.f32 $0.0e+00;
	v0 =	vimm.f32 $0.0e+00;
	s26 =	simm.s32 $0x100;
	v4 =	vld [tilespmem:s31+$0x33B0]  }
.LBB2_5:
0x48: {  	p0 =	sne.s32 s26, $0xC700  }
.Ltmp1:
0x49: {  	s28 =	sshra.s32 s26, $0x2;
	s26 =	sadd.s32 $0x100, s26;
	v0 =	vadd.f32 v1, v0;
	(pc) =	sbr.rel @p0 .LBB2_5-.Ltmp1, $4  }
0x4a: {  	v1 =	vld [tilespmem:s28+$0x33C0];
	v5 =	vadd.f32 v2, v5  }
0x4b: {  	v2 =	vld [tilespmem:s28+$0x3390];
	v6 =	vadd.f32 v3, v6  }
0x4c: {  	v3 =	vld [tilespmem:s28+$0x33A0];
	v7 =	vadd.f32 v4, v7  }
0x4d: {  	v4 =	vld [tilespmem:s28+$0x33B0]  }
0x4e: {  	_ = 	snop  }
0x4f: {  	v0 =	vadd.f32 v1, v0  }
0x50: {  	v2 =	vadd.f32 v2, v5  }
0x51: {  	v3 =	vadd.f32 v3, v6;
	v0 =	vmul.f32 $4.999999890e-03, v0  }
0x52: {  	v4 =	vadd.f32 v4, v7;
	v2 =	vmul.f32 $4.999999890e-03, v2  }
0x53: {  	v62 =	vmul.f32 $4.999999890e-03, v3;
	[tilespmem:$0x65C0] =	vst v0  }
0x54: {  	s25 =	sshll.u32 s25, $0x3;
	s24 =	sadd.s32 $0x1, s24;
	[tilespmem:$0x6590] =	vst v2;
	v63 =	vmul.f32 $4.999999890e-03, v4  }
0x55: {  	s25 =	sand.u32 $0x1FFFFFF8, s25;
	p0 =	sne.s32 s24, $0x10;
	[tilespmem:$0x65A0] =	vst v62  }
.Ltmp2:
0x56: {  	s25 =	sadd.s32 s5, s25;
	[tilespmem:$0x65B0] =	vst v63;
	(pc) =	sbr.rel @p0 .LBB2_2-.Ltmp2, $4  }
0x57: {  	[hbm4b:s25+s2] =	stream.linear.scatter [tilespmem:s21], [sflag:$0x3], $0x40, $0x38;
	[tilespmem:$0x65D0] =	vst v63  }
0x58: {  	_ =	swait.ge [sflag:s11], $0x40  }
0x59: {  	[sflag:s11] =	ssyncset.done $0x0  }
0x5a: {  	[sflag:s11] =	ssyncadd.s32 $0xFFFFFFC0  }
0x5b: {  	s23 =	sadd.s32 $0x1, s23  }
0x5c: {  	p0 =	sne.s32 s23, s9  }
.Ltmp3:
0x5d: {  	_ = 	snop;
	(pc) =	sbr.rel @p0 .LBB2_1-.Ltmp3, $4  }
0x5e: {  	_ = 	snop  }
0x5f: {  	_ =	swait.ge [sflag:s20], $0x3200  }
0x60: {  	[sflag:s20] =	ssyncset.done $0x0  }
0x61: {  	[sflag:s20] =	ssyncadd.s32 $0xFFFFCE00  }
0x62: {  	_ =	sfence.sel $0x180000  }
0x63: {  	[bflag:$0x0] =	sbarrier.arrive $0xFFFF  }
0x64: {  	p0 =	sne.s32 s1, $0x0;
	_ =	strace $0x9000004A  }
0x65: {  	s0 =	sadd.s32 @!p0 $0x100000, s0;
	[bflag:$0x2] =	sbarrier.arrive $0xFFFF  }
0x66: {  	[sflag:s0] =	ssyncadd.tile.s32 @!p0 $0x1;
	_ =	shalt  }
.Lfunc_end2:
_tile_overlayer_lowered:
.L_overlay_start_2:
0x67: {  	(tag) =	ssettag $0x2  }
0x68: {  	s0 =	rddreg [dreg:$0x0];
	s2 =	stileid.u32  }
0x69: {  	s1 =	rddreg [dreg:$0x1];
	p0 =	sne.s32 s2, $0x0  }
0x6a: {  	s3 =	rddreg [dreg:$0x2];
	[bflag:$0x3] =	sbarrier.arrive $0xFFFF;
	s2 =	simm.s32 @!p0 $0x1C03  }
0x6b: {  	[timem:s3], [sflag:s2] =	dma.local @!p0 [hbm:s0], s1  }
0x6c: {  	s0 =	simm.s32 @!p0 $0x3  }
0x6d: {  	_ =	swait.ge @!p0 [sflag:s0], s1  }
0x6e: {  	s1 =	ssub.s32 @!p0 $0x0, s1;
	[sflag:s0] =	ssyncset.done @!p0 $0x0  }
0x6f: {  	[sflag:s0] =	ssyncadd.s32 @!p0 s1  }
0x70: {  	[bflag:$0x3] =	sbarrier.arrive $0xFFFF  }
0x71: {  	_ =	shalt  }

// kernel: kernel.8.cloned.1.call-start
scs
__scs_entry_jumppad:
0x0: {  	(pc) =	sbr.rel $0x88, $3  }
0x1: {  	(tag) =	ssettag $0x0;
	lr =	simm.s32 $0x1  }
0x2: {  	[smem:$0x3F97] =	sst lr;
	_ =	strace $0xD0000000  }
0x3: {  	_ = 	snop  }
0x4: {  	_ = 	snop  }
0x5: {  	_ = 	snop  }
0x6: {  	_ = 	snop  }
0x7: {  	_ = 	snop  }
__scs_overlays_trampoline_lowered:
0x8: {  	[smem:$0x3FA6] =	sst s0  }
0x9: {  	[smem:$0x3FA7] =	sst s1  }
0xa: {  	[smem:$0x3FA8] =	sst s2  }
0xb: {  	[smem:$0x3FA9] =	sst s3  }
0xc: {  	[smem:$0x3FAA] =	sst s4  }
0xd: {  	[smem:$0x3FAB] =	sst s5  }
0xe: {  	[smem:$0x3FAC] =	sst s6  }
0xf: {  	[smem:$0x3FAD] =	sst s7  }
0x10: {  	[smem:$0x3FAE] =	sst s8  }
0x11: {  	[smem:$0x3FAF] =	sst s9;
	s0 =	simm.s32 @!p0 $0x0  }
0x12: {  	s1 =	sld [smem:$0x3F95];
	s0 =	simm.s32 @p0 $0x1  }
0x13: {  	[smem:$0x3FB0] =	sst s0;
	s0 =	simm.s32 @!p1 $0x0  }
0x14: {  	s2 =	sld [smem:$0x3F94];
	s0 =	simm.s32 @p1 $0x1  }
0x15: {  	[smem:$0x3FB1] =	sst s0;
	s0 =	simm.s32 @!p2 $0x0  }
0x16: {  	s3 =	sld [smem:$0x3FDB];
	s0 =	simm.s32 @p2 $0x1  }
0x17: {  	s4 =	simm.s32 $0x1BF5;
	[smem:$0x3FB3] =	sst s0  }
0x18: {  	s0 =	sld [smem:$0x3F96];
	_ =	swait.ge [sflag:s4], $0x0  }
0x19: {  	s7 =	sld [smem:$0x3F97]  }
0x1a: {  	s8 =	sadd.s32 $0xFFFFE003, lr  }
0x1b: {  	s9 =	sadd.s32 $0xFFFFFEF7, lr;
	s5 =	simm.s32 $0xFFFFFFFF;
	p2 =	slt.u32 s8, $0xFFFFF086  }
0x1c: {  	p1 =	slt.u32 s9, $0xF7A;
	s5 =	simm.s32 @!p2 $0x0  }
0x1d: {  	s5 =	simm.s32 @p1 $0x1;
	p0 =	seq.s32 s7, s2  }
0x1e: {  	s7 =	smul.u32 @!p0 $0xF7A, s2;
	p2 =	seq.s32 @!p0 s5, $0x0  }
0x1f: {  	s9 =	smul.u32 $0xF7A, s1;
	s8 =	simm.s32 @!p0 $0x1BF5;
	p2 =	por !p2, p0  }
0x20: {  	[sflag:s8] =	ssyncset.s32 @!p0 $0xFFFFF086;
	s6 =	sadd.s32 @!p0 s3, s7;
	s7 =	simm.s32 @!p0 $0x108  }
0x21: {  	s3 =	sadd.s32 s3, s9;
	s6 =	sadd.s32 @!p0 $0x88, s6;
	s7 =	simm.s32 @p2 $0x1082  }
0x22: {  	[simem:s7], [sflag:s8] =	dma.local @!p0 [hbm:s6], $0xF7A  }
0x23: {  	s9 =	sor.u32 $0xD0000000, s2;
	s6 =	simm.s32 $0x108;
	_ =	swait.ge @!p0 [sflag:s8], $0x0  }
0x24: {  	s3 =	sadd.s32 $0x88, s3;
	s6 =	simm.s32 @!p1 $0x1082;
	[sflag:s4] =	ssyncset.s32 $0xFFFFF086  }
0x25: {  	[simem:s6], [sflag:s4] =	dma.local [hbm:s3], $0xF7A  }
0x26: {  	[smem:$0x3F97] =	sst s1;
	(tag) =	ssettag s2;
	_ =	strace s9  }
0x27: {  	s1 =	sld [smem:$0x3FA7]  }
0x28: {  	s2 =	sld [smem:$0x3FA8]  }
0x29: {  	s4 =	sld [smem:$0x3FAA]  }
0x2a: {  	p0 =	seq.s32 s5, $0x0;
	s5 =	sld [smem:$0x3FAB]  }
0x2b: {  	s6 =	sld [smem:$0x3FAC]  }
0x2c: {  	s7 =	sld [smem:$0x3FAD]  }
0x2d: {  	s3 =	simm.s32 $0x108;
	s8 =	sld [smem:$0x3FAE]  }
0x2e: {  	s3 =	simm.s32 @!p0 $0x1082;
	s9 =	sld [smem:$0x3FAF]  }
0x2f: {  	lr =	sadd.s32 s0, s3;
	s0 =	sld [smem:$0x3FA6]  }
0x30: {  	s3 =	sld [smem:$0x3FA9]  }
0x31: {  	[smem:$0x3FB2] =	sst s10  }
0x32: {  	s10 =	sld [smem:$0x3FB0];
	_ =	sdelay $0x3  }
0x33: {  	p0 =	seq.s32 s10, $0x1;
	s10 =	sld [smem:$0x3FB2];
	_ =	sdelay $0x3  }
0x34: {  	[smem:$0x3FB2] =	sst s10  }
0x35: {  	s10 =	sld [smem:$0x3FB1];
	_ =	sdelay $0x3  }
0x36: {  	p1 =	seq.s32 s10, $0x1;
	s10 =	sld [smem:$0x3FB2];
	_ =	sdelay $0x3  }
0x37: {  	[smem:$0x3FB2] =	sst s10  }
0x38: {  	s10 =	sld [smem:$0x3FB3]  }
0x39: {  	_ = 	snop;
	(pc) =	sbr.ind lr, $3  }
0x3a: {  	_ = 	snop  }
0x3b: {  	_ = 	snop  }
0x3c: {  	p2 =	seq.s32 s10, $0x1;
	s10 =	sld [smem:$0x3FB2]  }
0x3d: {  	_ =	shalt  }
0x3e: {  	_ =	shalt  }
0x3f: {  	_ =	shalt  }
0x40: {  	_ =	shalt  }
0x41: {  	_ =	shalt  }
0x42: {  	_ =	shalt  }
0x43: {  	_ =	shalt  }
0x44: {  	_ =	shalt  }
0x45: {  	_ =	shalt  }
0x46: {  	_ =	shalt  }
0x47: {  	_ =	shalt  }
0x48: {  	_ =	shalt  }
0x49: {  	_ =	shalt  }
0x4a: {  	_ =	shalt  }
0x4b: {  	_ =	shalt  }
0x4c: {  	_ =	shalt  }
0x4d: {  	_ =	shalt  }
0x4e: {  	_ =	shalt  }
0x4f: {  	_ =	shalt  }
0x50: {  	_ =	shalt  }
0x51: {  	_ =	shalt  }
0x52: {  	_ =	shalt  }
0x53: {  	_ =	shalt  }
0x54: {  	_ =	shalt  }
0x55: {  	_ =	shalt  }
0x56: {  	_ =	shalt  }
0x57: {  	_ =	shalt  }
0x58: {  	_ =	shalt  }
0x59: {  	_ =	shalt  }
0x5a: {  	_ =	shalt  }
0x5b: {  	_ =	shalt  }
0x5c: {  	_ =	shalt  }
0x5d: {  	_ =	shalt  }
0x5e: {  	_ =	shalt  }
0x5f: {  	_ =	shalt  }
0x60: {  	_ =	shalt  }
0x61: {  	_ =	shalt  }
0x62: {  	_ =	shalt  }
0x63: {  	_ =	shalt  }
0x64: {  	_ =	shalt  }
0x65: {  	_ =	shalt  }
0x66: {  	_ =	shalt  }
0x67: {  	_ =	shalt  }
0x68: {  	_ =	shalt  }
0x69: {  	_ =	shalt  }
0x6a: {  	_ =	shalt  }
0x6b: {  	_ =	shalt  }
0x6c: {  	_ =	shalt  }
0x6d: {  	_ =	shalt  }
0x6e: {  	_ =	shalt  }
0x6f: {  	_ =	shalt  }
0x70: {  	_ =	shalt  }
0x71: {  	_ =	shalt  }
0x72: {  	_ =	shalt  }
0x73: {  	_ =	shalt  }
0x74: {  	_ =	shalt  }
0x75: {  	_ =	shalt  }
0x76: {  	_ =	shalt  }
0x77: {  	_ =	shalt  }
0x78: {  	_ =	shalt  }
0x79: {  	_ =	shalt  }
0x7a: {  	_ =	shalt  }
0x7b: {  	_ =	shalt  }
0x7c: {  	_ =	shalt  }
0x7d: {  	_ =	shalt  }
0x7e: {  	_ =	shalt  }
0x7f: {  	_ =	shalt  }
0x80: {  	_ =	shalt  }
0x81: {  	_ =	shalt  }
0x82: {  	_ =	shalt  }
0x83: {  	_ =	shalt  }
0x84: {  	_ =	shalt  }
0x85: {  	_ =	shalt  }
0x86: {  	_ =	shalt  }
0x87: {  	_ =	shalt  }
.Lfunc_end0:
.L_simem_size_0:
called_computation.1_lowered:
.L_overlay_start_0:
0x88: {  	s2 =	sld [smem:$0x3FD9]  }
0x89: {  	s3 =	sld [smem:$0x3FFE];
	_ =	sdelay $0x1  }
0x8a: {  	s1 =	srdreg.scid  }
0x8b: {  	s0 =	sand.u32 $0x1, s1  }
0x8c: {  	s16 =	sshll.u32 s0, $0xA;
	s2 =	sadd.s32 s3, s2  }
0x8d: {  	s2 =	sadd.s32 s2, s16  }
0x8e: {  	[smem:$0x3FBE] =	sst s2  }
0x8f: {  	_ = 	snop  }
0x90: {  	(tm) =	ssettm $0x1  }
0x91: {  	s17 =	sld [smem:$0x3FFB];
	_ =	sdelay $0x3  }
0x92: {  	_ =	strace s17  }
0x93: {  	s2 =	sld [smem:$0x3FFC];
	_ =	sdelay $0x3  }
0x94: {  	_ =	strace s2  }
0x95: {  	s2 =	sld [smem:$0x3FFD];
	_ =	sdelay $0x3  }
0x96: {  	_ =	strace s2  }
0x97: {  	_ =	strace $0x8FFFFFFF  }
0x98: {  	s18 =	sld [smem:$0x3FDB];
	_ =	sdelay $0x1  }
0x99: {  	s19 =	simm.s32 $_scs_section_size  }
0x9a: {  	s4 =	simm.s32 $_size__tile_overlayer_lowered;
	s5 =	simm.s32 $_tile_overlayer_lowered  }
0x9b: {  	s22 =	simm.s32 $0x1BFF;
	s21 =	sshll.u32 s5, $0x1;
	s2 =	sadd.s32 s19, s18  }
0x9c: {  	s6 =	simm.s32 $0x0;
	s20 =	sshll.u32 s4, $0x1;
	s4 =	sadd.s32 s21, s2  }
0x9d: {  	[timem:s6], [sflag:s22] =	dma.local [hbm:s4], s20  }
0x9e: {  	_ =	swait.ge [sflag:s22], s20  }
0x9f: {  	s3 =	ssub.s32 $0x0, s20;
	[sflag:s22] =	ssyncset.done $0x0  }
0xa0: {  	[sflag:s22] =	ssyncadd.s32 s3;
	_ =	sdelay $0x1  }
0xa1: {  	s23 =	simm.s32 $0x1B8B  }
0xa2: {  	_ =	swait.ge [sflag:s23], $0x1  }
0xa3: {  	[sflag:s23] =	ssyncset.done $0x0  }
0xa4: {  	s25 =	simm.s32 $0x1B8E;
	s24 =	sld [smem:$0x3FFE];
	[sflag:s23] =	ssyncadd.s32 $0xFFFFFFFF  }
0xa5: {  	s26 =	simm.s32 $execute0_lowered;
	[smem:$0x3FD2] =	sst s25  }
0xa6: {  	s4 =	sshll.u32 s26, $0x1;
	_ =	strace $0x80000046;
	[dreg:$0x1] =	wrdreg $0xFFFFFFFF  }
0xa7: {  	s28 =	simm.s32 $_size_execute0_lowered;
	s2 =	sadd.s32 s2, s4;
	[dreg:$0x0] =	wrdreg $0x0  }
0xa8: {  	s4 =	sshll.u32 s28, $0x1;
	[dreg:$0x2] =	wrdreg s2  }
0xa9: {  	[dreg:$0x3] =	wrdreg s4  }
0xaa: {  	[dreg:$0x4] =	wrdreg $0xC0  }
0xab: {  	_ =	task [dreg:s6], $0x5FFFF  }
0xac: {  	[dreg:$0x1] =	wrdreg $0xFFFFFFFF  }
0xad: {  	[dreg:$0x0] =	wrdreg $0x60  }
0xae: {  	[dreg:$0x2] =	wrdreg s24  }
0xaf: {  	[dreg:$0x3] =	wrdreg $0xA  }
0xb0: {  	_ =	task.clear_ibuf [dreg:s6], $0x4FFFF;
	_ =	strace $0x90000046  }
0xb1: {  	s29 =	simm.s32 $0xA;
	_ =	strace $0x80000048  }
0xb2: {  	_ =	swait.ge [sflag:s29], $0x1  }
0xb3: {  	[sflag:s29] =	ssyncadd.s32 $0xFFFFFFFF  }
0xb4: {  	_ =	strace $0x90000048  }
0xb5: {  	_ =	sfence  }
0xb6: {  	s30 =	sld [smem:$0x0];
	_ =	sdelay $0x2  }
0xb7: {  	s31 =	sshll.u32 s1, $0xD;
	s1 =	sshrl.u32 s1, $0x2  }
0xb8: {  	s3 =	sand.u32 $0x4000, s31;
	s1 =	sadd.s32 s1, s30  }
0xb9: {  	s0 =	sor.u32 s3, s0;
	s1 =	sshll.u32 s1, $0x11  }
0xba: {  	s0 =	sor.u32 s1, s0  }
0xbb: {  	s0 =	sadd.s32 $0x8F2B, s0  }
0xbc: {  	[sflag:s0] =	ssyncadd.remote.s32 $0x1  }
0xbd: {  	_ =	sfence.sel $0xFFFF  }
0xbe: {  	[dreg:$0x0] =	wrdreg $0xFFFFFFFF;
	(pc) =	sbr.abs _section_cstart, $3  }
0xbf: {  	[dreg:$0x1] =	wrdreg $0xFFFFFFFF  }
0xc0: {  	_ =	task.clear_ibuf [dreg:s6], $0x2FFFF;
	_ =	strace $0x9FFFFFFF  }
0xc1: {  	(tm) =	ssettm $0x7FFFFFFF  }
tec
execute0_lowered:
.L_overlay_start_1:
0x0: {  	(tag) =	ssettag $0x1  }
0x1: {  	s0 =	rddreg [dreg:$0x0];
	s1 =	srdreg.scid  }
0x2: {  	s3 =	stileid.u32;
	s2 =	simm.s32 $0x0;
	s10 =	simm.s32 $0x3  }
0x3: {  	s11 =	simm.s32 $0x80;
	s12 =	simm.s32 $0x500;
	s13 =	simm.s32 $0x2500  }
0x4: {  	s14 =	simm.s32 $0x100;
	s15 =	simm.s32 $0x4500;
	s16 =	simm.s32 $0x180  }
0x5: {  	s17 =	simm.s32 $0x6500;
	s18 =	simm.s32 $0x200;
	s19 =	simm.s32 $0x8500  }
0x6: {  	s20 =	simm.s32 $0x280;
	s21 =	simm.s32 $0x4;
	s28 =	simm.s32 $0x400  }
0x7: {  	s29 =	simm.s32 $0x10500;
	s30 =	simm.s32 $0x480;
	s31 =	simm.s32 $0x12500  }
0x8: {  	s9 =	simm.s32 $0x5;
	s1 =	sand.u32 $0x1, s1;
	s3 =	sshll.u32 s3, $0x1  }
0x9: {  	s22 =	simm.s32 $0x0;
	[smem:$0x7FF] =	sst s2;
	s6 =	sor.u32 s1, s3  }
0xa: {  	s4 =	sadd.s32 $0xF43E00, s0;
	s1 =	ssub.s32 $0x2, s1;
	s7 =	smul.u32 $0x1400, s6  }
0xb: {  	s5 =	sadd.s32 $0x1A00, s0;
	s3 =	sadd.s32 $0x101A00, s0;
	s25 =	sshrl.u32 s1, $0x1  }
0xc: {  	_ =	strace $0x80000047;
	s0 =	ssub.s32 s1, s25;
	s8 =	sadd.s32 s3, s7  }
0xd: {  	s1 =	simm.s32 $0x2;
	s0 =	smax.u32 s0, $0x1;
	[dreg:$0x2] =	wrdreg s8  }
0xe: {  	s7 =	sshll.u32 s6, $0x5;
	s26 =	sadd.s32 $0x50, s8;
	[dreg:$0x4] =	wrdreg s0  }
0xf: {  	s0 =	simm.s32 $0x1;
	s8 =	simm.s32 $0x14500;
	[dreg:$0x3] =	wrdreg s26  }
.LBB2_1:
0x10: {  	[dreg:$0x5] =	wrdreg s22  }
0x11: {  	s6 =	rddreg [dreg:$0x2]  }
0x12: {  	[tilespmem:s2], [sflag:$0x3] =	stream.linear.gather [hbm4b:s6+s2], $0x280, $0x38;
	[tilespmem:$0x15500] =	vst v63  }
0x13: {  	_ =	swait.ge [sflag:s10], $0x280  }
0x14: {  	[sflag:s10] =	ssyncset.done $0x0  }
0x15: {  	[sflag:s10] =	ssyncadd.s32 $0xFFFFFD80  }
0x16: {  	[tilespmem:s12], [sflag:$0x1] =	stream.indirect.gather [hbm4b:s4+s11], $0x40, s2, s11, $0xb8;
	[tilespmem:$0x15500] =	vst v63  }
0x17: {  	_ = 	snop  }
0x18: {  	[tilespmem:s13], [sflag:$0x1] =	stream.indirect.gather [hbm4b:s4+s11], $0x40, s11, s11, $0xb8;
	[tilespmem:$0x15500] =	vst v63  }
0x19: {  	_ = 	snop  }
0x1a: {  	[tilespmem:s15], [sflag:$0x1] =	stream.indirect.gather [hbm4b:s4+s11], $0x40, s14, s11, $0xb8;
	[tilespmem:$0x15500] =	vst v63  }
0x1b: {  	_ = 	snop  }
0x1c: {  	[tilespmem:s17], [sflag:$0x1] =	stream.indirect.gather [hbm4b:s4+s11], $0x40, s16, s11, $0xb8;
	[tilespmem:$0x15500] =	vst v63  }
0x1d: {  	_ = 	snop  }
0x1e: {  	[tilespmem:s19], [sflag:$0x1] =	stream.indirect.gather [hbm4b:s4+s11], $0x40, s18, s11, $0xb8;
	[tilespmem:$0x15500] =	vst v63  }
0x1f: {  	s22 =	simm.s32 $0x0;
	s26 =	rddreg [dreg:$0x3]  }
0x20: {  	[tilespmem:s20], [sflag:$0x4] =	stream.linear.gather [hbm4b:s26+s2], $0x280, $0x38;
	[tilespmem:$0x15500] =	vst v63  }
.LBB2_2:
0x21: {  	_ =	swait.ge [sflag:s21], $0x280  }
0x22: {  	[sflag:s21] =	ssyncset.done $0x0  }
0x23: {  	s6 =	simm.s32 $0xA500;
	[sflag:s21] =	ssyncadd.s32 $0xFFFFFD80  }
0x24: {  	[tilespmem:s6], [sflag:$0x2] =	stream.indirect.gather [hbm4b:s4+s11], $0x40, s20, s11, $0xb8;
	[tilespmem:$0x15500] =	vst v63  }
0x25: {  	s24 =	simm.s32 $0x300;
	s23 =	simm.s32 $0xC500  }
0x26: {  	[tilespmem:s23], [sflag:$0x2] =	stream.indirect.gather [hbm4b:s4+s11], $0x40, s24, s11, $0xb8;
	[tilespmem:$0x15500] =	vst v63  }
0x27: {  	s25 =	simm.s32 $0x380;
	s26 =	simm.s32 $0xE500  }
0x28: {  	[tilespmem:s26], [sflag:$0x2] =	stream.indirect.gather [hbm4b:s4+s11], $0x40, s25, s11, $0xb8;
	[tilespmem:$0x15500] =	vst v63  }
0x29: {  	_ = 	snop  }
0x2a: {  	[tilespmem:s29], [sflag:$0x2] =	stream.indirect.gather [hbm4b:s4+s11], $0x40, s28, s11, $0xb8;
	[tilespmem:$0x15500] =	vst v63  }
0x2b: {  	_ = 	snop  }
0x2c: {  	[tilespmem:s31], [sflag:$0x2] =	stream.indirect.gather [hbm4b:s4+s11], $0x40, s30, s11, $0xb8;
	[tilespmem:$0x15500] =	vst v63  }
0x2d: {  	_ =	swait.ge [sflag:s0], $0xA000  }
0x2e: {  	[sflag:s0] =	ssyncset.done $0x0  }
0x2f: {  	s6 =	simm.s32 $0x0;
	s23 =	simm.s32 $0x780;
	[sflag:s0] =	ssyncadd.s32 $0xFFFF6000  }
.LBB2_3:
0x30: {  	v0 =	vld [tilespmem:s23+$0xFFFFFD80]  }
0x31: {  	v1 =	vld [tilespmem:s23+$0xFFFFFD90]  }
0x32: {  	v2 =	vld [tilespmem:s23+$0xFFFFFDA0]  }
0x33: {  	v3 =	vld [tilespmem:s23+$0xFFFFFDB0]  }
0x34: {  	v4 =	vld [tilespmem:s23+$0xFFFFFDC0]  }
0x35: {  	v5 =	vld [tilespmem:s23+$0xFFFFFDD0]  }
0x36: {  	v6 =	vld [tilespmem:s23+$0xFFFFFDE0]  }
0x37: {  	v7 =	vld [tilespmem:s23+$0xFFFFFDF0]  }
0x38: {  	v8 =	vld [tilespmem:s23+$0xFFFFFE00]  }
0x39: {  	v9 =	vld [tilespmem:s23+$0xFFFFFE10]  }
0x3a: {  	v10 =	vld [tilespmem:s23+$0xFFFFFE20]  }
0x3b: {  	v11 =	vld [tilespmem:s23+$0xFFFFFE30]  }
0x3c: {  	v12 =	vld [tilespmem:s23+$0xFFFFFE40]  }
0x3d: {  	v13 =	vld [tilespmem:s23+$0xFFFFFE50]  }
0x3e: {  	v14 =	vld [tilespmem:s23+$0xFFFFFE60]  }
0x3f: {  	v15 =	vld [tilespmem:s23+$0xFFFFFE70]  }
0x40: {  	v16 =	vld [tilespmem:s23+$0xFFFFFE80]  }
0x41: {  	v17 =	vld [tilespmem:s23+$0xFFFFFE90]  }
0x42: {  	v18 =	vld [tilespmem:s23+$0xFFFFFEA0]  }
0x43: {  	v19 =	vld [tilespmem:s23+$0xFFFFFEB0]  }
0x44: {  	v20 =	vld [tilespmem:s23+$0xFFFFFEC0]  }
0x45: {  	v21 =	vld [tilespmem:s23+$0xFFFFFED0]  }
0x46: {  	v22 =	vld [tilespmem:s23+$0xFFFFFEE0]  }
0x47: {  	v23 =	vld [tilespmem:s23+$0xFFFFFEF0]  }
0x48: {  	v24 =	vld [tilespmem:s23+$0xFFFFFF00]  }
0x49: {  	v25 =	vld [tilespmem:s23+$0xFFFFFF10]  }
0x4a: {  	v26 =	vld [tilespmem:s23+$0xFFFFFF20]  }
0x4b: {  	v27 =	vld [tilespmem:s23+$0xFFFFFF30]  }
0x4c: {  	v28 =	vld [tilespmem:s23+$0xFFFFFF40]  }
0x4d: {  	v29 =	vld [tilespmem:s23+$0xFFFFFF50]  }
0x4e: {  	v30 =	vld [tilespmem:s23+$0xFFFFFF60]  }
0x4f: {  	v31 =	vld [tilespmem:s23+$0xFFFFFF70]  }
0x50: {  	v32 =	vld [tilespmem:s23+$0xFFFFFF80]  }
0x51: {  	v33 =	vld [tilespmem:s23+$0xFFFFFF90]  }
0x52: {  	v34 =	vld [tilespmem:s23+$0xFFFFFFA0]  }
0x53: {  	v35 =	vld [tilespmem:s23+$0xFFFFFFB0]  }
0x54: {  	v36 =	vld [tilespmem:s23+$0xFFFFFFC0]  }
0x55: {  	v37 =	vld [tilespmem:s23+$0xFFFFFFD0]  }
0x56: {  	v38 =	vld [tilespmem:s23+$0xFFFFFFE0]  }
0x57: {  	v39 =	vld [tilespmem:s23+$0xFFFFFFF0]  }
0x58: {  	v40 =	vld [tilespmem:s23+$0x0]  }
0x59: {  	v41 =	vld [tilespmem:s23+$0x10]  }
0x5a: {  	v42 =	vld [tilespmem:s23+$0x20]  }
0x5b: {  	v43 =	vld [tilespmem:s23+$0x30];
	v0 =	vadd.f32 $0.0e+00, v0  }
0x5c: {  	v44 =	vld [tilespmem:s23+$0x40];
	v1 =	vadd.f32 $0.0e+00, v1  }
0x5d: {  	v52 =	vld [tilespmem:s23+$0x50];
	v2 =	vadd.f32 $0.0e+00, v2;
	v0 =	vadd.f32 v4, v0  }
0x5e: {  	v53 =	vld [tilespmem:s23+$0x60];
	v3 =	vadd.f32 $0.0e+00, v3;
	v1 =	vadd.f32 v5, v1  }
0x5f: {  	v54 =	vld [tilespmem:s23+$0x70];
	v2 =	vadd.f32 v6, v2;
	v0 =	vadd.f32 v8, v0  }
0x60: {  	v55 =	vld [tilespmem:s23+$0x80];
	v3 =	vadd.f32 v7, v3;
	v1 =	vadd.f32 v9, v1  }
0x61: {  	v56 =	vld [tilespmem:s23+$0x90];
	v2 =	vadd.f32 v10, v2;
	v0 =	vadd.f32 v12, v0  }
0x62: {  	v57 =	vld [tilespmem:s23+$0xA0];
	v3 =	vadd.f32 v11, v3;
	v1 =	vadd.f32 v13, v1  }
0x63: {  	v58 =	vld [tilespmem:s23+$0xB0];
	v2 =	vadd.f32 v14, v2;
	v0 =	vadd.f32 v16, v0  }
0x64: {  	v59 =	vld [tilespmem:s23+$0xC0];
	v3 =	vadd.f32 v15, v3;
	v1 =	vadd.f32 v17, v1  }
0x65: {  	v60 =	vld [tilespmem:s23+$0xD0];
	v2 =	vadd.f32 v18, v2;
	v0 =	vadd.f32 v20, v0  }
0x66: {  	v61 =	vld [tilespmem:s23+$0xE0];
	v3 =	vadd.f32 v19, v3;
	v1 =	vadd.f32 v21, v1  }
0x67: {  	v62 =	vld [tilespmem:s23+$0xF0];
	v2 =	vadd.f32 v22, v2;
	v0 =	vadd.f32 v24, v0  }
0x68: {  	v63 =	vld [tilespmem:s23+$0x100];
	v3 =	vadd.f32 v23, v3;
	v1 =	vadd.f32 v25, v1  }
0x69: {  	v45 =	vld [tilespmem:s23+$0x170];
	v2 =	vadd.f32 v26, v2;
	v0 =	vadd.f32 v28, v0  }
0x6a: {  	v46 =	vld [tilespmem:s23+$0x180];
	v3 =	vadd.f32 v27, v3;
	v1 =	vadd.f32 v29, v1  }
0x6b: {  	v47 =	vld [tilespmem:s23+$0x190];
	v2 =	vadd.f32 v30, v2;
	v0 =	vadd.f32 v32, v0  }
0x6c: {  	v48 =	vld [tilespmem:s23+$0x1A0];
	v3 =	vadd.f32 v31, v3;
	v1 =	vadd.f32 v33, v1  }
0x6d: {  	v49 =	vld [tilespmem:s23+$0x1B0];
	v2 =	vadd.f32 v34, v2;
	v0 =	vadd.f32 v36, v0  }
0x6e: {  	v50 =	vld [tilespmem:s23+$0x1C0];
	v3 =	vadd.f32 v35, v3;
	v1 =	vadd.f32 v37, v1  }
0x6f: {  	v51 =	vld [tilespmem:s23+$0x1D0];
	v2 =	vadd.f32 v38, v2;
	v0 =	vadd.f32 v40, v0  }
0x70: {  	v28 =	vld [tilespmem:s23+$0x110];
	v3 =	vadd.f32 v39, v3;
	v1 =	vadd.f32 v41, v1  }
0x71: {  	v29 =	vld [tilespmem:s23+$0x120];
	v2 =	vadd.f32 v42, v2;
	v0 =	vadd.f32 v44, v0  }
0x72: {  	v32 =	vld [tilespmem:s23+$0x130];
	v3 =	vadd.f32 v43, v3;
	v1 =	vadd.f32 v52, v1  }
0x73: {  	v33 =	vld [tilespmem:s23+$0x140];
	v2 =	vadd.f32 v53, v2;
	v0 =	vadd.f32 v55, v0  }
0x74: {  	v36 =	vld [tilespmem:s23+$0x150];
	v3 =	vadd.f32 v54, v3;
	v1 =	vadd.f32 v56, v1  }
0x75: {  	v37 =	vld [tilespmem:s23+$0x160];
	v2 =	vadd.f32 v57, v2;
	v0 =	vadd.f32 v59, v0  }
0x76: {  	v52 =	vld [tilespmem:s23+$0x1E0];
	v3 =	vadd.f32 v58, v3;
	v1 =	vadd.f32 v60, v1  }
0x77: {  	v53 =	vld [tilespmem:s23+$0x1F0];
	v2 =	vadd.f32 v61, v2;
	v0 =	vadd.f32 v63, v0  }
0x78: {  	v54 =	vld [tilespmem:s23+$0x200];
	v3 =	vadd.f32 v62, v3;
	v1 =	vadd.f32 v28, v1  }
0x79: {  	v55 =	vld [tilespmem:s23+$0x210];
	v2 =	vadd.f32 v29, v2;
	v0 =	vadd.f32 v33, v0  }
0x7a: {  	v56 =	vld [tilespmem:s23+$0x220];
	v3 =	vadd.f32 v32, v3;
	v1 =	vadd.f32 v36, v1  }
0x7b: {  	v57 =	vld [tilespmem:s23+$0x230];
	v2 =	vadd.f32 v37, v2;
	v0 =	vadd.f32 v46, v0  }
0x7c: {  	v58 =	vld [tilespmem:s23+$0x240];
	v3 =	vadd.f32 v45, v3;
	v1 =	vadd.f32 v47, v1  }
0x7d: {  	v59 =	vld [tilespmem:s23+$0x250];
	v2 =	vadd.f32 v48, v2;
	v0 =	vadd.f32 v50, v0  }
0x7e: {  	v60 =	vld [tilespmem:s23+$0x260];
	v3 =	vadd.f32 v49, v3;
	v1 =	vadd.f32 v51, v1  }
0x7f: {  	v61 =	vld [tilespmem:s23+$0x270];
	v2 =	vadd.f32 v52, v2;
	v0 =	vadd.f32 v54, v0  }
0x80: {  	v3 =	vadd.f32 v53, v3;
	v1 =	vadd.f32 v55, v1  }
0x81: {  	v2 =	vadd.f32 v56, v2;
	v0 =	vadd.f32 v58, v0  }
0x82: {  	v3 =	vadd.f32 v57, v3;
	v1 =	vadd.f32 v59, v1  }
0x83: {  	p0 =	sne.s32 s6, $0x1F00;
	v2 =	vadd.f32 v60, v2;
	v0 =	vmul.f32 $5.000000070e-02, v0  }
.Ltmp0:
0x84: {  	s24 =	sshra.s32 s6, $0x2;
	v3 =	vadd.f32 v61, v3;
	v1 =	vmul.f32 $5.000000070e-02, v1;
	(pc) =	sbr.rel @p0 .LBB2_3-.Ltmp0, $4  }
0x85: {  	v62 =	vmul.f32 $5.000000070e-02, v2;
	[tilespmem:s24+$0x14500] =	vst v0  }
0x86: {  	v63 =	vmul.f32 $5.000000070e-02, v3;
	[tilespmem:s24+$0x14510] =	vst v1  }
0x87: {  	[tilespmem:s24+$0x14520] =	vst v62  }
0x88: {  	s6 =	sadd.s32 $0x100, s6;
	s23 =	sadd.s32 $0x500, s23;
	[tilespmem:s24+$0x14530] =	vst v63  }
0x89: {  	s6 =	sadd.s32 $0x1, s22  }
0x8a: {  	s23 =	smin.u32 s6, $0x1F  }
0x8b: {  	s23 =	sor.u32 s7, s23  }
0x8c: {  	s23 =	smul.u32 $0x500, s23;
	_ =	sdelay $0x1  }
0x8d: {  	s23 =	sshrl.u32 s23, $0x3  }
0x8e: {  	s24 =	simm.s32 $0x0;
	s23 =	sadd.s32 s3, s23  }
0x8f: {  	[tilespmem:s24], [sflag:$0x3] =	stream.linear.gather [hbm4b:s23+s24], $0x280, $0x38;
	[tilespmem:$0x15500] =	vst v63  }
0x90: {  	_ =	swait.ge [sflag:s10], $0x280  }
0x91: {  	[sflag:s10] =	ssyncset.done $0x0  }
0x92: {  	[sflag:s10] =	ssyncadd.s32 $0xFFFFFD80  }
0x93: {  	[tilespmem:s12], [sflag:$0x1] =	stream.indirect.gather [hbm4b:s4+s11], $0x40, s24, s11, $0xb8;
	[tilespmem:$0x15500] =	vst v63  }
0x94: {  	_ = 	snop  }
0x95: {  	[tilespmem:s13], [sflag:$0x1] =	stream.indirect.gather [hbm4b:s4+s11], $0x40, s11, s11, $0xb8;
	[tilespmem:$0x15500] =	vst v63  }
0x96: {  	_ = 	snop  }
0x97: {  	[tilespmem:s15], [sflag:$0x1] =	stream.indirect.gather [hbm4b:s4+s11], $0x40, s14, s11, $0xb8;
	[tilespmem:$0x15500] =	vst v63  }
0x98: {  	_ = 	snop  }
0x99: {  	[tilespmem:s17], [sflag:$0x1] =	stream.indirect.gather [hbm4b:s4+s11], $0x40, s16, s11, $0xb8;
	[tilespmem:$0x15500] =	vst v63  }
0x9a: {  	_ = 	snop  }
0x9b: {  	[tilespmem:s19], [sflag:$0x1] =	stream.indirect.gather [hbm4b:s4+s11], $0x40, s18, s11, $0xb8;
	[tilespmem:$0x15500] =	vst v63  }
0x9c: {  	_ =	swait.ge [sflag:s1], $0xA000  }
0x9d: {  	[sflag:s1] =	ssyncset.done $0x0  }
0x9e: {  	s25 =	simm.s32 $0x14D30;
	[sflag:s1] =	ssyncadd.s32 $0xFFFF6000  }
.LBB2_5:
0x9f: {  	s26 =	sshra.s32 s24, $0x2  }
0xa0: {  	v0 =	vld [tilespmem:s26+$0xA500]  }
0xa1: {  	v1 =	vld [tilespmem:s26+$0xA510]  }
0xa2: {  	v2 =	vld [tilespmem:s26+$0xA520]  }
0xa3: {  	v3 =	vld [tilespmem:s26+$0xA530]  }
0xa4: {  	v4 =	vld [tilespmem:s26+$0xA540]  }
0xa5: {  	v5 =	vld [tilespmem:s26+$0xA550]  }
0xa6: {  	v6 =	vld [tilespmem:s26+$0xA560]  }
0xa7: {  	v7 =	vld [tilespmem:s26+$0xA570]  }
0xa8: {  	v8 =	vld [tilespmem:s26+$0xA580]  }
0xa9: {  	v9 =	vld [tilespmem:s26+$0xA590]  }
0xaa: {  	v10 =	vld [tilespmem:s26+$0xA5A0]  }
0xab: {  	v11 =	vld [tilespmem:s26+$0xA5B0]  }
0xac: {  	v12 =	vld [tilespmem:s26+$0xA5C0]  }
0xad: {  	v13 =	vld [tilespmem:s26+$0xA5D0]  }
0xae: {  	v14 =	vld [tilespmem:s26+$0xA5E0]  }
0xaf: {  	v15 =	vld [tilespmem:s26+$0xA5F0]  }
0xb0: {  	v16 =	vld [tilespmem:s26+$0xA600]  }
0xb1: {  	v17 =	vld [tilespmem:s26+$0xA610]  }
0xb2: {  	v18 =	vld [tilespmem:s26+$0xA620]  }
0xb3: {  	v19 =	vld [tilespmem:s26+$0xA630]  }
0xb4: {  	v20 =	vld [tilespmem:s26+$0xA640]  }
0xb5: {  	v21 =	vld [tilespmem:s26+$0xA650]  }
0xb6: {  	v22 =	vld [tilespmem:s26+$0xA660]  }
0xb7: {  	v23 =	vld [tilespmem:s26+$0xA670]  }
0xb8: {  	v24 =	vld [tilespmem:s26+$0xA680]  }
0xb9: {  	v25 =	vld [tilespmem:s26+$0xA690]  }
0xba: {  	v26 =	vld [tilespmem:s26+$0xA6A0]  }
0xbb: {  	v27 =	vld [tilespmem:s26+$0xA6B0]  }
0xbc: {  	v28 =	vld [tilespmem:s26+$0xA6C0]  }
0xbd: {  	v29 =	vld [tilespmem:s26+$0xA6D0]  }
0xbe: {  	v30 =	vld [tilespmem:s26+$0xA6E0]  }
0xbf: {  	v31 =	vld [tilespmem:s26+$0xA6F0]  }
0xc0: {  	v32 =	vld [tilespmem:s26+$0xA700]  }
0xc1: {  	v33 =	vld [tilespmem:s26+$0xA710]  }
0xc2: {  	v34 =	vld [tilespmem:s26+$0xA720]  }
0xc3: {  	v35 =	vld [tilespmem:s26+$0xA730]  }
0xc4: {  	v36 =	vld [tilespmem:s26+$0xA740]  }
0xc5: {  	v37 =	vld [tilespmem:s26+$0xA750]  }
0xc6: {  	v38 =	vld [tilespmem:s26+$0xA760]  }
0xc7: {  	v39 =	vld [tilespmem:s26+$0xA770]  }
0xc8: {  	v40 =	vld [tilespmem:s26+$0xA780]  }
0xc9: {  	v41 =	vld [tilespmem:s26+$0xA790]  }
0xca: {  	v42 =	vld [tilespmem:s26+$0xA7A0]  }
0xcb: {  	v43 =	vld [tilespmem:s26+$0xA7B0];
	v0 =	vadd.f32 $0.0e+00, v0  }
0xcc: {  	v44 =	vld [tilespmem:s26+$0xA7C0];
	v1 =	vadd.f32 $0.0e+00, v1  }
0xcd: {  	v52 =	vld [tilespmem:s26+$0xA7D0];
	v2 =	vadd.f32 $0.0e+00, v2;
	v0 =	vadd.f32 v4, v0  }
0xce: {  	v53 =	vld [tilespmem:s26+$0xA7E0];
	v3 =	vadd.f32 $0.0e+00, v3;
	v1 =	vadd.f32 v5, v1  }
0xcf: {  	v54 =	vld [tilespmem:s26+$0xA7F0];
	v2 =	vadd.f32 v6, v2;
	v0 =	vadd.f32 v8, v0  }
0xd0: {  	v55 =	vld [tilespmem:s26+$0xA800];
	v3 =	vadd.f32 v7, v3;
	v1 =	vadd.f32 v9, v1  }
0xd1: {  	v56 =	vld [tilespmem:s26+$0xA810];
	v2 =	vadd.f32 v10, v2;
	v0 =	vadd.f32 v12, v0  }
0xd2: {  	v57 =	vld [tilespmem:s26+$0xA820];
	v3 =	vadd.f32 v11, v3;
	v1 =	vadd.f32 v13, v1  }
0xd3: {  	v58 =	vld [tilespmem:s26+$0xA830];
	v2 =	vadd.f32 v14, v2;
	v0 =	vadd.f32 v16, v0  }
0xd4: {  	v59 =	vld [tilespmem:s26+$0xA840];
	v3 =	vadd.f32 v15, v3;
	v1 =	vadd.f32 v17, v1  }
0xd5: {  	v60 =	vld [tilespmem:s26+$0xA850];
	v2 =	vadd.f32 v18, v2;
	v0 =	vadd.f32 v20, v0  }
0xd6: {  	v61 =	vld [tilespmem:s26+$0xA860];
	v3 =	vadd.f32 v19, v3;
	v1 =	vadd.f32 v21, v1  }
0xd7: {  	v62 =	vld [tilespmem:s26+$0xA870];
	v2 =	vadd.f32 v22, v2;
	v0 =	vadd.f32 v24, v0  }
0xd8: {  	v63 =	vld [tilespmem:s26+$0xA880];
	v3 =	vadd.f32 v23, v3;
	v1 =	vadd.f32 v25, v1  }
0xd9: {  	v45 =	vld [tilespmem:s26+$0xA8F0];
	v2 =	vadd.f32 v26, v2;
	v0 =	vadd.f32 v28, v0  }
0xda: {  	v46 =	vld [tilespmem:s26+$0xA900];
	v3 =	vadd.f32 v27, v3;
	v1 =	vadd.f32 v29, v1  }
0xdb: {  	v47 =	vld [tilespmem:s26+$0xA910];
	v2 =	vadd.f32 v30, v2;
	v0 =	vadd.f32 v32, v0  }
0xdc: {  	v48 =	vld [tilespmem:s26+$0xA920];
	v3 =	vadd.f32 v31, v3;
	v1 =	vadd.f32 v33, v1  }
0xdd: {  	v49 =	vld [tilespmem:s26+$0xA930];
	v2 =	vadd.f32 v34, v2;
	v0 =	vadd.f32 v36, v0  }
0xde: {  	v50 =	vld [tilespmem:s26+$0xA940];
	v3 =	vadd.f32 v35, v3;
	v1 =	vadd.f32 v37, v1  }
0xdf: {  	v51 =	vld [tilespmem:s26+$0xA950];
	v2 =	vadd.f32 v38, v2;
	v0 =	vadd.f32 v40, v0  }
0xe0: {  	v28 =	vld [tilespmem:s26+$0xA890];
	v3 =	vadd.f32 v39, v3;
	v1 =	vadd.f32 v41, v1  }
0xe1: {  	v29 =	vld [tilespmem:s26+$0xA8A0];
	v2 =	vadd.f32 v42, v2;
	v0 =	vadd.f32 v44, v0  }
0xe2: {  	v32 =	vld [tilespmem:s26+$0xA8B0];
	v3 =	vadd.f32 v43, v3;
	v1 =	vadd.f32 v52, v1  }
0xe3: {  	v33 =	vld [tilespmem:s26+$0xA8C0];
	v2 =	vadd.f32 v53, v2;
	v0 =	vadd.f32 v55, v0  }
0xe4: {  	v36 =	vld [tilespmem:s26+$0xA8D0];
	v3 =	vadd.f32 v54, v3;
	v1 =	vadd.f32 v56, v1  }
0xe5: {  	v37 =	vld [tilespmem:s26+$0xA8E0];
	v2 =	vadd.f32 v57, v2;
	v0 =	vadd.f32 v59, v0  }
0xe6: {  	v52 =	vld [tilespmem:s26+$0xA960];
	v3 =	vadd.f32 v58, v3;
	v1 =	vadd.f32 v60, v1  }
0xe7: {  	v53 =	vld [tilespmem:s26+$0xA970];
	v2 =	vadd.f32 v61, v2;
	v0 =	vadd.f32 v63, v0  }
0xe8: {  	v54 =	vld [tilespmem:s26+$0xA980];
	v3 =	vadd.f32 v62, v3;
	v1 =	vadd.f32 v28, v1  }
0xe9: {  	v55 =	vld [tilespmem:s26+$0xA990];
	v2 =	vadd.f32 v29, v2;
	v0 =	vadd.f32 v33, v0  }
0xea: {  	v56 =	vld [tilespmem:s26+$0xA9A0];
	v3 =	vadd.f32 v32, v3;
	v1 =	vadd.f32 v36, v1  }
0xeb: {  	v57 =	vld [tilespmem:s26+$0xA9B0];
	v2 =	vadd.f32 v37, v2;
	v0 =	vadd.f32 v46, v0  }
0xec: {  	v58 =	vld [tilespmem:s26+$0xA9C0];
	v3 =	vadd.f32 v45, v3;
	v1 =	vadd.f32 v47, v1  }
0xed: {  	v59 =	vld [tilespmem:s26+$0xA9D0];
	v2 =	vadd.f32 v48, v2;
	v0 =	vadd.f32 v50, v0  }
0xee: {  	v60 =	vld [tilespmem:s26+$0xA9E0];
	v3 =	vadd.f32 v49, v3;
	v1 =	vadd.f32 v51, v1  }
0xef: {  	v61 =	vld [tilespmem:s26+$0xA9F0];
	v2 =	vadd.f32 v52, v2;
	v0 =	vadd.f32 v54, v0  }
0xf0: {  	v3 =	vadd.f32 v53, v3;
	v1 =	vadd.f32 v55, v1  }
0xf1: {  	v2 =	vadd.f32 v56, v2;
	v0 =	vadd.f32 v58, v0  }
0xf2: {  	v3 =	vadd.f32 v57, v3;
	v1 =	vadd.f32 v59, v1  }
0xf3: {  	p0 =	sne.s32 s24, $0x26C00;
	v2 =	vadd.f32 v60, v2;
	v0 =	vmul.f32 $5.000000070e-02, v0  }
.Ltmp1:
0xf4: {  	v3 =	vadd.f32 v61, v3;
	v1 =	vmul.f32 $5.000000070e-02, v1;
	(pc) =	sbr.rel @p0 .LBB2_5-.Ltmp1, $4  }
0xf5: {  	v62 =	vmul.f32 $5.000000070e-02, v2;
	[tilespmem:s25+$0xFFFFFFD0] =	vst v0  }
0xf6: {  	v63 =	vmul.f32 $5.000000070e-02, v3;
	[tilespmem:s25+$0xFFFFFFE0] =	vst v1  }
0xf7: {  	[tilespmem:s25+$0xFFFFFFF0] =	vst v62  }
0xf8: {  	s24 =	sadd.s32 $0x1400, s24;
	[tilespmem:s25+$0x0] =	vst v63;
	s25 =	sadd.s32 $0x40, s25  }
0xf9: {  	s22 =	sadd.s32 s7, s22;
	s23 =	sadd.s32 $0x50, s23  }
0xfa: {  	[tilespmem:s20], [sflag:$0x4] =	stream.linear.gather [hbm4b:s23+s2], $0x280, $0x38;
	[tilespmem:$0x15500] =	vst v63  }
0xfb: {  	p0 =	sne.s32 s6, $0x20;
	s22 =	sshll.u32 s22, $0x9  }
.Ltmp2:
0xfc: {  	s22 =	sadd.s32 s5, s22;
	(pc) =	sbr.rel @p0 .LBB2_2-.Ltmp2, $4  }
0xfd: {  	[hbm4b:s22+s2] =	stream.linear.scatter [tilespmem:s8], [sflag:$0x5], $0x1000, $0x38;
	[tilespmem:$0x15500] =	vst v63  }
0xfe: {  	_ =	swait.ge [sflag:s9], $0x1000  }
0xff: {  	[sflag:s9] =	ssyncset.done $0x0  }
0x100: {  	s22 =	smov.u32 s6;
	[sflag:s9] =	ssyncadd.s32 $0xFFFFF000  }
0x101: {  	_ =	swait.ge [sflag:s0], $0xA000  }
0x102: {  	[sflag:s0] =	ssyncset.done $0x0  }
0x103: {  	[sflag:s0] =	ssyncadd.s32 $0xFFFF6000  }
0x104: {  	_ =	swait.ge [sflag:s21], $0x280  }
0x105: {  	s22 =	rddreg [dreg:$0x5]  }
0x106: {  	s6 =	rddreg [dreg:$0x4];
	s22 =	sadd.s32 $0x1, s22  }
0x107: {  	p0 =	sne.s32 s22, s6  }
.Ltmp3:
0x108: {  	_ = 	snop;
	(pc) =	sbr.rel @p0 .LBB2_1-.Ltmp3, $3  }
0x109: {  	_ =	sdelay $0x1  }
0x10a: {  	[sflag:s21] =	ssyncset.done $0x0  }
0x10b: {  	[sflag:s21] =	ssyncadd.s32 $0xFFFFFD80  }
0x10c: {  	_ =	sfence.sel $0x180000  }
0x10d: {  	[bflag:$0x0] =	sbarrier.arrive $0xFFFF  }
0x10e: {  	_ =	strace $0x90000047  }
0x10f: {  	s0 =	stileid.u32;
	[bflag:$0x2] =	sbarrier.arrive $0xFFFF  }
0x110: {  	p0 =	sne.s32 s0, $0x0;
	s0 =	rddreg [dreg:$0x1]  }
0x111: {  	s0 =	sadd.s32 @!p0 $0x100000, s0  }
0x112: {  	[sflag:s0] =	ssyncadd.tile.s32 @!p0 $0x1;
	_ =	shalt  }
.Lfunc_end2:
_tile_overlayer_lowered:
.L_overlay_start_2:
0x113: {  	(tag) =	ssettag $0x2  }
0x114: {  	s0 =	rddreg [dreg:$0x0];
	s2 =	stileid.u32  }
0x115: {  	s1 =	rddreg [dreg:$0x1];
	p0 =	sne.s32 s2, $0x0  }
0x116: {  	s3 =	rddreg [dreg:$0x2];
	[bflag:$0x3] =	sbarrier.arrive $0xFFFF;
	s2 =	simm.s32 @!p0 $0x1C05  }
0x117: {  	[timem:s3], [sflag:s2] =	dma.local @!p0 [hbm:s0], s1  }
0x118: {  	s0 =	simm.s32 @!p0 $0x5  }
0x119: {  	_ =	swait.ge @!p0 [sflag:s0], s1  }
0x11a: {  	s1 =	ssub.s32 @!p0 $0x0, s1;
	[sflag:s0] =	ssyncset.done @!p0 $0x0  }
0x11b: {  	[sflag:s0] =	ssyncadd.s32 @!p0 s1  }
0x11c: {  	[bflag:$0x3] =	sbarrier.arrive $0xFFFF  }
0x11d: {  	_ =	shalt  }

</sc_bundles>
